<compile_context>
chip_gen: v7x
topology: tpu7x:2x2x1
jax: 0.10.2.dev20260603
libtpu: 0.0.44.dev20260713+nightly
codegen_flags: <defaults>
</compile_context>

<pallas_src>
import functools

import jax
import jax.numpy as jnp
from jax import lax
from jax.experimental import pallas as pl
from jax.experimental.pallas import tpu as pltpu
from jax.experimental.pallas import tpu_sc as plsc

N = 10000
E = 320000
IN_F = 128
HID = 128
EDGE_F = 16

POSW = 16
NP = 10240
EP = 327680
CH = 128
GRP = CH // 16
TILES = 32
EPT = EP // TILES
NCH = EPT // CH
RPT = NP // 16
NA = 10112
RPA = NA // 16
NB = 256
BE = 1024


def _silu(v):
    return v * jax.nn.sigmoid(v)



def _tables_body(x_ref, wr_ref, wc_ref, be1_ref, tr_ref, tc_ref):
    x = x_ref[...]
    tr_ref[...] = (
        jnp.dot(x, wr_ref[...], preferred_element_type=jnp.float32) + be1_ref[...]
    )
    tc_ref[...] = jnp.dot(x, wc_ref[...], preferred_element_type=jnp.float32)


def _build_tables(xp, wr, wc, be1_2d):
    return pl.pallas_call(
        _tables_body,
        grid=(NP // NB,),
        in_specs=[
            pl.BlockSpec((NB, IN_F), lambda i: (i, 0)),
            pl.BlockSpec((IN_F, HID), lambda i: (0, 0)),
            pl.BlockSpec((IN_F, HID), lambda i: (0, 0)),
            pl.BlockSpec((1, HID), lambda i: (0, 0)),
        ],
        out_specs=[
            pl.BlockSpec((NB, HID), lambda i: (i, 0)),
            pl.BlockSpec((NB, HID), lambda i: (i, 0)),
        ],
        out_shape=[jax.ShapeDtypeStruct((NP, HID), jnp.float32)] * 2,
    )(xp, wr, wc, be1_2d)



@functools.cache
def _gather_kernel():
    mesh = plsc.VectorSubcoreMesh(core_axis_name="c", subcore_axis_name="s")

    @functools.partial(
        pl.kernel,
        out_type=[
            jax.ShapeDtypeStruct((EP, HID), jnp.float32),
            jax.ShapeDtypeStruct((EP, HID), jnp.float32),
            jax.ShapeDtypeStruct((EP, POSW), jnp.float32),
        ],
        mesh=mesh,
        compiler_params=pltpu.CompilerParams(needs_layout_passes=False),
        scratch_types=[
            pltpu.VMEM((CH,), jnp.int32),
            pltpu.VMEM((CH,), jnp.int32),
            pltpu.VMEM((CH, HID), jnp.float32),
            pltpu.VMEM((CH, HID), jnp.float32),
            pltpu.VMEM((CH, POSW), jnp.float32),
            pltpu.VMEM((NP,), jnp.float32),
            pltpu.VMEM((NP,), jnp.float32),
            pltpu.VMEM((NP,), jnp.float32),
            pltpu.SemaphoreType.DMA,
            pltpu.SemaphoreType.DMA,
        ],
    )
    def _gather_k(tr_hbm, tc_hbm, px_hbm, py_hbm, pz_hbm, row_hbm, col_hbm,
                  xr_hbm, xc_hbm, rd_hbm,
                  idx_r, idx_c, buf_r, buf_c, rdbuf, pxv, pyv, pzv,
                  sem_r, sem_c):
        c = lax.axis_index("c")
        s = lax.axis_index("s")
        base = (s * 2 + c) * EPT

        pltpu.sync_copy(px_hbm, pxv)
        pltpu.sync_copy(py_hbm, pyv)
        pltpu.sync_copy(pz_hbm, pzv)

        def clr(i, carry):
            rdbuf[i, :] = jnp.zeros((POSW,), jnp.float32)
            return carry
        lax.fori_loop(0, CH, clr, 0)

        def body(j, carry):
            ofs = base + j * CH
            pltpu.sync_copy(row_hbm.at[pl.ds(ofs, CH)], idx_r)
            pltpu.sync_copy(col_hbm.at[pl.ds(ofs, CH)], idx_c)
            cp_r = pltpu.async_copy(tr_hbm.at[idx_r], buf_r, sem_r)
            cp_c = pltpu.async_copy(tc_hbm.at[idx_c], buf_c, sem_c)
            for g in range(GRP):
                ivr = idx_r[pl.ds(g * 16, 16)]
                ivc = idx_c[pl.ds(g * 16, 16)]
                rx = plsc.load_gather(pxv, [ivr]) - plsc.load_gather(pxv, [ivc])
                ry = plsc.load_gather(pyv, [ivr]) - plsc.load_gather(pyv, [ivc])
                rz = plsc.load_gather(pzv, [ivr]) - plsc.load_gather(pzv, [ivc])
                dij = rx * rx + ry * ry + rz * rz
                rows = lax.iota(jnp.int32, 16) + (g * 16)
                plsc.store_scatter(rdbuf, [rows, jnp.full((16,), 0, jnp.int32)], rx)
                plsc.store_scatter(rdbuf, [rows, jnp.full((16,), 1, jnp.int32)], ry)
                plsc.store_scatter(rdbuf, [rows, jnp.full((16,), 2, jnp.int32)], rz)
                plsc.store_scatter(rdbuf, [rows, jnp.full((16,), 3, jnp.int32)], dij)
            cp_r.wait()
            cp_c.wait()
            pltpu.sync_copy(buf_r, xr_hbm.at[pl.ds(ofs, CH)])
            pltpu.sync_copy(buf_c, xc_hbm.at[pl.ds(ofs, CH)])
            pltpu.sync_copy(rdbuf, rd_hbm.at[pl.ds(ofs, CH)])
            return carry

        lax.fori_loop(0, NCH, body, 0)

    return _gather_k



def _edge_body(xr_ref, xc_ref, rd_ref, ea_ref, we2_ref, we1e_ref, sw_ref,
               m_ref, tr_ref):
    rd = rd_ref[...]
    dij = rd[:, 3:4]
    wd = sw_ref[0:1, :]
    be2 = sw_ref[1:2, :]
    wc_row = sw_ref[2:3, :]
    bc = sw_ref[3:4, 0:1]
    h1 = xr_ref[...] + xc_ref[...] + dij * wd + jnp.dot(
        ea_ref[...], we1e_ref[...], preferred_element_type=jnp.float32)
    h1 = _silu(h1)
    m = jnp.dot(h1, we2_ref[...], preferred_element_type=jnp.float32) + be2
    m = _silu(m)
    wij = _silu(jnp.sum(m * wc_row, axis=1, keepdims=True) + bc)
    lane = lax.broadcasted_iota(jnp.int32, rd.shape, 1)
    ridx = (lax.broadcasted_iota(jnp.int32, (m.shape[0], 1), 0)
            + pl.program_id(0) * BE)
    valid = ridx < E
    m_ref[...] = jnp.where(valid, m, 0.0)
    tr_ref[...] = jnp.where(valid & (lane < 3), rd * wij, 0.0)


def _edge_mlp(xr, xc, rd, eap, we2, we1e, sw):
    return pl.pallas_call(
        _edge_body,
        grid=(EP // BE,),
        in_specs=[
            pl.BlockSpec((BE, HID), lambda i: (i, 0)),
            pl.BlockSpec((BE, HID), lambda i: (i, 0)),
            pl.BlockSpec((BE, POSW), lambda i: (i, 0)),
            pl.BlockSpec((BE, EDGE_F), lambda i: (i, 0)),
            pl.BlockSpec((HID, HID), lambda i: (0, 0)),
            pl.BlockSpec((EDGE_F, HID), lambda i: (0, 0)),
            pl.BlockSpec((8, HID), lambda i: (0, 0)),
        ],
        out_specs=[
            pl.BlockSpec((BE, HID), lambda i: (i, 0)),
            pl.BlockSpec((BE, POSW), lambda i: (i, 0)),
        ],
        out_shape=[
            jax.ShapeDtypeStruct((EP, HID), jnp.float32),
            jax.ShapeDtypeStruct((EP, POSW), jnp.float32),
        ],
    )(xr, xc, rd, eap, we2, we1e, sw)



@functools.cache
def _scatter_kernel():
    mesh = plsc.VectorSubcoreMesh(core_axis_name="c", subcore_axis_name="s")

    @functools.partial(
        pl.kernel,
        out_type=[jax.ShapeDtypeStruct((2 * NP, HID), jnp.float32)],
        mesh=mesh,
        compiler_params=pltpu.CompilerParams(needs_layout_passes=False),
        scratch_types=[
            pltpu.VMEM((CH,), jnp.int32),
            pltpu.VMEM((CH, HID), jnp.float32),
            pltpu.VMEM_SHARED((NA, HID), jnp.float32),
        ],
    )
    def _scatter_k(m_hbm, row_hbm, zg_hbm, agg_hbm, idx, mbuf, acc_g):
        c = lax.axis_index("c")
        s = lax.axis_index("s")
        r0 = s * RPA

        def zinit(k, carry):
            rr = r0 + k * CH
            pltpu.sync_copy(zg_hbm.at[pl.ds(rr, CH)], mbuf)
            pltpu.sync_copy(mbuf, acc_g.at[pl.ds(rr, CH)])
            return carry

        lax.fori_loop(0, 4, zinit, 0)
        rt = r0 + 4 * CH
        pltpu.sync_copy(zg_hbm.at[pl.ds(rt, RPA - 4 * CH)],
                        mbuf.at[pl.ds(0, RPA - 4 * CH)])
        pltpu.sync_copy(mbuf.at[pl.ds(0, RPA - 4 * CH)],
                        acc_g.at[pl.ds(rt, RPA - 4 * CH)])
        plsc.subcore_barrier()
        base = c * (EP // 2) + s * EPT

        def body(j, carry):
            ofs = base + j * CH
            pltpu.sync_copy(row_hbm.at[pl.ds(ofs, CH)], idx)
            pltpu.sync_copy(m_hbm.at[pl.ds(ofs, CH)], mbuf)
            pltpu.sync_copy(mbuf, acc_g.at[idx], add=True)
            return carry

        lax.fori_loop(0, NCH, body, 0)
        plsc.subcore_barrier()

        def wout(k, carry):
            rr = r0 + k * CH
            pltpu.sync_copy(acc_g.at[pl.ds(rr, CH)], mbuf)
            pltpu.sync_copy(mbuf, agg_hbm.at[pl.ds(c * NP + rr, CH)])
            return carry

        lax.fori_loop(0, 4, wout, 0)
        rt2 = r0 + 4 * CH
        pltpu.sync_copy(acc_g.at[pl.ds(rt2, RPA - 4 * CH)],
                        mbuf.at[pl.ds(0, RPA - 4 * CH)])
        pltpu.sync_copy(mbuf.at[pl.ds(0, RPA - 4 * CH)],
                        agg_hbm.at[pl.ds(c * NP + rt2, RPA - 4 * CH)])

        @pl.when(s == 0)
        def _tail():
            pltpu.sync_copy(zg_hbm.at[pl.ds(0, NP - NA)], mbuf)
            pltpu.sync_copy(mbuf, agg_hbm.at[pl.ds(c * NP + NA, NP - NA)])

    return _scatter_k


NDW = NP // 8
NRW = NDW // 16


@functools.cache
def _delta_kernel():
    mesh = plsc.VectorSubcoreMesh(core_axis_name="c", subcore_axis_name="s")

    @functools.partial(
        pl.kernel,
        out_type=[jax.ShapeDtypeStruct((2 * NDW, HID), jnp.float32)],
        mesh=mesh,
        compiler_params=pltpu.CompilerParams(needs_layout_passes=False),
        scratch_types=[
            pltpu.VMEM((CH,), jnp.int32),
            pltpu.VMEM((CH,), jnp.int32),
            pltpu.VMEM((CH, POSW), jnp.float32),
            pltpu.VMEM((CH, HID), jnp.float32),
            pltpu.VMEM((NRW, HID), jnp.float32),
            pltpu.VMEM_SHARED((NDW, HID), jnp.float32),
        ],
    )
    def _delta_k(trn_hbm, row_hbm, zg_hbm, dlw_hbm,
                 idx, idx8, tbuf, tbufw, wbuf, acc_dw):
        c = lax.axis_index("c")
        s = lax.axis_index("s")
        rw0 = s * NRW

        def zwide(i, carry):
            for t in range(8):
                tbufw[i, pl.ds(t * 16, 16)] = jnp.zeros((16,), jnp.float32)
            return carry

        lax.fori_loop(0, CH, zwide, 0)
        pltpu.sync_copy(zg_hbm.at[pl.ds(0, NRW)], wbuf)
        pltpu.sync_copy(wbuf, acc_dw.at[pl.ds(rw0, NRW)])
        plsc.subcore_barrier()
        base = c * (EP // 2) + s * EPT

        def body(j, carry):
            ofs = base + j * CH
            pltpu.sync_copy(row_hbm.at[pl.ds(ofs, CH)], idx)
            pltpu.sync_copy(trn_hbm.at[pl.ds(ofs, CH)], tbuf)
            for g in range(GRP):
                il = lax.iota(jnp.int32, 16) + (g * 16)
                iv = idx[pl.ds(g * 16, 16)]
                lb = (iv & 7) * 16
                idx8[pl.ds(g * 16, 16)] = lax.shift_right_logical(iv, 3)
                tx = plsc.load_gather(tbuf, [il, jnp.full((16,), 0, jnp.int32)])
                ty = plsc.load_gather(tbuf, [il, jnp.full((16,), 1, jnp.int32)])
                tz = plsc.load_gather(tbuf, [il, jnp.full((16,), 2, jnp.int32)])
                plsc.store_scatter(tbufw, [il, lb], tx)
                plsc.store_scatter(tbufw, [il, lb + 1], ty)
                plsc.store_scatter(tbufw, [il, lb + 2], tz)
            pltpu.sync_copy(tbufw, acc_dw.at[idx8], add=True)
            zero16 = jnp.zeros((16,), jnp.float32)
            for g in range(GRP):
                il = lax.iota(jnp.int32, 16) + (g * 16)
                lb = (idx[pl.ds(g * 16, 16)] & 7) * 16
                plsc.store_scatter(tbufw, [il, lb], zero16)
                plsc.store_scatter(tbufw, [il, lb + 1], zero16)
                plsc.store_scatter(tbufw, [il, lb + 2], zero16)
            return carry

        lax.fori_loop(0, NCH, body, 0)
        plsc.subcore_barrier()
        pltpu.sync_copy(acc_dw.at[pl.ds(rw0, NRW)], wbuf)
        pltpu.sync_copy(wbuf, dlw_hbm.at[pl.ds(c * NDW + rw0, NRW)])

    return _delta_k



def _node_body(x_ref, pos_ref, agg_ref, dl_ref, wn1x_ref, wn1a_ref, wn2_ref,
               b_ref, xn_ref, pn_ref):
    x = x_ref[...]
    agg = agg_ref[0] + agg_ref[1]
    bn1 = b_ref[0:1, :]
    bn2 = b_ref[1:2, :]
    h2 = (jnp.dot(x, wn1x_ref[...], preferred_element_type=jnp.float32)
          + jnp.dot(agg, wn1a_ref[...], preferred_element_type=jnp.float32)
          + bn1)
    h2 = _silu(h2)
    xn_ref[...] = jnp.dot(h2, wn2_ref[...], preferred_element_type=jnp.float32) + bn2
    pn_ref[...] = pos_ref[...] + 0.01 * (dl_ref[0] + dl_ref[1])


def _node_mlp(xp, pos16, aggp, dlp, wn1x, wn1a, wn2, b2):
    return pl.pallas_call(
        _node_body,
        grid=(NP // NB,),
        in_specs=[
            pl.BlockSpec((NB, IN_F), lambda i: (i, 0)),
            pl.BlockSpec((NB, POSW), lambda i: (i, 0)),
            pl.BlockSpec((2, NB, HID), lambda i: (0, i, 0)),
            pl.BlockSpec((2, NB, POSW), lambda i: (0, i, 0)),
            pl.BlockSpec((IN_F, HID), lambda i: (0, 0)),
            pl.BlockSpec((HID, HID), lambda i: (0, 0)),
            pl.BlockSpec((HID, IN_F), lambda i: (0, 0)),
            pl.BlockSpec((8, HID), lambda i: (0, 0)),
        ],
        out_specs=[
            pl.BlockSpec((NB, IN_F), lambda i: (i, 0)),
            pl.BlockSpec((NB, POSW), lambda i: (i, 0)),
        ],
        out_shape=[
            jax.ShapeDtypeStruct((NP, IN_F), jnp.float32),
            jax.ShapeDtypeStruct((NP, POSW), jnp.float32),
        ],
    )(xp, pos16, aggp, dlp, wn1x, wn1a, wn2, b2)



def kernel(x, pos, edge_index, edge_attr, We1, be1, We2, be2,
           Wn1, bn1, Wn2, bn2, Wc, bc):
    f32 = jnp.float32
    ei = edge_index.astype(jnp.int32)
    pad_idx = jnp.zeros((EP - E,), jnp.int32)
    row = jnp.concatenate([ei[0], pad_idx])
    col = jnp.concatenate([ei[1], pad_idx])
    xp = jnp.pad(x, ((0, NP - N), (0, 0)))
    posp = jnp.pad(pos, ((0, NP - N), (0, 0)))
    px, py, pz = posp[:, 0], posp[:, 1], posp[:, 2]
    pos16 = jnp.pad(posp, ((0, 0), (0, POSW - 3)))
    eap = jnp.pad(edge_attr, ((0, EP - E), (0, 0)))

    wr = We1[:IN_F]
    wc = We1[IN_F:2 * IN_F]
    sw = (jnp.zeros((8, HID), f32)
          .at[0].set(We1[2 * IN_F])
          .at[1].set(be2)
          .at[2].set(Wc[:, 0])
          .at[3].set(jnp.full((HID,), bc[0], f32)))
    we1e = We1[2 * IN_F + 1:]
    b2 = jnp.zeros((8, HID), f32).at[0].set(bn1).at[1].set(bn2)
    zg = jnp.zeros((NP, HID), f32)

    t_r, t_c = _build_tables(xp, wr, wc, be1.reshape(1, HID))
    xr, xc_g, rd = _gather_kernel()(t_r, t_c, px, py, pz, row, col)
    m, trn = _edge_mlp(xr, xc_g, rd, eap, We2, we1e, sw)
    (aggp,) = _scatter_kernel()(m, row, zg)
    (dlw,) = _delta_kernel()(trn, row, zg)
    aggp = aggp.reshape(2, NP, HID)
    dlp = dlw.reshape(2, NP, POSW)
    xn, pn = _node_mlp(xp, pos16, aggp, dlp, Wn1[:IN_F], Wn1[IN_F:], Wn2, b2)
    return (xn[:N], pn[:N, :3])

# --- scband reference (transcript-rebuilt; emitter-appended) ---
"""Pipeline reference for scband-egnnlayer-38938173506036 (READ-ONLY COPY).

The authoritative reference and input builder live on the scoring server;
editing this copy changes nothing except your own understanding.
"""

import jax, jax.numpy as jnp
import numpy as np

IN_F = 128
HID = 128
EDGE_F = 16
N = 10000
E = 320000

def setup_inputs(seed: int = 0) -> dict:
    key = jax.random.key(seed)
    ks = jax.random.split(key, 16)
    x = jax.random.normal(ks[0], (N, IN_F), dtype=jnp.float32)
    pos = jax.random.normal(ks[1], (N, 3), dtype=jnp.float32)
    edge_index = jax.random.randint(ks[2], (2, E), 0, N, dtype=jnp.int64)
    edge_attr = jax.random.normal(ks[3], (E, EDGE_F), dtype=jnp.float32)
    d_ein = IN_F * 2 + 1 + EDGE_F
    We1 = jax.random.normal(ks[4], (d_ein, HID), dtype=jnp.float32) * 0.05
    be1 = jnp.zeros((HID,), dtype=jnp.float32)
    We2 = jax.random.normal(ks[5], (HID, HID), dtype=jnp.float32) * 0.05
    be2 = jnp.zeros((HID,), dtype=jnp.float32)
    Wn1 = jax.random.normal(ks[6], (IN_F + HID, HID), dtype=jnp.float32) * 0.05
    bn1 = jnp.zeros((HID,), dtype=jnp.float32)
    Wn2 = jax.random.normal(ks[7], (HID, IN_F), dtype=jnp.float32) * 0.05
    bn2 = jnp.zeros((IN_F,), dtype=jnp.float32)
    Wc = jax.random.normal(ks[8], (HID, 1), dtype=jnp.float32) * 0.05
    bc = jnp.zeros((1,), dtype=jnp.float32)
    return {"x": x, "pos": pos, "edge_index": edge_index, "edge_attr": edge_attr,
            "We1": We1, "be1": be1, "We2": We2, "be2": be2,
            "Wn1": Wn1, "bn1": bn1, "Wn2": Wn2, "bn2": bn2,
            "Wc": Wc, "bc": bc}

def reference(x, pos, edge_index, edge_attr, We1, be1, We2, be2, Wn1, bn1, Wn2, bn2, Wc, bc):
    row = edge_index[0]
    col = edge_index[1]
    rij = pos[row] - pos[col]
    dij = jnp.sum(rij ** 2, axis=-1, keepdims=True)
    edge_input = jnp.concatenate([x[row], x[col], dij, edge_attr], axis=-1)
    h = jax.nn.silu(edge_input @ We1 + be1)
    m_ij = jax.nn.silu(h @ We2 + be2)
    agg = jnp.zeros_like(x).at[row].add(m_ij)
    h2 = jax.nn.silu(jnp.concatenate([x, agg], axis=-1) @ Wn1 + bn1)
    x_new = h2 @ Wn2 + bn2
    w_ij = jax.nn.silu(m_ij @ Wc + bc)
    trans = rij * w_ij
    delta = jnp.zeros_like(pos).at[row].add(trans)
    pos_new = pos + 0.01 * delta
    return (x_new, pos_new)

if __name__ == "__main__":
    import jax
    _d = setup_inputs()
    print(jax.jit(kernel)(*tuple(_d.values())))

</pallas_src>

<mosaic_0001>
#map = affine_map<(d0, d1) -> (0, 0)>
#map1 = affine_map<(d0, d1) -> (0)>
module attributes {stable_mosaic.version = 14 : i64} {
  func.func @_scatter_k(%arg0: i32, %arg1: i32, %arg2: memref<327680x128xf32, #tpu.memory_space<hbm>>, %arg3: memref<327680xi32, #tpu.memory_space<hbm>>, %arg4: memref<10240x128xf32, #tpu.memory_space<hbm>>, %arg5: memref<20480x128xf32, #tpu.memory_space<hbm>>, %arg6: memref<128xi32, #tpu.memory_space<vmem>>, %arg7: memref<128x128xf32, #tpu.memory_space<vmem>>, %arg8: memref<10112x128xf32, #tpu.memory_space<vmem_shared>>) attributes {dimension_semantics = [#tpu.dimension_semantics<core_parallel>, #tpu.dimension_semantics<subcore_parallel>], iteration_bounds = array<i64: 2, 16>, scalar_prefetch = 0 : i64, scratch_operands = 3 : i64, tpu.core_type = #tpu.core_type<sc_vector_subcore>, window_params = [{transform_indices = #map}, {transform_indices = #map1}, {transform_indices = #map}, {transform_indices = #map}]} {
    %mul3A = arith.constant 632 : i32
    %mul3A_0 = arith.muli %arg1, %mul3A : i32
    %scan3A = arith.constant 0 : i32
    %scan3A_1 = arith.constant 0 : i32
    %scan3A_2 = arith.constant 4 : i32
    %scan3A_3 = arith.addi %scan3A_1, %scan3A_2 : i32
    %scan3A_4 = arith.constant 1 : i32
    scf.for %scan3A_32 = %scan3A_1 to %scan3A_3 step %scan3A_4  : i32 {
      %mul3A_33 = arith.constant 128 : i32
      %mul3A_34 = arith.muli %scan3A_32, %mul3A_33 : i32
      %add3A_35 = arith.addi %mul3A_0, %mul3A_34 : i32
      "tpu.region"() ({
        %run_scoped3A = tpu.sem_alloc : memref<!tpu.dma_semaphore, #tpu.memory_space<semaphore_mem>>
        %dma_start3A = arith.constant 0 : i32
        %dma_start3A_36 = tpu.memref_slice %arg4[%add3A_35, %dma_start3A] : memref<10240x128xf32, #tpu.memory_space<hbm>> -> memref<128x128xf32, #tpu.memory_space<hbm>>
        %dma_start3A_37 = arith.constant 0 : i32
        %dma_start3A_38 = tpu.memref_slice %arg4[%add3A_35, %dma_start3A_37] : memref<10240x128xf32, #tpu.memory_space<hbm>> -> memref<128x128xf32, #tpu.memory_space<hbm>>
        tpu.enqueue_dma source(%dma_start3A_38 : memref<128x128xf32, #tpu.memory_space<hbm>>) target(%arg7 : memref<128x128xf32, #tpu.memory_space<vmem>>) target_semaphore(%run_scoped3A : memref<!tpu.dma_semaphore, #tpu.memory_space<semaphore_mem>>)
        %dma_wait3A = arith.constant 0 : i32
        %dma_wait3A_39 = tpu.memref_slice %arg4[%add3A_35, %dma_wait3A] : memref<10240x128xf32, #tpu.memory_space<hbm>> -> memref<128x128xf32, #tpu.memory_space<hbm>>
        %dma_wait3A_40 = arith.constant 0 : i32
        %dma_wait3A_41 = tpu.memref_slice %arg4[%add3A_35, %dma_wait3A_40] : memref<10240x128xf32, #tpu.memory_space<hbm>> -> memref<128x128xf32, #tpu.memory_space<hbm>>
        tpu.wait_dma2 semaphore(%run_scoped3A : memref<!tpu.dma_semaphore, #tpu.memory_space<semaphore_mem>>) src(%dma_wait3A_41 : memref<128x128xf32, #tpu.memory_space<hbm>>) dst(%arg7 : memref<128x128xf32, #tpu.memory_space<vmem>>)
        tpu.yield
      }) : () -> ()
      "tpu.region"() ({
        %run_scoped3A = tpu.sem_alloc : memref<!tpu.dma_semaphore, #tpu.memory_space<semaphore_mem>>
        %dma_start3A = arith.constant 0 : i32
        %dma_start3A_36 = tpu.memref_slice %arg8[%add3A_35, %dma_start3A] : memref<10112x128xf32, #tpu.memory_space<vmem_shared>> -> memref<128x128xf32, #tpu.memory_space<vmem_shared>>
        %dma_start3A_37 = arith.constant 0 : i32
        %dma_start3A_38 = tpu.memref_slice %arg8[%add3A_35, %dma_start3A_37] : memref<10112x128xf32, #tpu.memory_space<vmem_shared>> -> memref<128x128xf32, #tpu.memory_space<vmem_shared>>
        tpu.enqueue_dma source(%arg7 : memref<128x128xf32, #tpu.memory_space<vmem>>) target(%dma_start3A_38 : memref<128x128xf32, #tpu.memory_space<vmem_shared>>) target_semaphore(%run_scoped3A : memref<!tpu.dma_semaphore, #tpu.memory_space<semaphore_mem>>)
        %dma_wait3A = arith.constant 0 : i32
        %dma_wait3A_39 = tpu.memref_slice %arg8[%add3A_35, %dma_wait3A] : memref<10112x128xf32, #tpu.memory_space<vmem_shared>> -> memref<128x128xf32, #tpu.memory_space<vmem_shared>>
        %dma_wait3A_40 = arith.constant 0 : i32
        %dma_wait3A_41 = tpu.memref_slice %arg8[%add3A_35, %dma_wait3A_40] : memref<10112x128xf32, #tpu.memory_space<vmem_shared>> -> memref<128x128xf32, #tpu.memory_space<vmem_shared>>
        tpu.wait_dma2 semaphore(%run_scoped3A : memref<!tpu.dma_semaphore, #tpu.memory_space<semaphore_mem>>) src(%arg7 : memref<128x128xf32, #tpu.memory_space<vmem>>) dst(%dma_wait3A_41 : memref<128x128xf32, #tpu.memory_space<vmem_shared>>)
        tpu.yield
      }) : () -> ()
    }
    %scan3A_5 = arith.constant 4 : i32
    %add3A = arith.constant 512 : i32
    %add3A_6 = arith.addi %mul3A_0, %add3A : i32
    "tpu.region"() ({
      %run_scoped3A = tpu.sem_alloc : memref<!tpu.dma_semaphore, #tpu.memory_space<semaphore_mem>>
      %dma_start3A = arith.constant 0 : i32
      %dma_start3A_32 = arith.constant 0 : i32
      %dma_start3A_33 = tpu.memref_slice %arg7[%dma_start3A, %dma_start3A_32] : memref<128x128xf32, #tpu.memory_space<vmem>> -> memref<120x128xf32, #tpu.memory_space<vmem>>
      %dma_start3A_34 = arith.constant 0 : i32
      %dma_start3A_35 = tpu.memref_slice %arg4[%add3A_6, %dma_start3A_34] : memref<10240x128xf32, #tpu.memory_space<hbm>> -> memref<120x128xf32, #tpu.memory_space<hbm>>
      %dma_start3A_36 = arith.constant 0 : i32
      %dma_start3A_37 = arith.constant 0 : i32
      %dma_start3A_38 = tpu.memref_slice %arg7[%dma_start3A_36, %dma_start3A_37] : memref<128x128xf32, #tpu.memory_space<vmem>> -> memref<120x128xf32, #tpu.memory_space<vmem>>
      %dma_start3A_39 = arith.constant 0 : i32
      %dma_start3A_40 = tpu.memref_slice %arg4[%add3A_6, %dma_start3A_39] : memref<10240x128xf32, #tpu.memory_space<hbm>> -> memref<120x128xf32, #tpu.memory_space<hbm>>
      tpu.enqueue_dma source(%dma_start3A_40 : memref<120x128xf32, #tpu.memory_space<hbm>>) target(%dma_start3A_38 : memref<120x128xf32, #tpu.memory_space<vmem>>) target_semaphore(%run_scoped3A : memref<!tpu.dma_semaphore, #tpu.memory_space<semaphore_mem>>)
      %dma_wait3A = arith.constant 0 : i32
      %dma_wait3A_41 = arith.constant 0 : i32
      %dma_wait3A_42 = tpu.memref_slice %arg7[%dma_wait3A, %dma_wait3A_41] : memref<128x128xf32, #tpu.memory_space<vmem>> -> memref<120x128xf32, #tpu.memory_space<vmem>>
      %dma_wait3A_43 = arith.constant 0 : i32
      %dma_wait3A_44 = tpu.memref_slice %arg4[%add3A_6, %dma_wait3A_43] : memref<10240x128xf32, #tpu.memory_space<hbm>> -> memref<120x128xf32, #tpu.memory_space<hbm>>
      %dma_wait3A_45 = arith.constant 0 : i32
      %dma_wait3A_46 = arith.constant 0 : i32
      %dma_wait3A_47 = tpu.memref_slice %arg7[%dma_wait3A_45, %dma_wait3A_46] : memref<128x128xf32, #tpu.memory_space<vmem>> -> memref<120x128xf32, #tpu.memory_space<vmem>>
      %dma_wait3A_48 = arith.constant 0 : i32
      %dma_wait3A_49 = tpu.memref_slice %arg4[%add3A_6, %dma_wait3A_48] : memref<10240x128xf32, #tpu.memory_space<hbm>> -> memref<120x128xf32, #tpu.memory_space<hbm>>
      tpu.wait_dma2 semaphore(%run_scoped3A : memref<!tpu.dma_semaphore, #tpu.memory_space<semaphore_mem>>) src(%dma_wait3A_49 : memref<120x128xf32, #tpu.memory_space<hbm>>) dst(%dma_wait3A_47 : memref<120x128xf32, #tpu.memory_space<vmem>>)
      tpu.yield
    }) : () -> ()
    "tpu.region"() ({
      %run_scoped3A = tpu.sem_alloc : memref<!tpu.dma_semaphore, #tpu.memory_space<semaphore_mem>>
      %dma_start3A = arith.constant 0 : i32
      %dma_start3A_32 = arith.constant 0 : i32
      %dma_start3A_33 = tpu.memref_slice %arg7[%dma_start3A, %dma_start3A_32] : memref<128x128xf32, #tpu.memory_space<vmem>> -> memref<120x128xf32, #tpu.memory_space<vmem>>
      %dma_start3A_34 = arith.constant 0 : i32
      %dma_start3A_35 = tpu.memref_slice %arg8[%add3A_6, %dma_start3A_34] : memref<10112x128xf32, #tpu.memory_space<vmem_shared>> -> memref<120x128xf32, #tpu.memory_space<vmem_shared>>
      %dma_start3A_36 = arith.constant 0 : i32
      %dma_start3A_37 = tpu.memref_slice %arg8[%add3A_6, %dma_start3A_36] : memref<10112x128xf32, #tpu.memory_space<vmem_shared>> -> memref<120x128xf32, #tpu.memory_space<vmem_shared>>
      %dma_start3A_38 = arith.constant 0 : i32
      %dma_start3A_39 = arith.constant 0 : i32
      %dma_start3A_40 = tpu.memref_slice %arg7[%dma_start3A_38, %dma_start3A_39] : memref<128x128xf32, #tpu.memory_space<vmem>> -> memref<120x128xf32, #tpu.memory_space<vmem>>
      tpu.enqueue_dma source(%dma_start3A_40 : memref<120x128xf32, #tpu.memory_space<vmem>>) target(%dma_start3A_37 : memref<120x128xf32, #tpu.memory_space<vmem_shared>>) target_semaphore(%run_scoped3A : memref<!tpu.dma_semaphore, #tpu.memory_space<semaphore_mem>>)
      %dma_wait3A = arith.constant 0 : i32
      %dma_wait3A_41 = arith.constant 0 : i32
      %dma_wait3A_42 = tpu.memref_slice %arg7[%dma_wait3A, %dma_wait3A_41] : memref<128x128xf32, #tpu.memory_space<vmem>> -> memref<120x128xf32, #tpu.memory_space<vmem>>
      %dma_wait3A_43 = arith.constant 0 : i32
      %dma_wait3A_44 = tpu.memref_slice %arg8[%add3A_6, %dma_wait3A_43] : memref<10112x128xf32, #tpu.memory_space<vmem_shared>> -> memref<120x128xf32, #tpu.memory_space<vmem_shared>>
      %dma_wait3A_45 = arith.constant 0 : i32
      %dma_wait3A_46 = tpu.memref_slice %arg8[%add3A_6, %dma_wait3A_45] : memref<10112x128xf32, #tpu.memory_space<vmem_shared>> -> memref<120x128xf32, #tpu.memory_space<vmem_shared>>
      %dma_wait3A_47 = arith.constant 0 : i32
      %dma_wait3A_48 = arith.constant 0 : i32
      %dma_wait3A_49 = tpu.memref_slice %arg7[%dma_wait3A_47, %dma_wait3A_48] : memref<128x128xf32, #tpu.memory_space<vmem>> -> memref<120x128xf32, #tpu.memory_space<vmem>>
      tpu.wait_dma2 semaphore(%run_scoped3A : memref<!tpu.dma_semaphore, #tpu.memory_space<semaphore_mem>>) src(%dma_wait3A_49 : memref<120x128xf32, #tpu.memory_space<vmem>>) dst(%dma_wait3A_46 : memref<120x128xf32, #tpu.memory_space<vmem_shared>>)
      tpu.yield
    }) : () -> ()
    %barrier3A = arith.constant 0 : index
    tpu.barrier barrier_id(%barrier3A)
    %mul3A_7 = arith.constant 163840 : i32
    %mul3A_8 = arith.muli %arg0, %mul3A_7 : i32
    %mul3A_9 = arith.constant 10240 : i32
    %mul3A_10 = arith.muli %arg1, %mul3A_9 : i32
    %add3A_11 = arith.addi %mul3A_8, %mul3A_10 : i32
    %scan3A_12 = arith.constant 0 : i32
    %scan3A_13 = arith.constant 0 : i32
    %scan3A_14 = arith.constant 80 : i32
    %scan3A_15 = arith.addi %scan3A_13, %scan3A_14 : i32
    %scan3A_16 = arith.constant 1 : i32
    scf.for %scan3A_32 = %scan3A_13 to %scan3A_15 step %scan3A_16  : i32 {
      %mul3A_33 = arith.constant 128 : i32
      %mul3A_34 = arith.muli %scan3A_32, %mul3A_33 : i32
      %add3A_35 = arith.addi %add3A_11, %mul3A_34 : i32
      "tpu.region"() ({
        %run_scoped3A = tpu.sem_alloc : memref<!tpu.dma_semaphore, #tpu.memory_space<semaphore_mem>>
        %dma_start3A = tpu.memref_slice %arg3[%add3A_35] : memref<327680xi32, #tpu.memory_space<hbm>> -> memref<128xi32, #tpu.memory_space<hbm>>
        %dma_start3A_36 = tpu.memref_slice %arg3[%add3A_35] : memref<327680xi32, #tpu.memory_space<hbm>> -> memref<128xi32, #tpu.memory_space<hbm>>
        tpu.enqueue_dma source(%dma_start3A_36 : memref<128xi32, #tpu.memory_space<hbm>>) target(%arg6 : memref<128xi32, #tpu.memory_space<vmem>>) target_semaphore(%run_scoped3A : memref<!tpu.dma_semaphore, #tpu.memory_space<semaphore_mem>>)
        %dma_wait3A = tpu.memref_slice %arg3[%add3A_35] : memref<327680xi32, #tpu.memory_space<hbm>> -> memref<128xi32, #tpu.memory_space<hbm>>
        %dma_wait3A_37 = tpu.memref_slice %arg3[%add3A_35] : memref<327680xi32, #tpu.memory_space<hbm>> -> memref<128xi32, #tpu.memory_space<hbm>>
        tpu.wait_dma2 semaphore(%run_scoped3A : memref<!tpu.dma_semaphore, #tpu.memory_space<semaphore_mem>>) src(%dma_wait3A_37 : memref<128xi32, #tpu.memory_space<hbm>>) dst(%arg6 : memref<128xi32, #tpu.memory_space<vmem>>)
        tpu.yield
      }) : () -> ()
      "tpu.region"() ({
        %run_scoped3A = tpu.sem_alloc : memref<!tpu.dma_semaphore, #tpu.memory_space<semaphore_mem>>
        %dma_start3A = arith.constant 0 : i32
        %dma_start3A_36 = tpu.memref_slice %arg2[%add3A_35, %dma_start3A] : memref<327680x128xf32, #tpu.memory_space<hbm>> -> memref<128x128xf32, #tpu.memory_space<hbm>>
        %dma_start3A_37 = arith.constant 0 : i32
        %dma_start3A_38 = tpu.memref_slice %arg2[%add3A_35, %dma_start3A_37] : memref<327680x128xf32, #tpu.memory_space<hbm>> -> memref<128x128xf32, #tpu.memory_space<hbm>>
        tpu.enqueue_dma source(%dma_start3A_38 : memref<128x128xf32, #tpu.memory_space<hbm>>) target(%arg7 : memref<128x128xf32, #tpu.memory_space<vmem>>) target_semaphore(%run_scoped3A : memref<!tpu.dma_semaphore, #tpu.memory_space<semaphore_mem>>)
        %dma_wait3A = arith.constant 0 : i32
        %dma_wait3A_39 = tpu.memref_slice %arg2[%add3A_35, %dma_wait3A] : memref<327680x128xf32, #tpu.memory_space<hbm>> -> memref<128x128xf32, #tpu.memory_space<hbm>>
        %dma_wait3A_40 = arith.constant 0 : i32
        %dma_wait3A_41 = tpu.memref_slice %arg2[%add3A_35, %dma_wait3A_40] : memref<327680x128xf32, #tpu.memory_space<hbm>> -> memref<128x128xf32, #tpu.memory_space<hbm>>
        tpu.wait_dma2 semaphore(%run_scoped3A : memref<!tpu.dma_semaphore, #tpu.memory_space<semaphore_mem>>) src(%dma_wait3A_41 : memref<128x128xf32, #tpu.memory_space<hbm>>) dst(%arg7 : memref<128x128xf32, #tpu.memory_space<vmem>>)
        tpu.yield
      }) : () -> ()
      "tpu.region"() ({
        %run_scoped3A = tpu.sem_alloc : memref<!tpu.dma_semaphore, #tpu.memory_space<semaphore_mem>>
        %dma_start3A = arith.constant 0 : i32
        %dma_start3A_36 = arith.constant 0 : i32
        %dma_start3A_37 = tpu.memref_slice %arg8[%dma_start3A, %dma_start3A_36] : memref<10112x128xf32, #tpu.memory_space<vmem_shared>> -> memref<10112x128xf32, #tpu.memory_space<vmem_shared>>
        tpu.enqueue_indirect_dma source(%arg7 : memref<128x128xf32, #tpu.memory_space<vmem>>) target(%dma_start3A_37 : memref<10112x128xf32, #tpu.memory_space<vmem_shared>>) offsets(%arg6 : memref<128xi32, #tpu.memory_space<vmem>>) semaphore(%run_scoped3A : memref<!tpu.dma_semaphore, #tpu.memory_space<semaphore_mem>>) {add = true}
        %dma_wait3A = arith.constant 0 : i32
        %dma_wait3A_38 = arith.constant 0 : i32
        %dma_wait3A_39 = tpu.memref_slice %arg8[%dma_wait3A, %dma_wait3A_38] : memref<10112x128xf32, #tpu.memory_space<vmem_shared>> -> memref<10112x128xf32, #tpu.memory_space<vmem_shared>>
        tpu.wait_indirect_dma semaphore(%run_scoped3A : memref<!tpu.dma_semaphore, #tpu.memory_space<semaphore_mem>>) src(%arg7 : memref<128x128xf32, #tpu.memory_space<vmem>>) dst(%dma_wait3A_39 : memref<10112x128xf32, #tpu.memory_space<vmem_shared>>)
        tpu.yield
      }) : () -> ()
    }
    %scan3A_17 = arith.constant 80 : i32
    %barrier3A_18 = arith.constant 0 : index
    tpu.barrier barrier_id(%barrier3A_18)
    %scan3A_19 = arith.constant 0 : i32
    %scan3A_20 = arith.constant 0 : i32
    %scan3A_21 = arith.constant 4 : i32
    %scan3A_22 = arith.addi %scan3A_20, %scan3A_21 : i32
    %scan3A_23 = arith.constant 1 : i32
    scf.for %scan3A_32 = %scan3A_20 to %scan3A_22 step %scan3A_23  : i32 {
      %mul3A_33 = arith.constant 128 : i32
      %mul3A_34 = arith.muli %scan3A_32, %mul3A_33 : i32
      %add3A_35 = arith.addi %mul3A_0, %mul3A_34 : i32
      "tpu.region"() ({
        %run_scoped3A = tpu.sem_alloc : memref<!tpu.dma_semaphore, #tpu.memory_space<semaphore_mem>>
        %dma_start3A = arith.constant 0 : i32
        %dma_start3A_39 = tpu.memref_slice %arg8[%add3A_35, %dma_start3A] : memref<10112x128xf32, #tpu.memory_space<vmem_shared>> -> memref<128x128xf32, #tpu.memory_space<vmem_shared>>
        %dma_start3A_40 = arith.constant 0 : i32
        %dma_start3A_41 = tpu.memref_slice %arg8[%add3A_35, %dma_start3A_40] : memref<10112x128xf32, #tpu.memory_space<vmem_shared>> -> memref<128x128xf32, #tpu.memory_space<vmem_shared>>
        tpu.enqueue_dma source(%dma_start3A_41 : memref<128x128xf32, #tpu.memory_space<vmem_shared>>) target(%arg7 : memref<128x128xf32, #tpu.memory_space<vmem>>) target_semaphore(%run_scoped3A : memref<!tpu.dma_semaphore, #tpu.memory_space<semaphore_mem>>)
        %dma_wait3A = arith.constant 0 : i32
        %dma_wait3A_42 = tpu.memref_slice %arg8[%add3A_35, %dma_wait3A] : memref<10112x128xf32, #tpu.memory_space<vmem_shared>> -> memref<128x128xf32, #tpu.memory_space<vmem_shared>>
        %dma_wait3A_43 = arith.constant 0 : i32
        %dma_wait3A_44 = tpu.memref_slice %arg8[%add3A_35, %dma_wait3A_43] : memref<10112x128xf32, #tpu.memory_space<vmem_shared>> -> memref<128x128xf32, #tpu.memory_space<vmem_shared>>
        tpu.wait_dma2 semaphore(%run_scoped3A : memref<!tpu.dma_semaphore, #tpu.memory_space<semaphore_mem>>) src(%dma_wait3A_44 : memref<128x128xf32, #tpu.memory_space<vmem_shared>>) dst(%arg7 : memref<128x128xf32, #tpu.memory_space<vmem>>)
        tpu.yield
      }) : () -> ()
      %mul3A_36 = arith.constant 10240 : i32
      %mul3A_37 = arith.muli %arg0, %mul3A_36 : i32
      %add3A_38 = arith.addi %mul3A_37, %add3A_35 : i32
      "tpu.region"() ({
        %run_scoped3A = tpu.sem_alloc : memref<!tpu.dma_semaphore, #tpu.memory_space<semaphore_mem>>
        %dma_start3A = arith.constant 0 : i32
        %dma_start3A_39 = tpu.memref_slice %arg5[%add3A_38, %dma_start3A] : memref<20480x128xf32, #tpu.memory_space<hbm>> -> memref<128x128xf32, #tpu.memory_space<hbm>>
        %dma_start3A_40 = arith.constant 0 : i32
        %dma_start3A_41 = tpu.memref_slice %arg5[%add3A_38, %dma_start3A_40] : memref<20480x128xf32, #tpu.memory_space<hbm>> -> memref<128x128xf32, #tpu.memory_space<hbm>>
        tpu.enqueue_dma source(%arg7 : memref<128x128xf32, #tpu.memory_space<vmem>>) target(%dma_start3A_41 : memref<128x128xf32, #tpu.memory_space<hbm>>) target_semaphore(%run_scoped3A : memref<!tpu.dma_semaphore, #tpu.memory_space<semaphore_mem>>)
        %dma_wait3A = arith.constant 0 : i32
        %dma_wait3A_42 = tpu.memref_slice %arg5[%add3A_38, %dma_wait3A] : memref<20480x128xf32, #tpu.memory_space<hbm>> -> memref<128x128xf32, #tpu.memory_space<hbm>>
        %dma_wait3A_43 = arith.constant 0 : i32
        %dma_wait3A_44 = tpu.memref_slice %arg5[%add3A_38, %dma_wait3A_43] : memref<20480x128xf32, #tpu.memory_space<hbm>> -> memref<128x128xf32, #tpu.memory_space<hbm>>
        tpu.wait_dma2 semaphore(%run_scoped3A : memref<!tpu.dma_semaphore, #tpu.memory_space<semaphore_mem>>) src(%arg7 : memref<128x128xf32, #tpu.memory_space<vmem>>) dst(%dma_wait3A_44 : memref<128x128xf32, #tpu.memory_space<hbm>>)
        tpu.yield
      }) : () -> ()
    }
    %scan3A_24 = arith.constant 4 : i32
    %add3A_25 = arith.constant 512 : i32
    %add3A_26 = arith.addi %mul3A_0, %add3A_25 : i32
    "tpu.region"() ({
      %run_scoped3A = tpu.sem_alloc : memref<!tpu.dma_semaphore, #tpu.memory_space<semaphore_mem>>
      %dma_start3A = arith.constant 0 : i32
      %dma_start3A_32 = arith.constant 0 : i32
      %dma_start3A_33 = tpu.memref_slice %arg7[%dma_start3A, %dma_start3A_32] : memref<128x128xf32, #tpu.memory_space<vmem>> -> memref<120x128xf32, #tpu.memory_space<vmem>>
      %dma_start3A_34 = arith.constant 0 : i32
      %dma_start3A_35 = tpu.memref_slice %arg8[%add3A_26, %dma_start3A_34] : memref<10112x128xf32, #tpu.memory_space<vmem_shared>> -> memref<120x128xf32, #tpu.memory_space<vmem_shared>>
      %dma_start3A_36 = arith.constant 0 : i32
      %dma_start3A_37 = arith.constant 0 : i32
      %dma_start3A_38 = tpu.memref_slice %arg7[%dma_start3A_36, %dma_start3A_37] : memref<128x128xf32, #tpu.memory_space<vmem>> -> memref<120x128xf32, #tpu.memory_space<vmem>>
      %dma_start3A_39 = arith.constant 0 : i32
      %dma_start3A_40 = tpu.memref_slice %arg8[%add3A_26, %dma_start3A_39] : memref<10112x128xf32, #tpu.memory_space<vmem_shared>> -> memref<120x128xf32, #tpu.memory_space<vmem_shared>>
      tpu.enqueue_dma source(%dma_start3A_40 : memref<120x128xf32, #tpu.memory_space<vmem_shared>>) target(%dma_start3A_38 : memref<120x128xf32, #tpu.memory_space<vmem>>) target_semaphore(%run_scoped3A : memref<!tpu.dma_semaphore, #tpu.memory_space<semaphore_mem>>)
      %dma_wait3A = arith.constant 0 : i32
      %dma_wait3A_41 = arith.constant 0 : i32
      %dma_wait3A_42 = tpu.memref_slice %arg7[%dma_wait3A, %dma_wait3A_41] : memref<128x128xf32, #tpu.memory_space<vmem>> -> memref<120x128xf32, #tpu.memory_space<vmem>>
      %dma_wait3A_43 = arith.constant 0 : i32
      %dma_wait3A_44 = tpu.memref_slice %arg8[%add3A_26, %dma_wait3A_43] : memref<10112x128xf32, #tpu.memory_space<vmem_shared>> -> memref<120x128xf32, #tpu.memory_space<vmem_shared>>
      %dma_wait3A_45 = arith.constant 0 : i32
      %dma_wait3A_46 = arith.constant 0 : i32
      %dma_wait3A_47 = tpu.memref_slice %arg7[%dma_wait3A_45, %dma_wait3A_46] : memref<128x128xf32, #tpu.memory_space<vmem>> -> memref<120x128xf32, #tpu.memory_space<vmem>>
      %dma_wait3A_48 = arith.constant 0 : i32
      %dma_wait3A_49 = tpu.memref_slice %arg8[%add3A_26, %dma_wait3A_48] : memref<10112x128xf32, #tpu.memory_space<vmem_shared>> -> memref<120x128xf32, #tpu.memory_space<vmem_shared>>
      tpu.wait_dma2 semaphore(%run_scoped3A : memref<!tpu.dma_semaphore, #tpu.memory_space<semaphore_mem>>) src(%dma_wait3A_49 : memref<120x128xf32, #tpu.memory_space<vmem_shared>>) dst(%dma_wait3A_47 : memref<120x128xf32, #tpu.memory_space<vmem>>)
      tpu.yield
    }) : () -> ()
    %mul3A_27 = arith.constant 10240 : i32
    %mul3A_28 = arith.muli %arg0, %mul3A_27 : i32
    %add3A_29 = arith.addi %mul3A_28, %add3A_26 : i32
    "tpu.region"() ({
      %run_scoped3A = tpu.sem_alloc : memref<!tpu.dma_semaphore, #tpu.memory_space<semaphore_mem>>
      %dma_start3A = arith.constant 0 : i32
      %dma_start3A_32 = arith.constant 0 : i32
      %dma_start3A_33 = tpu.memref_slice %arg7[%dma_start3A, %dma_start3A_32] : memref<128x128xf32, #tpu.memory_space<vmem>> -> memref<120x128xf32, #tpu.memory_space<vmem>>
      %dma_start3A_34 = arith.constant 0 : i32
      %dma_start3A_35 = tpu.memref_slice %arg5[%add3A_29, %dma_start3A_34] : memref<20480x128xf32, #tpu.memory_space<hbm>> -> memref<120x128xf32, #tpu.memory_space<hbm>>
      %dma_start3A_36 = arith.constant 0 : i32
      %dma_start3A_37 = tpu.memref_slice %arg5[%add3A_29, %dma_start3A_36] : memref<20480x128xf32, #tpu.memory_space<hbm>> -> memref<120x128xf32, #tpu.memory_space<hbm>>
      %dma_start3A_38 = arith.constant 0 : i32
      %dma_start3A_39 = arith.constant 0 : i32
      %dma_start3A_40 = tpu.memref_slice %arg7[%dma_start3A_38, %dma_start3A_39] : memref<128x128xf32, #tpu.memory_space<vmem>> -> memref<120x128xf32, #tpu.memory_space<vmem>>
      tpu.enqueue_dma source(%dma_start3A_40 : memref<120x128xf32, #tpu.memory_space<vmem>>) target(%dma_start3A_37 : memref<120x128xf32, #tpu.memory_space<hbm>>) target_semaphore(%run_scoped3A : memref<!tpu.dma_semaphore, #tpu.memory_space<semaphore_mem>>)
      %dma_wait3A = arith.constant 0 : i32
      %dma_wait3A_41 = arith.constant 0 : i32
      %dma_wait3A_42 = tpu.memref_slice %arg7[%dma_wait3A, %dma_wait3A_41] : memref<128x128xf32, #tpu.memory_space<vmem>> -> memref<120x128xf32, #tpu.memory_space<vmem>>
      %dma_wait3A_43 = arith.constant 0 : i32
      %dma_wait3A_44 = tpu.memref_slice %arg5[%add3A_29, %dma_wait3A_43] : memref<20480x128xf32, #tpu.memory_space<hbm>> -> memref<120x128xf32, #tpu.memory_space<hbm>>
      %dma_wait3A_45 = arith.constant 0 : i32
      %dma_wait3A_46 = tpu.memref_slice %arg5[%add3A_29, %dma_wait3A_45] : memref<20480x128xf32, #tpu.memory_space<hbm>> -> memref<120x128xf32, #tpu.memory_space<hbm>>
      %dma_wait3A_47 = arith.constant 0 : i32
      %dma_wait3A_48 = arith.constant 0 : i32
      %dma_wait3A_49 = tpu.memref_slice %arg7[%dma_wait3A_47, %dma_wait3A_48] : memref<128x128xf32, #tpu.memory_space<vmem>> -> memref<120x128xf32, #tpu.memory_space<vmem>>
      tpu.wait_dma2 semaphore(%run_scoped3A : memref<!tpu.dma_semaphore, #tpu.memory_space<semaphore_mem>>) src(%dma_wait3A_49 : memref<120x128xf32, #tpu.memory_space<vmem>>) dst(%dma_wait3A_46 : memref<120x128xf32, #tpu.memory_space<hbm>>)
      tpu.yield
    }) : () -> ()
    %eq3A = arith.constant 0 : i32
    %eq3A_30 = arith.cmpi eq, %arg1, %eq3A : i32
    %convert_element_type3A = arith.extui %eq3A_30 : i1 to i32
    %cond3A = arith.constant 0 : i32
    %cond3A_31 = arith.cmpi ne, %convert_element_type3A, %cond3A : i32
    scf.if %cond3A_31 {
      "tpu.region"() ({
        %run_scoped3A = tpu.sem_alloc : memref<!tpu.dma_semaphore, #tpu.memory_space<semaphore_mem>>
        %dma_start3A = arith.constant 0 : i32
        %dma_start3A_36 = arith.constant 0 : i32
        %dma_start3A_37 = tpu.memref_slice %arg4[%dma_start3A, %dma_start3A_36] : memref<10240x128xf32, #tpu.memory_space<hbm>> -> memref<128x128xf32, #tpu.memory_space<hbm>>
        %dma_start3A_38 = arith.constant 0 : i32
        %dma_start3A_39 = arith.constant 0 : i32
        %dma_start3A_40 = tpu.memref_slice %arg4[%dma_start3A_38, %dma_start3A_39] : memref<10240x128xf32, #tpu.memory_space<hbm>> -> memref<128x128xf32, #tpu.memory_space<hbm>>
        tpu.enqueue_dma source(%dma_start3A_40 : memref<128x128xf32, #tpu.memory_space<hbm>>) target(%arg7 : memref<128x128xf32, #tpu.memory_space<vmem>>) target_semaphore(%run_scoped3A : memref<!tpu.dma_semaphore, #tpu.memory_space<semaphore_mem>>)
        %dma_wait3A = arith.constant 0 : i32
        %dma_wait3A_41 = arith.constant 0 : i32
        %dma_wait3A_42 = tpu.memref_slice %arg4[%dma_wait3A, %dma_wait3A_41] : memref<10240x128xf32, #tpu.memory_space<hbm>> -> memref<128x128xf32, #tpu.memory_space<hbm>>
        %dma_wait3A_43 = arith.constant 0 : i32
        %dma_wait3A_44 = arith.constant 0 : i32
        %dma_wait3A_45 = tpu.memref_slice %arg4[%dma_wait3A_43, %dma_wait3A_44] : memref<10240x128xf32, #tpu.memory_space<hbm>> -> memref<128x128xf32, #tpu.memory_space<hbm>>
        tpu.wait_dma2 semaphore(%run_scoped3A : memref<!tpu.dma_semaphore, #tpu.memory_space<semaphore_mem>>) src(%dma_wait3A_45 : memref<128x128xf32, #tpu.memory_space<hbm>>) dst(%arg7 : memref<128x128xf32, #tpu.memory_space<vmem>>)
        tpu.yield
      }) : () -> ()
      %mul3A_32 = arith.constant 10240 : i32
      %mul3A_33 = arith.muli %arg0, %mul3A_32 : i32
      %add3A_34 = arith.constant 10112 : i32
      %add3A_35 = arith.addi %mul3A_33, %add3A_34 : i32
      "tpu.region"() ({
        %run_scoped3A = tpu.sem_alloc : memref<!tpu.dma_semaphore, #tpu.memory_space<semaphore_mem>>
        %dma_start3A = arith.constant 0 : i32
        %dma_start3A_36 = tpu.memref_slice %arg5[%add3A_35, %dma_start3A] : memref<20480x128xf32, #tpu.memory_space<hbm>> -> memref<128x128xf32, #tpu.memory_space<hbm>>
        %dma_start3A_37 = arith.constant 0 : i32
        %dma_start3A_38 = tpu.memref_slice %arg5[%add3A_35, %dma_start3A_37] : memref<20480x128xf32, #tpu.memory_space<hbm>> -> memref<128x128xf32, #tpu.memory_space<hbm>>
        tpu.enqueue_dma source(%arg7 : memref<128x128xf32, #tpu.memory_space<vmem>>) target(%dma_start3A_38 : memref<128x128xf32, #tpu.memory_space<hbm>>) target_semaphore(%run_scoped3A : memref<!tpu.dma_semaphore, #tpu.memory_space<semaphore_mem>>)
        %dma_wait3A = arith.constant 0 : i32
        %dma_wait3A_39 = tpu.memref_slice %arg5[%add3A_35, %dma_wait3A] : memref<20480x128xf32, #tpu.memory_space<hbm>> -> memref<128x128xf32, #tpu.memory_space<hbm>>
        %dma_wait3A_40 = arith.constant 0 : i32
        %dma_wait3A_41 = tpu.memref_slice %arg5[%add3A_35, %dma_wait3A_40] : memref<20480x128xf32, #tpu.memory_space<hbm>> -> memref<128x128xf32, #tpu.memory_space<hbm>>
        tpu.wait_dma2 semaphore(%run_scoped3A : memref<!tpu.dma_semaphore, #tpu.memory_space<semaphore_mem>>) src(%arg7 : memref<128x128xf32, #tpu.memory_space<vmem>>) dst(%dma_wait3A_41 : memref<128x128xf32, #tpu.memory_space<hbm>>)
        tpu.yield
      }) : () -> ()
    } else {
    }
    return
  }
}

#map = affine_map<(d0, d1) -> (0, 0)>
#map1 = affine_map<(d0, d1) -> (0)>
module attributes {stable_mosaic.version = 14 : i64} {
  func.func @_delta_k(%arg0: i32, %arg1: i32, %arg2: memref<327680x16xf32, #tpu.memory_space<hbm>>, %arg3: memref<327680xi32, #tpu.memory_space<hbm>>, %arg4: memref<10240x128xf32, #tpu.memory_space<hbm>>, %arg5: memref<2560x128xf32, #tpu.memory_space<hbm>>, %arg6: memref<128xi32, #tpu.memory_space<vmem>>, %arg7: memref<128xi32, #tpu.memory_space<vmem>>, %arg8: memref<128x16xf32, #tpu.memory_space<vmem>>, %arg9: memref<128x128xf32, #tpu.memory_space<vmem>>, %arg10: memref<80x128xf32, #tpu.memory_space<vmem>>, %arg11: memref<1280x128xf32, #tpu.memory_space<vmem_shared>>) attributes {dimension_semantics = [#tpu.dimension_semantics<core_parallel>, #tpu.dimension_semantics<subcore_parallel>], iteration_bounds = array<i64: 2, 16>, scalar_prefetch = 0 : i64, scratch_operands = 6 : i64, tpu.core_type = #tpu.core_type<sc_vector_subcore>, window_params = [{transform_indices = #map}, {transform_indices = #map1}, {transform_indices = #map}, {transform_indices = #map}]} {
    %mul3A = arith.constant 80 : i32
    %mul3A_0 = arith.muli %arg1, %mul3A : i32
    %scan3A = arith.constant 0 : i32
    %scan3A_1 = arith.constant 0 : i32
    %scan3A_2 = arith.constant 128 : i32
    %scan3A_3 = arith.addi %scan3A_1, %scan3A_2 : i32
    %scan3A_4 = arith.constant 1 : i32
    scf.for %scan3A_20 = %scan3A_1 to %scan3A_3 step %scan3A_4  : i32 {
      %broadcast_in_dim3A = arith.constant 0.000000e+00 : f32
      %broadcast_in_dim3A_21 = vector.broadcast %broadcast_in_dim3A : f32 to vector<16xf32>
      %swap3A = arith.index_cast %scan3A_20 : i32 to index
      %swap3A_22 = arith.constant 0 : index
      %swap3A_23 = tpu.vector_load %arg9[%swap3A, %swap3A_22] {strides = array<i32>} : memref<128x128xf32, #tpu.memory_space<vmem>>, vector<16xf32>,
      tpu.vector_store %arg9[%swap3A, %swap3A_22], %broadcast_in_dim3A_21 {strides = array<i32>} : memref<128x128xf32, #tpu.memory_space<vmem>>, vector<16xf32>,
      %broadcast_in_dim3A_24 = arith.constant 0.000000e+00 : f32
      %broadcast_in_dim3A_25 = vector.broadcast %broadcast_in_dim3A_24 : f32 to vector<16xf32>
      %swap3A_26 = arith.index_cast %scan3A_20 : i32 to index
      %swap3A_27 = arith.constant 16 : index
      %swap3A_28 = tpu.vector_load %arg9[%swap3A_26, %swap3A_27] {strides = array<i32>} : memref<128x128xf32, #tpu.memory_space<vmem>>, vector<16xf32>,
      tpu.vector_store %arg9[%swap3A_26, %swap3A_27], %broadcast_in_dim3A_25 {strides = array<i32>} : memref<128x128xf32, #tpu.memory_space<vmem>>, vector<16xf32>,
      %broadcast_in_dim3A_29 = arith.constant 0.000000e+00 : f32
      %broadcast_in_dim3A_30 = vector.broadcast %broadcast_in_dim3A_29 : f32 to vector<16xf32>
      %swap3A_31 = arith.index_cast %scan3A_20 : i32 to index
      %swap3A_32 = arith.constant 32 : index
      %swap3A_33 = tpu.vector_load %arg9[%swap3A_31, %swap3A_32] {strides = array<i32>} : memref<128x128xf32, #tpu.memory_space<vmem>>, vector<16xf32>,
      tpu.vector_store %arg9[%swap3A_31, %swap3A_32], %broadcast_in_dim3A_30 {strides = array<i32>} : memref<128x128xf32, #tpu.memory_space<vmem>>, vector<16xf32>,
      %broadcast_in_dim3A_34 = arith.constant 0.000000e+00 : f32
      %broadcast_in_dim3A_35 = vector.broadcast %broadcast_in_dim3A_34 : f32 to vector<16xf32>
      %swap3A_36 = arith.index_cast %scan3A_20 : i32 to index
      %swap3A_37 = arith.constant 48 : index
      %swap3A_38 = tpu.vector_load %arg9[%swap3A_36, %swap3A_37] {strides = array<i32>} : memref<128x128xf32, #tpu.memory_space<vmem>>, vector<16xf32>,
      tpu.vector_store %arg9[%swap3A_36, %swap3A_37], %broadcast_in_dim3A_35 {strides = array<i32>} : memref<128x128xf32, #tpu.memory_space<vmem>>, vector<16xf32>,
      %broadcast_in_dim3A_39 = arith.constant 0.000000e+00 : f32
      %broadcast_in_dim3A_40 = vector.broadcast %broadcast_in_dim3A_39 : f32 to vector<16xf32>
      %swap3A_41 = arith.index_cast %scan3A_20 : i32 to index
      %swap3A_42 = arith.constant 64 : index
      %swap3A_43 = tpu.vector_load %arg9[%swap3A_41, %swap3A_42] {strides = array<i32>} : memref<128x128xf32, #tpu.memory_space<vmem>>, vector<16xf32>,
      tpu.vector_store %arg9[%swap3A_41, %swap3A_42], %broadcast_in_dim3A_40 {strides = array<i32>} : memref<128x128xf32, #tpu.memory_space<vmem>>, vector<16xf32>,
      %broadcast_in_dim3A_44 = arith.constant 0.000000e+00 : f32
      %broadcast_in_dim3A_45 = vector.broadcast %broadcast_in_dim3A_44 : f32 to vector<16xf32>
      %swap3A_46 = arith.index_cast %scan3A_20 : i32 to index
      %swap3A_47 = arith.constant 80 : index
      %swap3A_48 = tpu.vector_load %arg9[%swap3A_46, %swap3A_47] {strides = array<i32>} : memref<128x128xf32, #tpu.memory_space<vmem>>, vector<16xf32>,
      tpu.vector_store %arg9[%swap3A_46, %swap3A_47], %broadcast_in_dim3A_45 {strides = array<i32>} : memref<128x128xf32, #tpu.memory_space<vmem>>, vector<16xf32>,
      %broadcast_in_dim3A_49 = arith.constant 0.000000e+00 : f32
      %broadcast_in_dim3A_50 = vector.broadcast %broadcast_in_dim3A_49 : f32 to vector<16xf32>
      %swap3A_51 = arith.index_cast %scan3A_20 : i32 to index
      %swap3A_52 = arith.constant 96 : index
      %swap3A_53 = tpu.vector_load %arg9[%swap3A_51, %swap3A_52] {strides = array<i32>} : memref<128x128xf32, #tpu.memory_space<vmem>>, vector<16xf32>,
      tpu.vector_store %arg9[%swap3A_51, %swap3A_52], %broadcast_in_dim3A_50 {strides = array<i32>} : memref<128x128xf32, #tpu.memory_space<vmem>>, vector<16xf32>,
      %broadcast_in_dim3A_54 = arith.constant 0.000000e+00 : f32
      %broadcast_in_dim3A_55 = vector.broadcast %broadcast_in_dim3A_54 : f32 to vector<16xf32>
      %swap3A_56 = arith.index_cast %scan3A_20 : i32 to index
      %swap3A_57 = arith.constant 112 : index
      %swap3A_58 = tpu.vector_load %arg9[%swap3A_56, %swap3A_57] {strides = array<i32>} : memref<128x128xf32, #tpu.memory_space<vmem>>, vector<16xf32>,
      tpu.vector_store %arg9[%swap3A_56, %swap3A_57], %broadcast_in_dim3A_55 {strides = array<i32>} : memref<128x128xf32, #tpu.memory_space<vmem>>, vector<16xf32>,
    }
    %scan3A_5 = arith.constant 128 : i32
    "tpu.region"() ({
      %run_scoped3A = tpu.sem_alloc : memref<!tpu.dma_semaphore, #tpu.memory_space<semaphore_mem>>
      %dma_start3A = arith.constant 0 : i32
      %dma_start3A_20 = arith.constant 0 : i32
      %dma_start3A_21 = tpu.memref_slice %arg4[%dma_start3A, %dma_start3A_20] : memref<10240x128xf32, #tpu.memory_space<hbm>> -> memref<80x128xf32, #tpu.memory_space<hbm>>
      %dma_start3A_22 = arith.constant 0 : i32
      %dma_start3A_23 = arith.constant 0 : i32
      %dma_start3A_24 = tpu.memref_slice %arg4[%dma_start3A_22, %dma_start3A_23] : memref<10240x128xf32, #tpu.memory_space<hbm>> -> memref<80x128xf32, #tpu.memory_space<hbm>>
      tpu.enqueue_dma source(%dma_start3A_24 : memref<80x128xf32, #tpu.memory_space<hbm>>) target(%arg10 : memref<80x128xf32, #tpu.memory_space<vmem>>) target_semaphore(%run_scoped3A : memref<!tpu.dma_semaphore, #tpu.memory_space<semaphore_mem>>)
      %dma_wait3A = arith.constant 0 : i32
      %dma_wait3A_25 = arith.constant 0 : i32
      %dma_wait3A_26 = tpu.memref_slice %arg4[%dma_wait3A, %dma_wait3A_25] : memref<10240x128xf32, #tpu.memory_space<hbm>> -> memref<80x128xf32, #tpu.memory_space<hbm>>
      %dma_wait3A_27 = arith.constant 0 : i32
      %dma_wait3A_28 = arith.constant 0 : i32
      %dma_wait3A_29 = tpu.memref_slice %arg4[%dma_wait3A_27, %dma_wait3A_28] : memref<10240x128xf32, #tpu.memory_space<hbm>> -> memref<80x128xf32, #tpu.memory_space<hbm>>
      tpu.wait_dma2 semaphore(%run_scoped3A : memref<!tpu.dma_semaphore, #tpu.memory_space<semaphore_mem>>) src(%dma_wait3A_29 : memref<80x128xf32, #tpu.memory_space<hbm>>) dst(%arg10 : memref<80x128xf32, #tpu.memory_space<vmem>>)
      tpu.yield
    }) : () -> ()
    "tpu.region"() ({
      %run_scoped3A = tpu.sem_alloc : memref<!tpu.dma_semaphore, #tpu.memory_space<semaphore_mem>>
      %dma_start3A = arith.constant 0 : i32
      %dma_start3A_20 = tpu.memref_slice %arg11[%mul3A_0, %dma_start3A] : memref<1280x128xf32, #tpu.memory_space<vmem_shared>> -> memref<80x128xf32, #tpu.memory_space<vmem_shared>>
      %dma_start3A_21 = arith.constant 0 : i32
      %dma_start3A_22 = tpu.memref_slice %arg11[%mul3A_0, %dma_start3A_21] : memref<1280x128xf32, #tpu.memory_space<vmem_shared>> -> memref<80x128xf32, #tpu.memory_space<vmem_shared>>
      tpu.enqueue_dma source(%arg10 : memref<80x128xf32, #tpu.memory_space<vmem>>) target(%dma_start3A_22 : memref<80x128xf32, #tpu.memory_space<vmem_shared>>) target_semaphore(%run_scoped3A : memref<!tpu.dma_semaphore, #tpu.memory_space<semaphore_mem>>)
      %dma_wait3A = arith.constant 0 : i32
      %dma_wait3A_23 = tpu.memref_slice %arg11[%mul3A_0, %dma_wait3A] : memref<1280x128xf32, #tpu.memory_space<vmem_shared>> -> memref<80x128xf32, #tpu.memory_space<vmem_shared>>
      %dma_wait3A_24 = arith.constant 0 : i32
      %dma_wait3A_25 = tpu.memref_slice %arg11[%mul3A_0, %dma_wait3A_24] : memref<1280x128xf32, #tpu.memory_space<vmem_shared>> -> memref<80x128xf32, #tpu.memory_space<vmem_shared>>
      tpu.wait_dma2 semaphore(%run_scoped3A : memref<!tpu.dma_semaphore, #tpu.memory_space<semaphore_mem>>) src(%arg10 : memref<80x128xf32, #tpu.memory_space<vmem>>) dst(%dma_wait3A_25 : memref<80x128xf32, #tpu.memory_space<vmem_shared>>)
      tpu.yield
    }) : () -> ()
    %barrier3A = arith.constant 0 : index
    tpu.barrier barrier_id(%barrier3A)
    %mul3A_6 = arith.constant 163840 : i32
    %mul3A_7 = arith.muli %arg0, %mul3A_6 : i32
    %mul3A_8 = arith.constant 10240 : i32
    %mul3A_9 = arith.muli %arg1, %mul3A_8 : i32
    %add3A = arith.addi %mul3A_7, %mul3A_9 : i32
    %scan3A_10 = arith.constant 0 : i32
    %scan3A_11 = arith.constant 0 : i32
    %scan3A_12 = arith.constant 80 : i32
    %scan3A_13 = arith.addi %scan3A_11, %scan3A_12 : i32
    %scan3A_14 = arith.constant 1 : i32
    scf.for %scan3A_20 = %scan3A_11 to %scan3A_13 step %scan3A_14  : i32 {
      %mul3A_21 = arith.constant 128 : i32
      %mul3A_22 = arith.muli %scan3A_20, %mul3A_21 : i32
      %add3A_23 = arith.addi %add3A, %mul3A_22 : i32
      "tpu.region"() ({
        %run_scoped3A = tpu.sem_alloc : memref<!tpu.dma_semaphore, #tpu.memory_space<semaphore_mem>>
        %dma_start3A = tpu.memref_slice %arg3[%add3A_23] : memref<327680xi32, #tpu.memory_space<hbm>> -> memref<128xi32, #tpu.memory_space<hbm>>
        %dma_start3A_419 = tpu.memref_slice %arg3[%add3A_23] : memref<327680xi32, #tpu.memory_space<hbm>> -> memref<128xi32, #tpu.memory_space<hbm>>
        tpu.enqueue_dma source(%dma_start3A_419 : memref<128xi32, #tpu.memory_space<hbm>>) target(%arg6 : memref<128xi32, #tpu.memory_space<vmem>>) target_semaphore(%run_scoped3A : memref<!tpu.dma_semaphore, #tpu.memory_space<semaphore_mem>>)
        %dma_wait3A = tpu.memref_slice %arg3[%add3A_23] : memref<327680xi32, #tpu.memory_space<hbm>> -> memref<128xi32, #tpu.memory_space<hbm>>
        %dma_wait3A_420 = tpu.memref_slice %arg3[%add3A_23] : memref<327680xi32, #tpu.memory_space<hbm>> -> memref<128xi32, #tpu.memory_space<hbm>>
        tpu.wait_dma2 semaphore(%run_scoped3A : memref<!tpu.dma_semaphore, #tpu.memory_space<semaphore_mem>>) src(%dma_wait3A_420 : memref<128xi32, #tpu.memory_space<hbm>>) dst(%arg6 : memref<128xi32, #tpu.memory_space<vmem>>)
        tpu.yield
      }) : () -> ()
      "tpu.region"() ({
        %run_scoped3A = tpu.sem_alloc : memref<!tpu.dma_semaphore, #tpu.memory_space<semaphore_mem>>
        %dma_start3A = arith.constant 0 : i32
        %dma_start3A_419 = tpu.memref_slice %arg2[%add3A_23, %dma_start3A] : memref<327680x16xf32, #tpu.memory_space<hbm>> -> memref<128x16xf32, #tpu.memory_space<hbm>>
        %dma_start3A_420 = arith.constant 0 : i32
        %dma_start3A_421 = tpu.memref_slice %arg2[%add3A_23, %dma_start3A_420] : memref<327680x16xf32, #tpu.memory_space<hbm>> -> memref<128x16xf32, #tpu.memory_space<hbm>>
        tpu.enqueue_dma source(%dma_start3A_421 : memref<128x16xf32, #tpu.memory_space<hbm>>) target(%arg8 : memref<128x16xf32, #tpu.memory_space<vmem>>) target_semaphore(%run_scoped3A : memref<!tpu.dma_semaphore, #tpu.memory_space<semaphore_mem>>)
        %dma_wait3A = arith.constant 0 : i32
        %dma_wait3A_422 = tpu.memref_slice %arg2[%add3A_23, %dma_wait3A] : memref<327680x16xf32, #tpu.memory_space<hbm>> -> memref<128x16xf32, #tpu.memory_space<hbm>>
        %dma_wait3A_423 = arith.constant 0 : i32
        %dma_wait3A_424 = tpu.memref_slice %arg2[%add3A_23, %dma_wait3A_423] : memref<327680x16xf32, #tpu.memory_space<hbm>> -> memref<128x16xf32, #tpu.memory_space<hbm>>
        tpu.wait_dma2 semaphore(%run_scoped3A : memref<!tpu.dma_semaphore, #tpu.memory_space<semaphore_mem>>) src(%dma_wait3A_424 : memref<128x16xf32, #tpu.memory_space<hbm>>) dst(%arg8 : memref<128x16xf32, #tpu.memory_space<vmem>>)
        tpu.yield
      }) : () -> ()
      %iota3A = tpu.iota {dimensions = array<i32: 0>} : vector<16xi32>
      %add3A_24 = arith.constant 0 : i32
      %add3A_25 = vector.broadcast %add3A_24 : i32 to vector<16xi32>
      %add3A_26 = arith.addi %iota3A, %add3A_25 : vector<16xi32>
      %get3A = arith.constant 0 : index
      %get3A_27 = tpu.vector_load %arg6[%get3A] {strides = array<i32>} : memref<128xi32, #tpu.memory_space<vmem>>, vector<16xi32>,
      %and3A = arith.constant 7 : i32
      %and3A_28 = vector.broadcast %and3A : i32 to vector<16xi32>
      %and3A_29 = arith.andi %get3A_27, %and3A_28 : vector<16xi32>
      %mul3A_30 = arith.constant 16 : i32
      %mul3A_31 = vector.broadcast %mul3A_30 : i32 to vector<16xi32>
      %mul3A_32 = arith.muli %and3A_29, %mul3A_31 : vector<16xi32>
      %shift_right_logical3A = arith.constant 3 : i32
      %shift_right_logical3A_33 = vector.broadcast %shift_right_logical3A : i32 to vector<16xi32>
      %shift_right_logical3A_34 = arith.shrui %get3A_27, %shift_right_logical3A_33 : vector<16xi32>
      %swap3A = arith.constant 0 : index
      %swap3A_35 = tpu.vector_load %arg7[%swap3A] {strides = array<i32>} : memref<128xi32, #tpu.memory_space<vmem>>, vector<16xi32>,
      tpu.vector_store %arg7[%swap3A], %shift_right_logical3A_34 {strides = array<i32>} : memref<128xi32, #tpu.memory_space<vmem>>, vector<16xi32>,
      %broadcast_in_dim3A = arith.constant 0 : i32
      %broadcast_in_dim3A_36 = vector.broadcast %broadcast_in_dim3A : i32 to vector<16xi32>
      %gather3A = tpu.vector_load_idx %arg8[%add3A_26, %broadcast_in_dim3A_36] : memref<128x16xf32, #tpu.memory_space<vmem>>[vector<16xi32>, vector<16xi32>], vector<16xf32>,
      %broadcast_in_dim3A_37 = arith.constant 1 : i32
      %broadcast_in_dim3A_38 = vector.broadcast %broadcast_in_dim3A_37 : i32 to vector<16xi32>
      %gather3A_39 = tpu.vector_load_idx %arg8[%add3A_26, %broadcast_in_dim3A_38] : memref<128x16xf32, #tpu.memory_space<vmem>>[vector<16xi32>, vector<16xi32>], vector<16xf32>,
      %broadcast_in_dim3A_40 = arith.constant 2 : i32
      %broadcast_in_dim3A_41 = vector.broadcast %broadcast_in_dim3A_40 : i32 to vector<16xi32>
      %gather3A_42 = tpu.vector_load_idx %arg8[%add3A_26, %broadcast_in_dim3A_41] : memref<128x16xf32, #tpu.memory_space<vmem>>[vector<16xi32>, vector<16xi32>], vector<16xf32>,
      tpu.vector_store_idx %arg9[%add3A_26, %mul3A_32], %gather3A : memref<128x128xf32, #tpu.memory_space<vmem>>[vector<16xi32>, vector<16xi32>], vector<16xf32>,
      %add3A_43 = arith.constant 1 : i32
      %add3A_44 = vector.broadcast %add3A_43 : i32 to vector<16xi32>
      %add3A_45 = arith.addi %mul3A_32, %add3A_44 : vector<16xi32>
      tpu.vector_store_idx %arg9[%add3A_26, %add3A_45], %gather3A_39 : memref<128x128xf32, #tpu.memory_space<vmem>>[vector<16xi32>, vector<16xi32>], vector<16xf32>,
      %add3A_46 = arith.constant 2 : i32
      %add3A_47 = vector.broadcast %add3A_46 : i32 to vector<16xi32>
      %add3A_48 = arith.addi %mul3A_32, %add3A_47 : vector<16xi32>
      tpu.vector_store_idx %arg9[%add3A_26, %add3A_48], %gather3A_42 : memref<128x128xf32, #tpu.memory_space<vmem>>[vector<16xi32>, vector<16xi32>], vector<16xf32>,
      %iota3A_49 = tpu.iota {dimensions = array<i32: 0>} : vector<16xi32>
      %add3A_50 = arith.constant 16 : i32
      %add3A_51 = vector.broadcast %add3A_50 : i32 to vector<16xi32>
      %add3A_52 = arith.addi %iota3A_49, %add3A_51 : vector<16xi32>
      %get3A_53 = arith.constant 16 : index
      %get3A_54 = tpu.vector_load %arg6[%get3A_53] {strides = array<i32>} : memref<128xi32, #tpu.memory_space<vmem>>, vector<16xi32>,
      %and3A_55 = arith.constant 7 : i32
      %and3A_56 = vector.broadcast %and3A_55 : i32 to vector<16xi32>
      %and3A_57 = arith.andi %get3A_54, %and3A_56 : vector<16xi32>
      %mul3A_58 = arith.constant 16 : i32
      %mul3A_59 = vector.broadcast %mul3A_58 : i32 to vector<16xi32>
      %mul3A_60 = arith.muli %and3A_57, %mul3A_59 : vector<16xi32>
      %shift_right_logical3A_61 = arith.constant 3 : i32
      %shift_right_logical3A_62 = vector.broadcast %shift_right_logical3A_61 : i32 to vector<16xi32>
      %shift_right_logical3A_63 = arith.shrui %get3A_54, %shift_right_logical3A_62 : vector<16xi32>
      %swap3A_64 = arith.constant 16 : index
      %swap3A_65 = tpu.vector_load %arg7[%swap3A_64] {strides = array<i32>} : memref<128xi32, #tpu.memory_space<vmem>>, vector<16xi32>,
      tpu.vector_store %arg7[%swap3A_64], %shift_right_logical3A_63 {strides = array<i32>} : memref<128xi32, #tpu.memory_space<vmem>>, vector<16xi32>,
      %broadcast_in_dim3A_66 = arith.constant 0 : i32
      %broadcast_in_dim3A_67 = vector.broadcast %broadcast_in_dim3A_66 : i32 to vector<16xi32>
      %gather3A_68 = tpu.vector_load_idx %arg8[%add3A_52, %broadcast_in_dim3A_67] : memref<128x16xf32, #tpu.memory_space<vmem>>[vector<16xi32>, vector<16xi32>], vector<16xf32>,
      %broadcast_in_dim3A_69 = arith.constant 1 : i32
      %broadcast_in_dim3A_70 = vector.broadcast %broadcast_in_dim3A_69 : i32 to vector<16xi32>
      %gather3A_71 = tpu.vector_load_idx %arg8[%add3A_52, %broadcast_in_dim3A_70] : memref<128x16xf32, #tpu.memory_space<vmem>>[vector<16xi32>, vector<16xi32>], vector<16xf32>,
      %broadcast_in_dim3A_72 = arith.constant 2 : i32
      %broadcast_in_dim3A_73 = vector.broadcast %broadcast_in_dim3A_72 : i32 to vector<16xi32>
      %gather3A_74 = tpu.vector_load_idx %arg8[%add3A_52, %broadcast_in_dim3A_73] : memref<128x16xf32, #tpu.memory_space<vmem>>[vector<16xi32>, vector<16xi32>], vector<16xf32>,
      tpu.vector_store_idx %arg9[%add3A_52, %mul3A_60], %gather3A_68 : memref<128x128xf32, #tpu.memory_space<vmem>>[vector<16xi32>, vector<16xi32>], vector<16xf32>,
      %add3A_75 = arith.constant 1 : i32
      %add3A_76 = vector.broadcast %add3A_75 : i32 to vector<16xi32>
      %add3A_77 = arith.addi %mul3A_60, %add3A_76 : vector<16xi32>
      tpu.vector_store_idx %arg9[%add3A_52, %add3A_77], %gather3A_71 : memref<128x128xf32, #tpu.memory_space<vmem>>[vector<16xi32>, vector<16xi32>], vector<16xf32>,
      %add3A_78 = arith.constant 2 : i32
      %add3A_79 = vector.broadcast %add3A_78 : i32 to vector<16xi32>
      %add3A_80 = arith.addi %mul3A_60, %add3A_79 : vector<16xi32>
      tpu.vector_store_idx %arg9[%add3A_52, %add3A_80], %gather3A_74 : memref<128x128xf32, #tpu.memory_space<vmem>>[vector<16xi32>, vector<16xi32>], vector<16xf32>,
      %iota3A_81 = tpu.iota {dimensions = array<i32: 0>} : vector<16xi32>
      %add3A_82 = arith.constant 32 : i32
      %add3A_83 = vector.broadcast %add3A_82 : i32 to vector<16xi32>
      %add3A_84 = arith.addi %iota3A_81, %add3A_83 : vector<16xi32>
      %get3A_85 = arith.constant 32 : index
      %get3A_86 = tpu.vector_load %arg6[%get3A_85] {strides = array<i32>} : memref<128xi32, #tpu.memory_space<vmem>>, vector<16xi32>,
      %and3A_87 = arith.constant 7 : i32
      %and3A_88 = vector.broadcast %and3A_87 : i32 to vector<16xi32>
      %and3A_89 = arith.andi %get3A_86, %and3A_88 : vector<16xi32>
      %mul3A_90 = arith.constant 16 : i32
      %mul3A_91 = vector.broadcast %mul3A_90 : i32 to vector<16xi32>
      %mul3A_92 = arith.muli %and3A_89, %mul3A_91 : vector<16xi32>
      %shift_right_logical3A_93 = arith.constant 3 : i32
      %shift_right_logical3A_94 = vector.broadcast %shift_right_logical3A_93 : i32 to vector<16xi32>
      %shift_right_logical3A_95 = arith.shrui %get3A_86, %shift_right_logical3A_94 : vector<16xi32>
      %swap3A_96 = arith.constant 32 : index
      %swap3A_97 = tpu.vector_load %arg7[%swap3A_96] {strides = array<i32>} : memref<128xi32, #tpu.memory_space<vmem>>, vector<16xi32>,
      tpu.vector_store %arg7[%swap3A_96], %shift_right_logical3A_95 {strides = array<i32>} : memref<128xi32, #tpu.memory_space<vmem>>, vector<16xi32>,
      %broadcast_in_dim3A_98 = arith.constant 0 : i32
      %broadcast_in_dim3A_99 = vector.broadcast %broadcast_in_dim3A_98 : i32 to vector<16xi32>
      %gather3A_100 = tpu.vector_load_idx %arg8[%add3A_84, %broadcast_in_dim3A_99] : memref<128x16xf32, #tpu.memory_space<vmem>>[vector<16xi32>, vector<16xi32>], vector<16xf32>,
      %broadcast_in_dim3A_101 = arith.constant 1 : i32
      %broadcast_in_dim3A_102 = vector.broadcast %broadcast_in_dim3A_101 : i32 to vector<16xi32>
      %gather3A_103 = tpu.vector_load_idx %arg8[%add3A_84, %broadcast_in_dim3A_102] : memref<128x16xf32, #tpu.memory_space<vmem>>[vector<16xi32>, vector<16xi32>], vector<16xf32>,
      %broadcast_in_dim3A_104 = arith.constant 2 : i32
      %broadcast_in_dim3A_105 = vector.broadcast %broadcast_in_dim3A_104 : i32 to vector<16xi32>
      %gather3A_106 = tpu.vector_load_idx %arg8[%add3A_84, %broadcast_in_dim3A_105] : memref<128x16xf32, #tpu.memory_space<vmem>>[vector<16xi32>, vector<16xi32>], vector<16xf32>,
      tpu.vector_store_idx %arg9[%add3A_84, %mul3A_92], %gather3A_100 : memref<128x128xf32, #tpu.memory_space<vmem>>[vector<16xi32>, vector<16xi32>], vector<16xf32>,
      %add3A_107 = arith.constant 1 : i32
      %add3A_108 = vector.broadcast %add3A_107 : i32 to vector<16xi32>
      %add3A_109 = arith.addi %mul3A_92, %add3A_108 : vector<16xi32>
      tpu.vector_store_idx %arg9[%add3A_84, %add3A_109], %gather3A_103 : memref<128x128xf32, #tpu.memory_space<vmem>>[vector<16xi32>, vector<16xi32>], vector<16xf32>,
      %add3A_110 = arith.constant 2 : i32
      %add3A_111 = vector.broadcast %add3A_110 : i32 to vector<16xi32>
      %add3A_112 = arith.addi %mul3A_92, %add3A_111 : vector<16xi32>
      tpu.vector_store_idx %arg9[%add3A_84, %add3A_112], %gather3A_106 : memref<128x128xf32, #tpu.memory_space<vmem>>[vector<16xi32>, vector<16xi32>], vector<16xf32>,
      %iota3A_113 = tpu.iota {dimensions = array<i32: 0>} : vector<16xi32>
      %add3A_114 = arith.constant 48 : i32
      %add3A_115 = vector.broadcast %add3A_114 : i32 to vector<16xi32>
      %add3A_116 = arith.addi %iota3A_113, %add3A_115 : vector<16xi32>
      %get3A_117 = arith.constant 48 : index
      %get3A_118 = tpu.vector_load %arg6[%get3A_117] {strides = array<i32>} : memref<128xi32, #tpu.memory_space<vmem>>, vector<16xi32>,
      %and3A_119 = arith.constant 7 : i32
      %and3A_120 = vector.broadcast %and3A_119 : i32 to vector<16xi32>
      %and3A_121 = arith.andi %get3A_118, %and3A_120 : vector<16xi32>
      %mul3A_122 = arith.constant 16 : i32
      %mul3A_123 = vector.broadcast %mul3A_122 : i32 to vector<16xi32>
      %mul3A_124 = arith.muli %and3A_121, %mul3A_123 : vector<16xi32>
      %shift_right_logical3A_125 = arith.constant 3 : i32
      %shift_right_logical3A_126 = vector.broadcast %shift_right_logical3A_125 : i32 to vector<16xi32>
      %shift_right_logical3A_127 = arith.shrui %get3A_118, %shift_right_logical3A_126 : vector<16xi32>
      %swap3A_128 = arith.constant 48 : index
      %swap3A_129 = tpu.vector_load %arg7[%swap3A_128] {strides = array<i32>} : memref<128xi32, #tpu.memory_space<vmem>>, vector<16xi32>,
      tpu.vector_store %arg7[%swap3A_128], %shift_right_logical3A_127 {strides = array<i32>} : memref<128xi32, #tpu.memory_space<vmem>>, vector<16xi32>,
      %broadcast_in_dim3A_130 = arith.constant 0 : i32
      %broadcast_in_dim3A_131 = vector.broadcast %broadcast_in_dim3A_130 : i32 to vector<16xi32>
      %gather3A_132 = tpu.vector_load_idx %arg8[%add3A_116, %broadcast_in_dim3A_131] : memref<128x16xf32, #tpu.memory_space<vmem>>[vector<16xi32>, vector<16xi32>], vector<16xf32>,
      %broadcast_in_dim3A_133 = arith.constant 1 : i32
      %broadcast_in_dim3A_134 = vector.broadcast %broadcast_in_dim3A_133 : i32 to vector<16xi32>
      %gather3A_135 = tpu.vector_load_idx %arg8[%add3A_116, %broadcast_in_dim3A_134] : memref<128x16xf32, #tpu.memory_space<vmem>>[vector<16xi32>, vector<16xi32>], vector<16xf32>,
      %broadcast_in_dim3A_136 = arith.constant 2 : i32
      %broadcast_in_dim3A_137 = vector.broadcast %broadcast_in_dim3A_136 : i32 to vector<16xi32>
      %gather3A_138 = tpu.vector_load_idx %arg8[%add3A_116, %broadcast_in_dim3A_137] : memref<128x16xf32, #tpu.memory_space<vmem>>[vector<16xi32>, vector<16xi32>], vector<16xf32>,
      tpu.vector_store_idx %arg9[%add3A_116, %mul3A_124], %gather3A_132 : memref<128x128xf32, #tpu.memory_space<vmem>>[vector<16xi32>, vector<16xi32>], vector<16xf32>,
      %add3A_139 = arith.constant 1 : i32
      %add3A_140 = vector.broadcast %add3A_139 : i32 to vector<16xi32>
      %add3A_141 = arith.addi %mul3A_124, %add3A_140 : vector<16xi32>
      tpu.vector_store_idx %arg9[%add3A_116, %add3A_141], %gather3A_135 : memref<128x128xf32, #tpu.memory_space<vmem>>[vector<16xi32>, vector<16xi32>], vector<16xf32>,
      %add3A_142 = arith.constant 2 : i32
      %add3A_143 = vector.broadcast %add3A_142 : i32 to vector<16xi32>
      %add3A_144 = arith.addi %mul3A_124, %add3A_143 : vector<16xi32>
      tpu.vector_store_idx %arg9[%add3A_116, %add3A_144], %gather3A_138 : memref<128x128xf32, #tpu.memory_space<vmem>>[vector<16xi32>, vector<16xi32>], vector<16xf32>,
      %iota3A_145 = tpu.iota {dimensions = array<i32: 0>} : vector<16xi32>
      %add3A_146 = arith.constant 64 : i32
      %add3A_147 = vector.broadcast %add3A_146 : i32 to vector<16xi32>
      %add3A_148 = arith.addi %iota3A_145, %add3A_147 : vector<16xi32>
      %get3A_149 = arith.constant 64 : index
      %get3A_150 = tpu.vector_load %arg6[%get3A_149] {strides = array<i32>} : memref<128xi32, #tpu.memory_space<vmem>>, vector<16xi32>,
      %and3A_151 = arith.constant 7 : i32
      %and3A_152 = vector.broadcast %and3A_151 : i32 to vector<16xi32>
      %and3A_153 = arith.andi %get3A_150, %and3A_152 : vector<16xi32>
      %mul3A_154 = arith.constant 16 : i32
      %mul3A_155 = vector.broadcast %mul3A_154 : i32 to vector<16xi32>
      %mul3A_156 = arith.muli %and3A_153, %mul3A_155 : vector<16xi32>
      %shift_right_logical3A_157 = arith.constant 3 : i32
      %shift_right_logical3A_158 = vector.broadcast %shift_right_logical3A_157 : i32 to vector<16xi32>
      %shift_right_logical3A_159 = arith.shrui %get3A_150, %shift_right_logical3A_158 : vector<16xi32>
      %swap3A_160 = arith.constant 64 : index
      %swap3A_161 = tpu.vector_load %arg7[%swap3A_160] {strides = array<i32>} : memref<128xi32, #tpu.memory_space<vmem>>, vector<16xi32>,
      tpu.vector_store %arg7[%swap3A_160], %shift_right_logical3A_159 {strides = array<i32>} : memref<128xi32, #tpu.memory_space<vmem>>, vector<16xi32>,
      %broadcast_in_dim3A_162 = arith.constant 0 : i32
      %broadcast_in_dim3A_163 = vector.broadcast %broadcast_in_dim3A_162 : i32 to vector<16xi32>
      %gather3A_164 = tpu.vector_load_idx %arg8[%add3A_148, %broadcast_in_dim3A_163] : memref<128x16xf32, #tpu.memory_space<vmem>>[vector<16xi32>, vector<16xi32>], vector<16xf32>,
      %broadcast_in_dim3A_165 = arith.constant 1 : i32
      %broadcast_in_dim3A_166 = vector.broadcast %broadcast_in_dim3A_165 : i32 to vector<16xi32>
      %gather3A_167 = tpu.vector_load_idx %arg8[%add3A_148, %broadcast_in_dim3A_166] : memref<128x16xf32, #tpu.memory_space<vmem>>[vector<16xi32>, vector<16xi32>], vector<16xf32>,
      %broadcast_in_dim3A_168 = arith.constant 2 : i32
      %broadcast_in_dim3A_169 = vector.broadcast %broadcast_in_dim3A_168 : i32 to vector<16xi32>
      %gather3A_170 = tpu.vector_load_idx %arg8[%add3A_148, %broadcast_in_dim3A_169] : memref<128x16xf32, #tpu.memory_space<vmem>>[vector<16xi32>, vector<16xi32>], vector<16xf32>,
      tpu.vector_store_idx %arg9[%add3A_148, %mul3A_156], %gather3A_164 : memref<128x128xf32, #tpu.memory_space<vmem>>[vector<16xi32>, vector<16xi32>], vector<16xf32>,
      %add3A_171 = arith.constant 1 : i32
      %add3A_172 = vector.broadcast %add3A_171 : i32 to vector<16xi32>
      %add3A_173 = arith.addi %mul3A_156, %add3A_172 : vector<16xi32>
      tpu.vector_store_idx %arg9[%add3A_148, %add3A_173], %gather3A_167 : memref<128x128xf32, #tpu.memory_space<vmem>>[vector<16xi32>, vector<16xi32>], vector<16xf32>,
      %add3A_174 = arith.constant 2 : i32
      %add3A_175 = vector.broadcast %add3A_174 : i32 to vector<16xi32>
      %add3A_176 = arith.addi %mul3A_156, %add3A_175 : vector<16xi32>
      tpu.vector_store_idx %arg9[%add3A_148, %add3A_176], %gather3A_170 : memref<128x128xf32, #tpu.memory_space<vmem>>[vector<16xi32>, vector<16xi32>], vector<16xf32>,
      %iota3A_177 = tpu.iota {dimensions = array<i32: 0>} : vector<16xi32>
      %add3A_178 = arith.constant 80 : i32
      %add3A_179 = vector.broadcast %add3A_178 : i32 to vector<16xi32>
      %add3A_180 = arith.addi %iota3A_177, %add3A_179 : vector<16xi32>
      %get3A_181 = arith.constant 80 : index
      %get3A_182 = tpu.vector_load %arg6[%get3A_181] {strides = array<i32>} : memref<128xi32, #tpu.memory_space<vmem>>, vector<16xi32>,
      %and3A_183 = arith.constant 7 : i32
      %and3A_184 = vector.broadcast %and3A_183 : i32 to vector<16xi32>
      %and3A_185 = arith.andi %get3A_182, %and3A_184 : vector<16xi32>
      %mul3A_186 = arith.constant 16 : i32
      %mul3A_187 = vector.broadcast %mul3A_186 : i32 to vector<16xi32>
      %mul3A_188 = arith.muli %and3A_185, %mul3A_187 : vector<16xi32>
      %shift_right_logical3A_189 = arith.constant 3 : i32
      %shift_right_logical3A_190 = vector.broadcast %shift_right_logical3A_189 : i32 to vector<16xi32>
      %shift_right_logical3A_191 = arith.shrui %get3A_182, %shift_right_logical3A_190 : vector<16xi32>
      %swap3A_192 = arith.constant 80 : index
      %swap3A_193 = tpu.vector_load %arg7[%swap3A_192] {strides = array<i32>} : memref<128xi32, #tpu.memory_space<vmem>>, vector<16xi32>,
      tpu.vector_store %arg7[%swap3A_192], %shift_right_logical3A_191 {strides = array<i32>} : memref<128xi32, #tpu.memory_space<vmem>>, vector<16xi32>,
      %broadcast_in_dim3A_194 = arith.constant 0 : i32
      %broadcast_in_dim3A_195 = vector.broadcast %broadcast_in_dim3A_194 : i32 to vector<16xi32>
      %gather3A_196 = tpu.vector_load_idx %arg8[%add3A_180, %broadcast_in_dim3A_195] : memref<128x16xf32, #tpu.memory_space<vmem>>[vector<16xi32>, vector<16xi32>], vector<16xf32>,
      %broadcast_in_dim3A_197 = arith.constant 1 : i32
      %broadcast_in_dim3A_198 = vector.broadcast %broadcast_in_dim3A_197 : i32 to vector<16xi32>
      %gather3A_199 = tpu.vector_load_idx %arg8[%add3A_180, %broadcast_in_dim3A_198] : memref<128x16xf32, #tpu.memory_space<vmem>>[vector<16xi32>, vector<16xi32>], vector<16xf32>,
      %broadcast_in_dim3A_200 = arith.constant 2 : i32
      %broadcast_in_dim3A_201 = vector.broadcast %broadcast_in_dim3A_200 : i32 to vector<16xi32>
      %gather3A_202 = tpu.vector_load_idx %arg8[%add3A_180, %broadcast_in_dim3A_201] : memref<128x16xf32, #tpu.memory_space<vmem>>[vector<16xi32>, vector<16xi32>], vector<16xf32>,
      tpu.vector_store_idx %arg9[%add3A_180, %mul3A_188], %gather3A_196 : memref<128x128xf32, #tpu.memory_space<vmem>>[vector<16xi32>, vector<16xi32>], vector<16xf32>,
      %add3A_203 = arith.constant 1 : i32
      %add3A_204 = vector.broadcast %add3A_203 : i32 to vector<16xi32>
      %add3A_205 = arith.addi %mul3A_188, %add3A_204 : vector<16xi32>
      tpu.vector_store_idx %arg9[%add3A_180, %add3A_205], %gather3A_199 : memref<128x128xf32, #tpu.memory_space<vmem>>[vector<16xi32>, vector<16xi32>], vector<16xf32>,
      %add3A_206 = arith.constant 2 : i32
      %add3A_207 = vector.broadcast %add3A_206 : i32 to vector<16xi32>
      %add3A_208 = arith.addi %mul3A_188, %add3A_207 : vector<16xi32>
      tpu.vector_store_idx %arg9[%add3A_180, %add3A_208], %gather3A_202 : memref<128x128xf32, #tpu.memory_space<vmem>>[vector<16xi32>, vector<16xi32>], vector<16xf32>,
      %iota3A_209 = tpu.iota {dimensions = array<i32: 0>} : vector<16xi32>
      %add3A_210 = arith.constant 96 : i32
      %add3A_211 = vector.broadcast %add3A_210 : i32 to vector<16xi32>
      %add3A_212 = arith.addi %iota3A_209, %add3A_211 : vector<16xi32>
      %get3A_213 = arith.constant 96 : index
      %get3A_214 = tpu.vector_load %arg6[%get3A_213] {strides = array<i32>} : memref<128xi32, #tpu.memory_space<vmem>>, vector<16xi32>,
      %and3A_215 = arith.constant 7 : i32
      %and3A_216 = vector.broadcast %and3A_215 : i32 to vector<16xi32>
      %and3A_217 = arith.andi %get3A_214, %and3A_216 : vector<16xi32>
      %mul3A_218 = arith.constant 16 : i32
      %mul3A_219 = vector.broadcast %mul3A_218 : i32 to vector<16xi32>
      %mul3A_220 = arith.muli %and3A_217, %mul3A_219 : vector<16xi32>
      %shift_right_logical3A_221 = arith.constant 3 : i32
      %shift_right_logical3A_222 = vector.broadcast %shift_right_logical3A_221 : i32 to vector<16xi32>
      %shift_right_logical3A_223 = arith.shrui %get3A_214, %shift_right_logical3A_222 : vector<16xi32>
      %swap3A_224 = arith.constant 96 : index
      %swap3A_225 = tpu.vector_load %arg7[%swap3A_224] {strides = array<i32>} : memref<128xi32, #tpu.memory_space<vmem>>, vector<16xi32>,
      tpu.vector_store %arg7[%swap3A_224], %shift_right_logical3A_223 {strides = array<i32>} : memref<128xi32, #tpu.memory_space<vmem>>, vector<16xi32>,
      %broadcast_in_dim3A_226 = arith.constant 0 : i32
      %broadcast_in_dim3A_227 = vector.broadcast %broadcast_in_dim3A_226 : i32 to vector<16xi32>
      %gather3A_228 = tpu.vector_load_idx %arg8[%add3A_212, %broadcast_in_dim3A_227] : memref<128x16xf32, #tpu.memory_space<vmem>>[vector<16xi32>, vector<16xi32>], vector<16xf32>,
      %broadcast_in_dim3A_229 = arith.constant 1 : i32
      %broadcast_in_dim3A_230 = vector.broadcast %broadcast_in_dim3A_229 : i32 to vector<16xi32>
      %gather3A_231 = tpu.vector_load_idx %arg8[%add3A_212, %broadcast_in_dim3A_230] : memref<128x16xf32, #tpu.memory_space<vmem>>[vector<16xi32>, vector<16xi32>], vector<16xf32>,
      %broadcast_in_dim3A_232 = arith.constant 2 : i32
      %broadcast_in_dim3A_233 = vector.broadcast %broadcast_in_dim3A_232 : i32 to vector<16xi32>
      %gather3A_234 = tpu.vector_load_idx %arg8[%add3A_212, %broadcast_in_dim3A_233] : memref<128x16xf32, #tpu.memory_space<vmem>>[vector<16xi32>, vector<16xi32>], vector<16xf32>,
      tpu.vector_store_idx %arg9[%add3A_212, %mul3A_220], %gather3A_228 : memref<128x128xf32, #tpu.memory_space<vmem>>[vector<16xi32>, vector<16xi32>], vector<16xf32>,
      %add3A_235 = arith.constant 1 : i32
      %add3A_236 = vector.broadcast %add3A_235 : i32 to vector<16xi32>
      %add3A_237 = arith.addi %mul3A_220, %add3A_236 : vector<16xi32>
      tpu.vector_store_idx %arg9[%add3A_212, %add3A_237], %gather3A_231 : memref<128x128xf32, #tpu.memory_space<vmem>>[vector<16xi32>, vector<16xi32>], vector<16xf32>,
      %add3A_238 = arith.constant 2 : i32
      %add3A_239 = vector.broadcast %add3A_238 : i32 to vector<16xi32>
      %add3A_240 = arith.addi %mul3A_220, %add3A_239 : vector<16xi32>
      tpu.vector_store_idx %arg9[%add3A_212, %add3A_240], %gather3A_234 : memref<128x128xf32, #tpu.memory_space<vmem>>[vector<16xi32>, vector<16xi32>], vector<16xf32>,
      %iota3A_241 = tpu.iota {dimensions = array<i32: 0>} : vector<16xi32>
      %add3A_242 = arith.constant 112 : i32
      %add3A_243 = vector.broadcast %add3A_242 : i32 to vector<16xi32>
      %add3A_244 = arith.addi %iota3A_241, %add3A_243 : vector<16xi32>
      %get3A_245 = arith.constant 112 : index
      %get3A_246 = tpu.vector_load %arg6[%get3A_245] {strides = array<i32>} : memref<128xi32, #tpu.memory_space<vmem>>, vector<16xi32>,
      %and3A_247 = arith.constant 7 : i32
      %and3A_248 = vector.broadcast %and3A_247 : i32 to vector<16xi32>
      %and3A_249 = arith.andi %get3A_246, %and3A_248 : vector<16xi32>
      %mul3A_250 = arith.constant 16 : i32
      %mul3A_251 = vector.broadcast %mul3A_250 : i32 to vector<16xi32>
      %mul3A_252 = arith.muli %and3A_249, %mul3A_251 : vector<16xi32>
      %shift_right_logical3A_253 = arith.constant 3 : i32
      %shift_right_logical3A_254 = vector.broadcast %shift_right_logical3A_253 : i32 to vector<16xi32>
      %shift_right_logical3A_255 = arith.shrui %get3A_246, %shift_right_logical3A_254 : vector<16xi32>
      %swap3A_256 = arith.constant 112 : index
      %swap3A_257 = tpu.vector_load %arg7[%swap3A_256] {strides = array<i32>} : memref<128xi32, #tpu.memory_space<vmem>>, vector<16xi32>,
      tpu.vector_store %arg7[%swap3A_256], %shift_right_logical3A_255 {strides = array<i32>} : memref<128xi32, #tpu.memory_space<vmem>>, vector<16xi32>,
      %broadcast_in_dim3A_258 = arith.constant 0 : i32
      %broadcast_in_dim3A_259 = vector.broadcast %broadcast_in_dim3A_258 : i32 to vector<16xi32>
      %gather3A_260 = tpu.vector_load_idx %arg8[%add3A_244, %broadcast_in_dim3A_259] : memref<128x16xf32, #tpu.memory_space<vmem>>[vector<16xi32>, vector<16xi32>], vector<16xf32>,
      %broadcast_in_dim3A_261 = arith.constant 1 : i32
      %broadcast_in_dim3A_262 = vector.broadcast %broadcast_in_dim3A_261 : i32 to vector<16xi32>
      %gather3A_263 = tpu.vector_load_idx %arg8[%add3A_244, %broadcast_in_dim3A_262] : memref<128x16xf32, #tpu.memory_space<vmem>>[vector<16xi32>, vector<16xi32>], vector<16xf32>,
      %broadcast_in_dim3A_264 = arith.constant 2 : i32
      %broadcast_in_dim3A_265 = vector.broadcast %broadcast_in_dim3A_264 : i32 to vector<16xi32>
      %gather3A_266 = tpu.vector_load_idx %arg8[%add3A_244, %broadcast_in_dim3A_265] : memref<128x16xf32, #tpu.memory_space<vmem>>[vector<16xi32>, vector<16xi32>], vector<16xf32>,
      tpu.vector_store_idx %arg9[%add3A_244, %mul3A_252], %gather3A_260 : memref<128x128xf32, #tpu.memory_space<vmem>>[vector<16xi32>, vector<16xi32>], vector<16xf32>,
      %add3A_267 = arith.constant 1 : i32
      %add3A_268 = vector.broadcast %add3A_267 : i32 to vector<16xi32>
      %add3A_269 = arith.addi %mul3A_252, %add3A_268 : vector<16xi32>
      tpu.vector_store_idx %arg9[%add3A_244, %add3A_269], %gather3A_263 : memref<128x128xf32, #tpu.memory_space<vmem>>[vector<16xi32>, vector<16xi32>], vector<16xf32>,
      %add3A_270 = arith.constant 2 : i32
      %add3A_271 = vector.broadcast %add3A_270 : i32 to vector<16xi32>
      %add3A_272 = arith.addi %mul3A_252, %add3A_271 : vector<16xi32>
      tpu.vector_store_idx %arg9[%add3A_244, %add3A_272], %gather3A_266 : memref<128x128xf32, #tpu.memory_space<vmem>>[vector<16xi32>, vector<16xi32>], vector<16xf32>,
      "tpu.region"() ({
        %run_scoped3A = tpu.sem_alloc : memref<!tpu.dma_semaphore, #tpu.memory_space<semaphore_mem>>
        %dma_start3A = arith.constant 0 : i32
        %dma_start3A_419 = arith.constant 0 : i32
        %dma_start3A_420 = tpu.memref_slice %arg11[%dma_start3A, %dma_start3A_419] : memref<1280x128xf32, #tpu.memory_space<vmem_shared>> -> memref<1280x128xf32, #tpu.memory_space<vmem_shared>>
        tpu.enqueue_indirect_dma source(%arg9 : memref<128x128xf32, #tpu.memory_space<vmem>>) target(%dma_start3A_420 : memref<1280x128xf32, #tpu.memory_space<vmem_shared>>) offsets(%arg7 : memref<128xi32, #tpu.memory_space<vmem>>) semaphore(%run_scoped3A : memref<!tpu.dma_semaphore, #tpu.memory_space<semaphore_mem>>) {add = true}
        %dma_wait3A = arith.constant 0 : i32
        %dma_wait3A_421 = arith.constant 0 : i32
        %dma_wait3A_422 = tpu.memref_slice %arg11[%dma_wait3A, %dma_wait3A_421] : memref<1280x128xf32, #tpu.memory_space<vmem_shared>> -> memref<1280x128xf32, #tpu.memory_space<vmem_shared>>
        tpu.wait_indirect_dma semaphore(%run_scoped3A : memref<!tpu.dma_semaphore, #tpu.memory_space<semaphore_mem>>) src(%arg9 : memref<128x128xf32, #tpu.memory_space<vmem>>) dst(%dma_wait3A_422 : memref<1280x128xf32, #tpu.memory_space<vmem_shared>>)
        tpu.yield
      }) : () -> ()
      %broadcast_in_dim3A_273 = arith.constant 0.000000e+00 : f32
      %broadcast_in_dim3A_274 = vector.broadcast %broadcast_in_dim3A_273 : f32 to vector<16xf32>
      %iota3A_275 = tpu.iota {dimensions = array<i32: 0>} : vector<16xi32>
      %add3A_276 = arith.constant 0 : i32
      %add3A_277 = vector.broadcast %add3A_276 : i32 to vector<16xi32>
      %add3A_278 = arith.addi %iota3A_275, %add3A_277 : vector<16xi32>
      %get3A_279 = arith.constant 0 : index
      %get3A_280 = tpu.vector_load %arg6[%get3A_279] {strides = array<i32>} : memref<128xi32, #tpu.memory_space<vmem>>, vector<16xi32>,
      %and3A_281 = arith.constant 7 : i32
      %and3A_282 = vector.broadcast %and3A_281 : i32 to vector<16xi32>
      %and3A_283 = arith.andi %get3A_280, %and3A_282 : vector<16xi32>
      %mul3A_284 = arith.constant 16 : i32
      %mul3A_285 = vector.broadcast %mul3A_284 : i32 to vector<16xi32>
      %mul3A_286 = arith.muli %and3A_283, %mul3A_285 : vector<16xi32>
      tpu.vector_store_idx %arg9[%add3A_278, %mul3A_286], %broadcast_in_dim3A_274 : memref<128x128xf32, #tpu.memory_space<vmem>>[vector<16xi32>, vector<16xi32>], vector<16xf32>,
      %add3A_287 = arith.constant 1 : i32
      %add3A_288 = vector.broadcast %add3A_287 : i32 to vector<16xi32>
      %add3A_289 = arith.addi %mul3A_286, %add3A_288 : vector<16xi32>
      tpu.vector_store_idx %arg9[%add3A_278, %add3A_289], %broadcast_in_dim3A_274 : memref<128x128xf32, #tpu.memory_space<vmem>>[vector<16xi32>, vector<16xi32>], vector<16xf32>,
      %add3A_290 = arith.constant 2 : i32
      %add3A_291 = vector.broadcast %add3A_290 : i32 to vector<16xi32>
      %add3A_292 = arith.addi %mul3A_286, %add3A_291 : vector<16xi32>
      tpu.vector_store_idx %arg9[%add3A_278, %add3A_292], %broadcast_in_dim3A_274 : memref<128x128xf32, #tpu.memory_space<vmem>>[vector<16xi32>, vector<16xi32>], vector<16xf32>,
      %iota3A_293 = tpu.iota {dimensions = array<i32: 0>} : vector<16xi32>
      %add3A_294 = arith.constant 16 : i32
      %add3A_295 = vector.broadcast %add3A_294 : i32 to vector<16xi32>
      %add3A_296 = arith.addi %iota3A_293, %add3A_295 : vector<16xi32>
      %get3A_297 = arith.constant 16 : index
      %get3A_298 = tpu.vector_load %arg6[%get3A_297] {strides = array<i32>} : memref<128xi32, #tpu.memory_space<vmem>>, vector<16xi32>,
      %and3A_299 = arith.constant 7 : i32
      %and3A_300 = vector.broadcast %and3A_299 : i32 to vector<16xi32>
      %and3A_301 = arith.andi %get3A_298, %and3A_300 : vector<16xi32>
      %mul3A_302 = arith.constant 16 : i32
      %mul3A_303 = vector.broadcast %mul3A_302 : i32 to vector<16xi32>
      %mul3A_304 = arith.muli %and3A_301, %mul3A_303 : vector<16xi32>
      tpu.vector_store_idx %arg9[%add3A_296, %mul3A_304], %broadcast_in_dim3A_274 : memref<128x128xf32, #tpu.memory_space<vmem>>[vector<16xi32>, vector<16xi32>], vector<16xf32>,
      %add3A_305 = arith.constant 1 : i32
      %add3A_306 = vector.broadcast %add3A_305 : i32 to vector<16xi32>
      %add3A_307 = arith.addi %mul3A_304, %add3A_306 : vector<16xi32>
      tpu.vector_store_idx %arg9[%add3A_296, %add3A_307], %broadcast_in_dim3A_274 : memref<128x128xf32, #tpu.memory_space<vmem>>[vector<16xi32>, vector<16xi32>], vector<16xf32>,
      %add3A_308 = arith.constant 2 : i32
      %add3A_309 = vector.broadcast %add3A_308 : i32 to vector<16xi32>
      %add3A_310 = arith.addi %mul3A_304, %add3A_309 : vector<16xi32>
      tpu.vector_store_idx %arg9[%add3A_296, %add3A_310], %broadcast_in_dim3A_274 : memref<128x128xf32, #tpu.memory_space<vmem>>[vector<16xi32>, vector<16xi32>], vector<16xf32>,
      %iota3A_311 = tpu.iota {dimensions = array<i32: 0>} : vector<16xi32>
      %add3A_312 = arith.constant 32 : i32
      %add3A_313 = vector.broadcast %add3A_312 : i32 to vector<16xi32>
      %add3A_314 = arith.addi %iota3A_311, %add3A_313 : vector<16xi32>
      %get3A_315 = arith.constant 32 : index
      %get3A_316 = tpu.vector_load %arg6[%get3A_315] {strides = array<i32>} : memref<128xi32, #tpu.memory_space<vmem>>, vector<16xi32>,
      %and3A_317 = arith.constant 7 : i32
      %and3A_318 = vector.broadcast %and3A_317 : i32 to vector<16xi32>
      %and3A_319 = arith.andi %get3A_316, %and3A_318 : vector<16xi32>
      %mul3A_320 = arith.constant 16 : i32
      %mul3A_321 = vector.broadcast %mul3A_320 : i32 to vector<16xi32>
      %mul3A_322 = arith.muli %and3A_319, %mul3A_321 : vector<16xi32>
      tpu.vector_store_idx %arg9[%add3A_314, %mul3A_322], %broadcast_in_dim3A_274 : memref<128x128xf32, #tpu.memory_space<vmem>>[vector<16xi32>, vector<16xi32>], vector<16xf32>,
      %add3A_323 = arith.constant 1 : i32
      %add3A_324 = vector.broadcast %add3A_323 : i32 to vector<16xi32>
      %add3A_325 = arith.addi %mul3A_322, %add3A_324 : vector<16xi32>
      tpu.vector_store_idx %arg9[%add3A_314, %add3A_325], %broadcast_in_dim3A_274 : memref<128x128xf32, #tpu.memory_space<vmem>>[vector<16xi32>, vector<16xi32>], vector<16xf32>,
      %add3A_326 = arith.constant 2 : i32
      %add3A_327 = vector.broadcast %add3A_326 : i32 to vector<16xi32>
      %add3A_328 = arith.addi %mul3A_322, %add3A_327 : vector<16xi32>
      tpu.vector_store_idx %arg9[%add3A_314, %add3A_328], %broadcast_in_dim3A_274 : memref<128x128xf32, #tpu.memory_space<vmem>>[vector<16xi32>, vector<16xi32>], vector<16xf32>,
      %iota3A_329 = tpu.iota {dimensions = array<i32: 0>} : vector<16xi32>
      %add3A_330 = arith.constant 48 : i32
      %add3A_331 = vector.broadcast %add3A_330 : i32 to vector<16xi32>
      %add3A_332 = arith.addi %iota3A_329, %add3A_331 : vector<16xi32>
      %get3A_333 = arith.constant 48 : index
      %get3A_334 = tpu.vector_load %arg6[%get3A_333] {strides = array<i32>} : memref<128xi32, #tpu.memory_space<vmem>>, vector<16xi32>,
      %and3A_335 = arith.constant 7 : i32
      %and3A_336 = vector.broadcast %and3A_335 : i32 to vector<16xi32>
      %and3A_337 = arith.andi %get3A_334, %and3A_336 : vector<16xi32>
      %mul3A_338 = arith.constant 16 : i32
      %mul3A_339 = vector.broadcast %mul3A_338 : i32 to vector<16xi32>
      %mul3A_340 = arith.muli %and3A_337, %mul3A_339 : vector<16xi32>
      tpu.vector_store_idx %arg9[%add3A_332, %mul3A_340], %broadcast_in_dim3A_274 : memref<128x128xf32, #tpu.memory_space<vmem>>[vector<16xi32>, vector<16xi32>], vector<16xf32>,
      %add3A_341 = arith.constant 1 : i32
      %add3A_342 = vector.broadcast %add3A_341 : i32 to vector<16xi32>
      %add3A_343 = arith.addi %mul3A_340, %add3A_342 : vector<16xi32>
      tpu.vector_store_idx %arg9[%add3A_332, %add3A_343], %broadcast_in_dim3A_274 : memref<128x128xf32, #tpu.memory_space<vmem>>[vector<16xi32>, vector<16xi32>], vector<16xf32>,
      %add3A_344 = arith.constant 2 : i32
      %add3A_345 = vector.broadcast %add3A_344 : i32 to vector<16xi32>
      %add3A_346 = arith.addi %mul3A_340, %add3A_345 : vector<16xi32>
      tpu.vector_store_idx %arg9[%add3A_332, %add3A_346], %broadcast_in_dim3A_274 : memref<128x128xf32, #tpu.memory_space<vmem>>[vector<16xi32>, vector<16xi32>], vector<16xf32>,
      %iota3A_347 = tpu.iota {dimensions = array<i32: 0>} : vector<16xi32>
      %add3A_348 = arith.constant 64 : i32
      %add3A_349 = vector.broadcast %add3A_348 : i32 to vector<16xi32>
      %add3A_350 = arith.addi %iota3A_347, %add3A_349 : vector<16xi32>
      %get3A_351 = arith.constant 64 : index
      %get3A_352 = tpu.vector_load %arg6[%get3A_351] {strides = array<i32>} : memref<128xi32, #tpu.memory_space<vmem>>, vector<16xi32>,
      %and3A_353 = arith.constant 7 : i32
      %and3A_354 = vector.broadcast %and3A_353 : i32 to vector<16xi32>
      %and3A_355 = arith.andi %get3A_352, %and3A_354 : vector<16xi32>
      %mul3A_356 = arith.constant 16 : i32
      %mul3A_357 = vector.broadcast %mul3A_356 : i32 to vector<16xi32>
      %mul3A_358 = arith.muli %and3A_355, %mul3A_357 : vector<16xi32>
      tpu.vector_store_idx %arg9[%add3A_350, %mul3A_358], %broadcast_in_dim3A_274 : memref<128x128xf32, #tpu.memory_space<vmem>>[vector<16xi32>, vector<16xi32>], vector<16xf32>,
      %add3A_359 = arith.constant 1 : i32
      %add3A_360 = vector.broadcast %add3A_359 : i32 to vector<16xi32>
      %add3A_361 = arith.addi %mul3A_358, %add3A_360 : vector<16xi32>
      tpu.vector_store_idx %arg9[%add3A_350, %add3A_361], %broadcast_in_dim3A_274 : memref<128x128xf32, #tpu.memory_space<vmem>>[vector<16xi32>, vector<16xi32>], vector<16xf32>,
      %add3A_362 = arith.constant 2 : i32
      %add3A_363 = vector.broadcast %add3A_362 : i32 to vector<16xi32>
      %add3A_364 = arith.addi %mul3A_358, %add3A_363 : vector<16xi32>
      tpu.vector_store_idx %arg9[%add3A_350, %add3A_364], %broadcast_in_dim3A_274 : memref<128x128xf32, #tpu.memory_space<vmem>>[vector<16xi32>, vector<16xi32>], vector<16xf32>,
      %iota3A_365 = tpu.iota {dimensions = array<i32: 0>} : vector<16xi32>
      %add3A_366 = arith.constant 80 : i32
      %add3A_367 = vector.broadcast %add3A_366 : i32 to vector<16xi32>
      %add3A_368 = arith.addi %iota3A_365, %add3A_367 : vector<16xi32>
      %get3A_369 = arith.constant 80 : index
      %get3A_370 = tpu.vector_load %arg6[%get3A_369] {strides = array<i32>} : memref<128xi32, #tpu.memory_space<vmem>>, vector<16xi32>,
      %and3A_371 = arith.constant 7 : i32
      %and3A_372 = vector.broadcast %and3A_371 : i32 to vector<16xi32>
      %and3A_373 = arith.andi %get3A_370, %and3A_372 : vector<16xi32>
      %mul3A_374 = arith.constant 16 : i32
      %mul3A_375 = vector.broadcast %mul3A_374 : i32 to vector<16xi32>
      %mul3A_376 = arith.muli %and3A_373, %mul3A_375 : vector<16xi32>
      tpu.vector_store_idx %arg9[%add3A_368, %mul3A_376], %broadcast_in_dim3A_274 : memref<128x128xf32, #tpu.memory_space<vmem>>[vector<16xi32>, vector<16xi32>], vector<16xf32>,
      %add3A_377 = arith.constant 1 : i32
      %add3A_378 = vector.broadcast %add3A_377 : i32 to vector<16xi32>
      %add3A_379 = arith.addi %mul3A_376, %add3A_378 : vector<16xi32>
      tpu.vector_store_idx %arg9[%add3A_368, %add3A_379], %broadcast_in_dim3A_274 : memref<128x128xf32, #tpu.memory_space<vmem>>[vector<16xi32>, vector<16xi32>], vector<16xf32>,
      %add3A_380 = arith.constant 2 : i32
      %add3A_381 = vector.broadcast %add3A_380 : i32 to vector<16xi32>
      %add3A_382 = arith.addi %mul3A_376, %add3A_381 : vector<16xi32>
      tpu.vector_store_idx %arg9[%add3A_368, %add3A_382], %broadcast_in_dim3A_274 : memref<128x128xf32, #tpu.memory_space<vmem>>[vector<16xi32>, vector<16xi32>], vector<16xf32>,
      %iota3A_383 = tpu.iota {dimensions = array<i32: 0>} : vector<16xi32>
      %add3A_384 = arith.constant 96 : i32
      %add3A_385 = vector.broadcast %add3A_384 : i32 to vector<16xi32>
      %add3A_386 = arith.addi %iota3A_383, %add3A_385 : vector<16xi32>
      %get3A_387 = arith.constant 96 : index
      %get3A_388 = tpu.vector_load %arg6[%get3A_387] {strides = array<i32>} : memref<128xi32, #tpu.memory_space<vmem>>, vector<16xi32>,
      %and3A_389 = arith.constant 7 : i32
      %and3A_390 = vector.broadcast %and3A_389 : i32 to vector<16xi32>
      %and3A_391 = arith.andi %get3A_388, %and3A_390 : vector<16xi32>
      %mul3A_392 = arith.constant 16 : i32
      %mul3A_393 = vector.broadcast %mul3A_392 : i32 to vector<16xi32>
      %mul3A_394 = arith.muli %and3A_391, %mul3A_393 : vector<16xi32>
      tpu.vector_store_idx %arg9[%add3A_386, %mul3A_394], %broadcast_in_dim3A_274 : memref<128x128xf32, #tpu.memory_space<vmem>>[vector<16xi32>, vector<16xi32>], vector<16xf32>,
      %add3A_395 = arith.constant 1 : i32
      %add3A_396 = vector.broadcast %add3A_395 : i32 to vector<16xi32>
      %add3A_397 = arith.addi %mul3A_394, %add3A_396 : vector<16xi32>
      tpu.vector_store_idx %arg9[%add3A_386, %add3A_397], %broadcast_in_dim3A_274 : memref<128x128xf32, #tpu.memory_space<vmem>>[vector<16xi32>, vector<16xi32>], vector<16xf32>,
      %add3A_398 = arith.constant 2 : i32
      %add3A_399 = vector.broadcast %add3A_398 : i32 to vector<16xi32>
      %add3A_400 = arith.addi %mul3A_394, %add3A_399 : vector<16xi32>
      tpu.vector_store_idx %arg9[%add3A_386, %add3A_400], %broadcast_in_dim3A_274 : memref<128x128xf32, #tpu.memory_space<vmem>>[vector<16xi32>, vector<16xi32>], vector<16xf32>,
      %iota3A_401 = tpu.iota {dimensions = array<i32: 0>} : vector<16xi32>
      %add3A_402 = arith.constant 112 : i32
      %add3A_403 = vector.broadcast %add3A_402 : i32 to vector<16xi32>
      %add3A_404 = arith.addi %iota3A_401, %add3A_403 : vector<16xi32>
      %get3A_405 = arith.constant 112 : index
      %get3A_406 = tpu.vector_load %arg6[%get3A_405] {strides = array<i32>} : memref<128xi32, #tpu.memory_space<vmem>>, vector<16xi32>,
      %and3A_407 = arith.constant 7 : i32
      %and3A_408 = vector.broadcast %and3A_407 : i32 to vector<16xi32>
      %and3A_409 = arith.andi %get3A_406, %and3A_408 : vector<16xi32>
      %mul3A_410 = arith.constant 16 : i32
      %mul3A_411 = vector.broadcast %mul3A_410 : i32 to vector<16xi32>
      %mul3A_412 = arith.muli %and3A_409, %mul3A_411 : vector<16xi32>
      tpu.vector_store_idx %arg9[%add3A_404, %mul3A_412], %broadcast_in_dim3A_274 : memref<128x128xf32, #tpu.memory_space<vmem>>[vector<16xi32>, vector<16xi32>], vector<16xf32>,
      %add3A_413 = arith.constant 1 : i32
      %add3A_414 = vector.broadcast %add3A_413 : i32 to vector<16xi32>
      %add3A_415 = arith.addi %mul3A_412, %add3A_414 : vector<16xi32>
      tpu.vector_store_idx %arg9[%add3A_404, %add3A_415], %broadcast_in_dim3A_274 : memref<128x128xf32, #tpu.memory_space<vmem>>[vector<16xi32>, vector<16xi32>], vector<16xf32>,
      %add3A_416 = arith.constant 2 : i32
      %add3A_417 = vector.broadcast %add3A_416 : i32 to vector<16xi32>
      %add3A_418 = arith.addi %mul3A_412, %add3A_417 : vector<16xi32>
      tpu.vector_store_idx %arg9[%add3A_404, %add3A_418], %broadcast_in_dim3A_274 : memref<128x128xf32, #tpu.memory_space<vmem>>[vector<16xi32>, vector<16xi32>], vector<16xf32>,
    }
    %scan3A_15 = arith.constant 80 : i32
    %barrier3A_16 = arith.constant 0 : index
    tpu.barrier barrier_id(%barrier3A_16)
    "tpu.region"() ({
      %run_scoped3A = tpu.sem_alloc : memref<!tpu.dma_semaphore, #tpu.memory_space<semaphore_mem>>
      %dma_start3A = arith.constant 0 : i32
      %dma_start3A_20 = tpu.memref_slice %arg11[%mul3A_0, %dma_start3A] : memref<1280x128xf32, #tpu.memory_space<vmem_shared>> -> memref<80x128xf32, #tpu.memory_space<vmem_shared>>
      %dma_start3A_21 = arith.constant 0 : i32
      %dma_start3A_22 = tpu.memref_slice %arg11[%mul3A_0, %dma_start3A_21] : memref<1280x128xf32, #tpu.memory_space<vmem_shared>> -> memref<80x128xf32, #tpu.memory_space<vmem_shared>>
      tpu.enqueue_dma source(%dma_start3A_22 : memref<80x128xf32, #tpu.memory_space<vmem_shared>>) target(%arg10 : memref<80x128xf32, #tpu.memory_space<vmem>>) target_semaphore(%run_scoped3A : memref<!tpu.dma_semaphore, #tpu.memory_space<semaphore_mem>>)
      %dma_wait3A = arith.constant 0 : i32
      %dma_wait3A_23 = tpu.memref_slice %arg11[%mul3A_0, %dma_wait3A] : memref<1280x128xf32, #tpu.memory_space<vmem_shared>> -> memref<80x128xf32, #tpu.memory_space<vmem_shared>>
      %dma_wait3A_24 = arith.constant 0 : i32
      %dma_wait3A_25 = tpu.memref_slice %arg11[%mul3A_0, %dma_wait3A_24] : memref<1280x128xf32, #tpu.memory_space<vmem_shared>> -> memref<80x128xf32, #tpu.memory_space<vmem_shared>>
      tpu.wait_dma2 semaphore(%run_scoped3A : memref<!tpu.dma_semaphore, #tpu.memory_space<semaphore_mem>>) src(%dma_wait3A_25 : memref<80x128xf32, #tpu.memory_space<vmem_shared>>) dst(%arg10 : memref<80x128xf32, #tpu.memory_space<vmem>>)
      tpu.yield
    }) : () -> ()
    %mul3A_17 = arith.constant 1280 : i32
    %mul3A_18 = arith.muli %arg0, %mul3A_17 : i32
    %add3A_19 = arith.addi %mul3A_18, %mul3A_0 : i32
    "tpu.region"() ({
      %run_scoped3A = tpu.sem_alloc : memref<!tpu.dma_semaphore, #tpu.memory_space<semaphore_mem>>
      %dma_start3A = arith.constant 0 : i32
      %dma_start3A_20 = tpu.memref_slice %arg5[%add3A_19, %dma_start3A] : memref<2560x128xf32, #tpu.memory_space<hbm>> -> memref<80x128xf32, #tpu.memory_space<hbm>>
      %dma_start3A_21 = arith.constant 0 : i32
      %dma_start3A_22 = tpu.memref_slice %arg5[%add3A_19, %dma_start3A_21] : memref<2560x128xf32, #tpu.memory_space<hbm>> -> memref<80x128xf32, #tpu.memory_space<hbm>>
      tpu.enqueue_dma source(%arg10 : memref<80x128xf32, #tpu.memory_space<vmem>>) target(%dma_start3A_22 : memref<80x128xf32, #tpu.memory_space<hbm>>) target_semaphore(%run_scoped3A : memref<!tpu.dma_semaphore, #tpu.memory_space<semaphore_mem>>)
      %dma_wait3A = arith.constant 0 : i32
      %dma_wait3A_23 = tpu.memref_slice %arg5[%add3A_19, %dma_wait3A] : memref<2560x128xf32, #tpu.memory_space<hbm>> -> memref<80x128xf32, #tpu.memory_space<hbm>>
      %dma_wait3A_24 = arith.constant 0 : i32
      %dma_wait3A_25 = tpu.memref_slice %arg5[%add3A_19, %dma_wait3A_24] : memref<2560x128xf32, #tpu.memory_space<hbm>> -> memref<80x128xf32, #tpu.memory_space<hbm>>
      tpu.wait_dma2 semaphore(%run_scoped3A : memref<!tpu.dma_semaphore, #tpu.memory_space<semaphore_mem>>) src(%arg10 : memref<80x128xf32, #tpu.memory_space<vmem>>) dst(%dma_wait3A_25 : memref<80x128xf32, #tpu.memory_space<hbm>>)
      tpu.yield
    }) : () -> ()
    return
  }
}

#map = affine_map<(d0, d1) -> (0, 0)>
#map1 = affine_map<(d0, d1) -> (0)>
module attributes {stable_mosaic.version = 14 : i64} {
  func.func @_gather_k(%arg0: i32, %arg1: i32, %arg2: memref<10240x128xf32, #tpu.memory_space<hbm>>, %arg3: memref<10240x128xf32, #tpu.memory_space<hbm>>, %arg4: memref<10240xf32, #tpu.memory_space<hbm>>, %arg5: memref<10240xf32, #tpu.memory_space<hbm>>, %arg6: memref<10240xf32, #tpu.memory_space<hbm>>, %arg7: memref<327680xi32, #tpu.memory_space<hbm>>, %arg8: memref<327680xi32, #tpu.memory_space<hbm>>, %arg9: memref<327680x128xf32, #tpu.memory_space<hbm>>, %arg10: memref<327680x128xf32, #tpu.memory_space<hbm>>, %arg11: memref<327680x16xf32, #tpu.memory_space<hbm>>, %arg12: memref<128xi32, #tpu.memory_space<vmem>>, %arg13: memref<128xi32, #tpu.memory_space<vmem>>, %arg14: memref<128x128xf32, #tpu.memory_space<vmem>>, %arg15: memref<128x128xf32, #tpu.memory_space<vmem>>, %arg16: memref<128x16xf32, #tpu.memory_space<vmem>>, %arg17: memref<10240xf32, #tpu.memory_space<vmem>>, %arg18: memref<10240xf32, #tpu.memory_space<vmem>>, %arg19: memref<10240xf32, #tpu.memory_space<vmem>>, %arg20: memref<!tpu.dma_semaphore, #tpu.memory_space<semaphore_mem>>, %arg21: memref<!tpu.dma_semaphore, #tpu.memory_space<semaphore_mem>>) attributes {dimension_semantics = [#tpu.dimension_semantics<core_parallel>, #tpu.dimension_semantics<subcore_parallel>], iteration_bounds = array<i64: 2, 16>, scalar_prefetch = 0 : i64, scratch_operands = 10 : i64, tpu.core_type = #tpu.core_type<sc_vector_subcore>, window_params = [{transform_indices = #map}, {transform_indices = #map}, {transform_indices = #map1}, {transform_indices = #map1}, {transform_indices = #map1}, {transform_indices = #map1}, {transform_indices = #map1}, {transform_indices = #map}, {transform_indices = #map}, {transform_indices = #map}]} {
    %mul3A = arith.constant 2 : i32
    %mul3A_0 = arith.muli %arg1, %mul3A : i32
    %add3A = arith.addi %mul3A_0, %arg0 : i32
    %mul3A_1 = arith.constant 10240 : i32
    %mul3A_2 = arith.muli %add3A, %mul3A_1 : i32
    "tpu.region"() ({
      %run_scoped3A = tpu.sem_alloc : memref<!tpu.dma_semaphore, #tpu.memory_space<semaphore_mem>>
      tpu.enqueue_dma source(%arg4 : memref<10240xf32, #tpu.memory_space<hbm>>) target(%arg17 : memref<10240xf32, #tpu.memory_space<vmem>>) target_semaphore(%run_scoped3A : memref<!tpu.dma_semaphore, #tpu.memory_space<semaphore_mem>>)
      tpu.wait_dma2 semaphore(%run_scoped3A : memref<!tpu.dma_semaphore, #tpu.memory_space<semaphore_mem>>) src(%arg4 : memref<10240xf32, #tpu.memory_space<hbm>>) dst(%arg17 : memref<10240xf32, #tpu.memory_space<vmem>>)
      tpu.yield
    }) : () -> ()
    "tpu.region"() ({
      %run_scoped3A = tpu.sem_alloc : memref<!tpu.dma_semaphore, #tpu.memory_space<semaphore_mem>>
      tpu.enqueue_dma source(%arg5 : memref<10240xf32, #tpu.memory_space<hbm>>) target(%arg18 : memref<10240xf32, #tpu.memory_space<vmem>>) target_semaphore(%run_scoped3A : memref<!tpu.dma_semaphore, #tpu.memory_space<semaphore_mem>>)
      tpu.wait_dma2 semaphore(%run_scoped3A : memref<!tpu.dma_semaphore, #tpu.memory_space<semaphore_mem>>) src(%arg5 : memref<10240xf32, #tpu.memory_space<hbm>>) dst(%arg18 : memref<10240xf32, #tpu.memory_space<vmem>>)
      tpu.yield
    }) : () -> ()
    "tpu.region"() ({
      %run_scoped3A = tpu.sem_alloc : memref<!tpu.dma_semaphore, #tpu.memory_space<semaphore_mem>>
      tpu.enqueue_dma source(%arg6 : memref<10240xf32, #tpu.memory_space<hbm>>) target(%arg19 : memref<10240xf32, #tpu.memory_space<vmem>>) target_semaphore(%run_scoped3A : memref<!tpu.dma_semaphore, #tpu.memory_space<semaphore_mem>>)
      tpu.wait_dma2 semaphore(%run_scoped3A : memref<!tpu.dma_semaphore, #tpu.memory_space<semaphore_mem>>) src(%arg6 : memref<10240xf32, #tpu.memory_space<hbm>>) dst(%arg19 : memref<10240xf32, #tpu.memory_space<vmem>>)
      tpu.yield
    }) : () -> ()
    %scan3A = arith.constant 0 : i32
    %scan3A_3 = arith.constant 0 : i32
    %scan3A_4 = arith.constant 128 : i32
    %scan3A_5 = arith.addi %scan3A_3, %scan3A_4 : i32
    %scan3A_6 = arith.constant 1 : i32
    scf.for %scan3A_14 = %scan3A_3 to %scan3A_5 step %scan3A_6  : i32 {
      %broadcast_in_dim3A = arith.constant 0.000000e+00 : f32
      %broadcast_in_dim3A_15 = vector.broadcast %broadcast_in_dim3A : f32 to vector<16xf32>
      %swap3A = arith.index_cast %scan3A_14 : i32 to index
      %swap3A_16 = arith.constant 0 : index
      %swap3A_17 = tpu.vector_load %arg16[%swap3A, %swap3A_16] {strides = array<i32>} : memref<128x16xf32, #tpu.memory_space<vmem>>, vector<16xf32>,
      tpu.vector_store %arg16[%swap3A, %swap3A_16], %broadcast_in_dim3A_15 {strides = array<i32>} : memref<128x16xf32, #tpu.memory_space<vmem>>, vector<16xf32>,
    }
    %scan3A_7 = arith.constant 128 : i32
    %scan3A_8 = arith.constant 0 : i32
    %scan3A_9 = arith.constant 0 : i32
    %scan3A_10 = arith.constant 80 : i32
    %scan3A_11 = arith.addi %scan3A_9, %scan3A_10 : i32
    %scan3A_12 = arith.constant 1 : i32
    scf.for %scan3A_14 = %scan3A_9 to %scan3A_11 step %scan3A_12  : i32 {
      %mul3A_15 = arith.constant 128 : i32
      %mul3A_16 = arith.muli %scan3A_14, %mul3A_15 : i32
      %add3A_17 = arith.addi %mul3A_2, %mul3A_16 : i32
      "tpu.region"() ({
        %run_scoped3A = tpu.sem_alloc : memref<!tpu.dma_semaphore, #tpu.memory_space<semaphore_mem>>
        %dma_start3A_263 = tpu.memref_slice %arg7[%add3A_17] : memref<327680xi32, #tpu.memory_space<hbm>> -> memref<128xi32, #tpu.memory_space<hbm>>
        %dma_start3A_264 = tpu.memref_slice %arg7[%add3A_17] : memref<327680xi32, #tpu.memory_space<hbm>> -> memref<128xi32, #tpu.memory_space<hbm>>
        tpu.enqueue_dma source(%dma_start3A_264 : memref<128xi32, #tpu.memory_space<hbm>>) target(%arg12 : memref<128xi32, #tpu.memory_space<vmem>>) target_semaphore(%run_scoped3A : memref<!tpu.dma_semaphore, #tpu.memory_space<semaphore_mem>>)
        %dma_wait3A_265 = tpu.memref_slice %arg7[%add3A_17] : memref<327680xi32, #tpu.memory_space<hbm>> -> memref<128xi32, #tpu.memory_space<hbm>>
        %dma_wait3A_266 = tpu.memref_slice %arg7[%add3A_17] : memref<327680xi32, #tpu.memory_space<hbm>> -> memref<128xi32, #tpu.memory_space<hbm>>
        tpu.wait_dma2 semaphore(%run_scoped3A : memref<!tpu.dma_semaphore, #tpu.memory_space<semaphore_mem>>) src(%dma_wait3A_266 : memref<128xi32, #tpu.memory_space<hbm>>) dst(%arg12 : memref<128xi32, #tpu.memory_space<vmem>>)
        tpu.yield
      }) : () -> ()
      "tpu.region"() ({
        %run_scoped3A = tpu.sem_alloc : memref<!tpu.dma_semaphore, #tpu.memory_space<semaphore_mem>>
        %dma_start3A_263 = tpu.memref_slice %arg8[%add3A_17] : memref<327680xi32, #tpu.memory_space<hbm>> -> memref<128xi32, #tpu.memory_space<hbm>>
        %dma_start3A_264 = tpu.memref_slice %arg8[%add3A_17] : memref<327680xi32, #tpu.memory_space<hbm>> -> memref<128xi32, #tpu.memory_space<hbm>>
        tpu.enqueue_dma source(%dma_start3A_264 : memref<128xi32, #tpu.memory_space<hbm>>) target(%arg13 : memref<128xi32, #tpu.memory_space<vmem>>) target_semaphore(%run_scoped3A : memref<!tpu.dma_semaphore, #tpu.memory_space<semaphore_mem>>)
        %dma_wait3A_265 = tpu.memref_slice %arg8[%add3A_17] : memref<327680xi32, #tpu.memory_space<hbm>> -> memref<128xi32, #tpu.memory_space<hbm>>
        %dma_wait3A_266 = tpu.memref_slice %arg8[%add3A_17] : memref<327680xi32, #tpu.memory_space<hbm>> -> memref<128xi32, #tpu.memory_space<hbm>>
        tpu.wait_dma2 semaphore(%run_scoped3A : memref<!tpu.dma_semaphore, #tpu.memory_space<semaphore_mem>>) src(%dma_wait3A_266 : memref<128xi32, #tpu.memory_space<hbm>>) dst(%arg13 : memref<128xi32, #tpu.memory_space<vmem>>)
        tpu.yield
      }) : () -> ()
      %dma_start3A = arith.constant 0 : i32
      %dma_start3A_18 = arith.constant 0 : i32
      %dma_start3A_19 = tpu.memref_slice %arg2[%dma_start3A, %dma_start3A_18] : memref<10240x128xf32, #tpu.memory_space<hbm>> -> memref<10240x128xf32, #tpu.memory_space<hbm>>
      tpu.enqueue_indirect_dma source(%dma_start3A_19 : memref<10240x128xf32, #tpu.memory_space<hbm>>) target(%arg14 : memref<128x128xf32, #tpu.memory_space<vmem>>) offsets(%arg12 : memref<128xi32, #tpu.memory_space<vmem>>) semaphore(%arg20 : memref<!tpu.dma_semaphore, #tpu.memory_space<semaphore_mem>>)
      %dma_start3A_20 = arith.constant 0 : i32
      %dma_start3A_21 = arith.constant 0 : i32
      %dma_start3A_22 = tpu.memref_slice %arg3[%dma_start3A_20, %dma_start3A_21] : memref<10240x128xf32, #tpu.memory_space<hbm>> -> memref<10240x128xf32, #tpu.memory_space<hbm>>
      tpu.enqueue_indirect_dma source(%dma_start3A_22 : memref<10240x128xf32, #tpu.memory_space<hbm>>) target(%arg15 : memref<128x128xf32, #tpu.memory_space<vmem>>) offsets(%arg13 : memref<128xi32, #tpu.memory_space<vmem>>) semaphore(%arg21 : memref<!tpu.dma_semaphore, #tpu.memory_space<semaphore_mem>>)
      %get3A = arith.constant 0 : index
      %get3A_23 = tpu.vector_load %arg12[%get3A] {strides = array<i32>} : memref<128xi32, #tpu.memory_space<vmem>>, vector<16xi32>,
      %get3A_24 = arith.constant 0 : index
      %get3A_25 = tpu.vector_load %arg13[%get3A_24] {strides = array<i32>} : memref<128xi32, #tpu.memory_space<vmem>>, vector<16xi32>,
      %gather3A = tpu.vector_load_idx %arg17[%get3A_23] : memref<10240xf32, #tpu.memory_space<vmem>>[vector<16xi32>], vector<16xf32>,
      %gather3A_26 = tpu.vector_load_idx %arg17[%get3A_25] : memref<10240xf32, #tpu.memory_space<vmem>>[vector<16xi32>], vector<16xf32>,
      %sub3A = arith.subf %gather3A, %gather3A_26 : vector<16xf32>
      %gather3A_27 = tpu.vector_load_idx %arg18[%get3A_23] : memref<10240xf32, #tpu.memory_space<vmem>>[vector<16xi32>], vector<16xf32>,
      %gather3A_28 = tpu.vector_load_idx %arg18[%get3A_25] : memref<10240xf32, #tpu.memory_space<vmem>>[vector<16xi32>], vector<16xf32>,
      %sub3A_29 = arith.subf %gather3A_27, %gather3A_28 : vector<16xf32>
      %gather3A_30 = tpu.vector_load_idx %arg19[%get3A_23] : memref<10240xf32, #tpu.memory_space<vmem>>[vector<16xi32>], vector<16xf32>,
      %gather3A_31 = tpu.vector_load_idx %arg19[%get3A_25] : memref<10240xf32, #tpu.memory_space<vmem>>[vector<16xi32>], vector<16xf32>,
      %sub3A_32 = arith.subf %gather3A_30, %gather3A_31 : vector<16xf32>
      %mul3A_33 = arith.mulf %sub3A, %sub3A : vector<16xf32>
      %mul3A_34 = arith.mulf %sub3A_29, %sub3A_29 : vector<16xf32>
      %add3A_35 = arith.addf %mul3A_33, %mul3A_34 : vector<16xf32>
      %mul3A_36 = arith.mulf %sub3A_32, %sub3A_32 : vector<16xf32>
      %add3A_37 = arith.addf %add3A_35, %mul3A_36 : vector<16xf32>
      %iota3A = tpu.iota {dimensions = array<i32: 0>} : vector<16xi32>
      %add3A_38 = arith.constant 0 : i32
      %add3A_39 = vector.broadcast %add3A_38 : i32 to vector<16xi32>
      %add3A_40 = arith.addi %iota3A, %add3A_39 : vector<16xi32>
      %broadcast_in_dim3A = arith.constant 0 : i32
      %broadcast_in_dim3A_41 = vector.broadcast %broadcast_in_dim3A : i32 to vector<16xi32>
      tpu.vector_store_idx %arg16[%add3A_40, %broadcast_in_dim3A_41], %sub3A : memref<128x16xf32, #tpu.memory_space<vmem>>[vector<16xi32>, vector<16xi32>], vector<16xf32>,
      %broadcast_in_dim3A_42 = arith.constant 1 : i32
      %broadcast_in_dim3A_43 = vector.broadcast %broadcast_in_dim3A_42 : i32 to vector<16xi32>
      tpu.vector_store_idx %arg16[%add3A_40, %broadcast_in_dim3A_43], %sub3A_29 : memref<128x16xf32, #tpu.memory_space<vmem>>[vector<16xi32>, vector<16xi32>], vector<16xf32>,
      %broadcast_in_dim3A_44 = arith.constant 2 : i32
      %broadcast_in_dim3A_45 = vector.broadcast %broadcast_in_dim3A_44 : i32 to vector<16xi32>
      tpu.vector_store_idx %arg16[%add3A_40, %broadcast_in_dim3A_45], %sub3A_32 : memref<128x16xf32, #tpu.memory_space<vmem>>[vector<16xi32>, vector<16xi32>], vector<16xf32>,
      %broadcast_in_dim3A_46 = arith.constant 3 : i32
      %broadcast_in_dim3A_47 = vector.broadcast %broadcast_in_dim3A_46 : i32 to vector<16xi32>
      tpu.vector_store_idx %arg16[%add3A_40, %broadcast_in_dim3A_47], %add3A_37 : memref<128x16xf32, #tpu.memory_space<vmem>>[vector<16xi32>, vector<16xi32>], vector<16xf32>,
      %get3A_48 = arith.constant 16 : index
      %get3A_49 = tpu.vector_load %arg12[%get3A_48] {strides = array<i32>} : memref<128xi32, #tpu.memory_space<vmem>>, vector<16xi32>,
      %get3A_50 = arith.constant 16 : index
      %get3A_51 = tpu.vector_load %arg13[%get3A_50] {strides = array<i32>} : memref<128xi32, #tpu.memory_space<vmem>>, vector<16xi32>,
      %gather3A_52 = tpu.vector_load_idx %arg17[%get3A_49] : memref<10240xf32, #tpu.memory_space<vmem>>[vector<16xi32>], vector<16xf32>,
      %gather3A_53 = tpu.vector_load_idx %arg17[%get3A_51] : memref<10240xf32, #tpu.memory_space<vmem>>[vector<16xi32>], vector<16xf32>,
      %sub3A_54 = arith.subf %gather3A_52, %gather3A_53 : vector<16xf32>
      %gather3A_55 = tpu.vector_load_idx %arg18[%get3A_49] : memref<10240xf32, #tpu.memory_space<vmem>>[vector<16xi32>], vector<16xf32>,
      %gather3A_56 = tpu.vector_load_idx %arg18[%get3A_51] : memref<10240xf32, #tpu.memory_space<vmem>>[vector<16xi32>], vector<16xf32>,
      %sub3A_57 = arith.subf %gather3A_55, %gather3A_56 : vector<16xf32>
      %gather3A_58 = tpu.vector_load_idx %arg19[%get3A_49] : memref<10240xf32, #tpu.memory_space<vmem>>[vector<16xi32>], vector<16xf32>,
      %gather3A_59 = tpu.vector_load_idx %arg19[%get3A_51] : memref<10240xf32, #tpu.memory_space<vmem>>[vector<16xi32>], vector<16xf32>,
      %sub3A_60 = arith.subf %gather3A_58, %gather3A_59 : vector<16xf32>
      %mul3A_61 = arith.mulf %sub3A_54, %sub3A_54 : vector<16xf32>
      %mul3A_62 = arith.mulf %sub3A_57, %sub3A_57 : vector<16xf32>
      %add3A_63 = arith.addf %mul3A_61, %mul3A_62 : vector<16xf32>
      %mul3A_64 = arith.mulf %sub3A_60, %sub3A_60 : vector<16xf32>
      %add3A_65 = arith.addf %add3A_63, %mul3A_64 : vector<16xf32>
      %iota3A_66 = tpu.iota {dimensions = array<i32: 0>} : vector<16xi32>
      %add3A_67 = arith.constant 16 : i32
      %add3A_68 = vector.broadcast %add3A_67 : i32 to vector<16xi32>
      %add3A_69 = arith.addi %iota3A_66, %add3A_68 : vector<16xi32>
      %broadcast_in_dim3A_70 = arith.constant 0 : i32
      %broadcast_in_dim3A_71 = vector.broadcast %broadcast_in_dim3A_70 : i32 to vector<16xi32>
      tpu.vector_store_idx %arg16[%add3A_69, %broadcast_in_dim3A_71], %sub3A_54 : memref<128x16xf32, #tpu.memory_space<vmem>>[vector<16xi32>, vector<16xi32>], vector<16xf32>,
      %broadcast_in_dim3A_72 = arith.constant 1 : i32
      %broadcast_in_dim3A_73 = vector.broadcast %broadcast_in_dim3A_72 : i32 to vector<16xi32>
      tpu.vector_store_idx %arg16[%add3A_69, %broadcast_in_dim3A_73], %sub3A_57 : memref<128x16xf32, #tpu.memory_space<vmem>>[vector<16xi32>, vector<16xi32>], vector<16xf32>,
      %broadcast_in_dim3A_74 = arith.constant 2 : i32
      %broadcast_in_dim3A_75 = vector.broadcast %broadcast_in_dim3A_74 : i32 to vector<16xi32>
      tpu.vector_store_idx %arg16[%add3A_69, %broadcast_in_dim3A_75], %sub3A_60 : memref<128x16xf32, #tpu.memory_space<vmem>>[vector<16xi32>, vector<16xi32>], vector<16xf32>,
      %broadcast_in_dim3A_76 = arith.constant 3 : i32
      %broadcast_in_dim3A_77 = vector.broadcast %broadcast_in_dim3A_76 : i32 to vector<16xi32>
      tpu.vector_store_idx %arg16[%add3A_69, %broadcast_in_dim3A_77], %add3A_65 : memref<128x16xf32, #tpu.memory_space<vmem>>[vector<16xi32>, vector<16xi32>], vector<16xf32>,
      %get3A_78 = arith.constant 32 : index
      %get3A_79 = tpu.vector_load %arg12[%get3A_78] {strides = array<i32>} : memref<128xi32, #tpu.memory_space<vmem>>, vector<16xi32>,
      %get3A_80 = arith.constant 32 : index
      %get3A_81 = tpu.vector_load %arg13[%get3A_80] {strides = array<i32>} : memref<128xi32, #tpu.memory_space<vmem>>, vector<16xi32>,
      %gather3A_82 = tpu.vector_load_idx %arg17[%get3A_79] : memref<10240xf32, #tpu.memory_space<vmem>>[vector<16xi32>], vector<16xf32>,
      %gather3A_83 = tpu.vector_load_idx %arg17[%get3A_81] : memref<10240xf32, #tpu.memory_space<vmem>>[vector<16xi32>], vector<16xf32>,
      %sub3A_84 = arith.subf %gather3A_82, %gather3A_83 : vector<16xf32>
      %gather3A_85 = tpu.vector_load_idx %arg18[%get3A_79] : memref<10240xf32, #tpu.memory_space<vmem>>[vector<16xi32>], vector<16xf32>,
      %gather3A_86 = tpu.vector_load_idx %arg18[%get3A_81] : memref<10240xf32, #tpu.memory_space<vmem>>[vector<16xi32>], vector<16xf32>,
      %sub3A_87 = arith.subf %gather3A_85, %gather3A_86 : vector<16xf32>
      %gather3A_88 = tpu.vector_load_idx %arg19[%get3A_79] : memref<10240xf32, #tpu.memory_space<vmem>>[vector<16xi32>], vector<16xf32>,
      %gather3A_89 = tpu.vector_load_idx %arg19[%get3A_81] : memref<10240xf32, #tpu.memory_space<vmem>>[vector<16xi32>], vector<16xf32>,
      %sub3A_90 = arith.subf %gather3A_88, %gather3A_89 : vector<16xf32>
      %mul3A_91 = arith.mulf %sub3A_84, %sub3A_84 : vector<16xf32>
      %mul3A_92 = arith.mulf %sub3A_87, %sub3A_87 : vector<16xf32>
      %add3A_93 = arith.addf %mul3A_91, %mul3A_92 : vector<16xf32>
      %mul3A_94 = arith.mulf %sub3A_90, %sub3A_90 : vector<16xf32>
      %add3A_95 = arith.addf %add3A_93, %mul3A_94 : vector<16xf32>
      %iota3A_96 = tpu.iota {dimensions = array<i32: 0>} : vector<16xi32>
      %add3A_97 = arith.constant 32 : i32
      %add3A_98 = vector.broadcast %add3A_97 : i32 to vector<16xi32>
      %add3A_99 = arith.addi %iota3A_96, %add3A_98 : vector<16xi32>
      %broadcast_in_dim3A_100 = arith.constant 0 : i32
      %broadcast_in_dim3A_101 = vector.broadcast %broadcast_in_dim3A_100 : i32 to vector<16xi32>
      tpu.vector_store_idx %arg16[%add3A_99, %broadcast_in_dim3A_101], %sub3A_84 : memref<128x16xf32, #tpu.memory_space<vmem>>[vector<16xi32>, vector<16xi32>], vector<16xf32>,
      %broadcast_in_dim3A_102 = arith.constant 1 : i32
      %broadcast_in_dim3A_103 = vector.broadcast %broadcast_in_dim3A_102 : i32 to vector<16xi32>
      tpu.vector_store_idx %arg16[%add3A_99, %broadcast_in_dim3A_103], %sub3A_87 : memref<128x16xf32, #tpu.memory_space<vmem>>[vector<16xi32>, vector<16xi32>], vector<16xf32>,
      %broadcast_in_dim3A_104 = arith.constant 2 : i32
      %broadcast_in_dim3A_105 = vector.broadcast %broadcast_in_dim3A_104 : i32 to vector<16xi32>
      tpu.vector_store_idx %arg16[%add3A_99, %broadcast_in_dim3A_105], %sub3A_90 : memref<128x16xf32, #tpu.memory_space<vmem>>[vector<16xi32>, vector<16xi32>], vector<16xf32>,
      %broadcast_in_dim3A_106 = arith.constant 3 : i32
      %broadcast_in_dim3A_107 = vector.broadcast %broadcast_in_dim3A_106 : i32 to vector<16xi32>
      tpu.vector_store_idx %arg16[%add3A_99, %broadcast_in_dim3A_107], %add3A_95 : memref<128x16xf32, #tpu.memory_space<vmem>>[vector<16xi32>, vector<16xi32>], vector<16xf32>,
      %get3A_108 = arith.constant 48 : index
      %get3A_109 = tpu.vector_load %arg12[%get3A_108] {strides = array<i32>} : memref<128xi32, #tpu.memory_space<vmem>>, vector<16xi32>,
      %get3A_110 = arith.constant 48 : index
      %get3A_111 = tpu.vector_load %arg13[%get3A_110] {strides = array<i32>} : memref<128xi32, #tpu.memory_space<vmem>>, vector<16xi32>,
      %gather3A_112 = tpu.vector_load_idx %arg17[%get3A_109] : memref<10240xf32, #tpu.memory_space<vmem>>[vector<16xi32>], vector<16xf32>,
      %gather3A_113 = tpu.vector_load_idx %arg17[%get3A_111] : memref<10240xf32, #tpu.memory_space<vmem>>[vector<16xi32>], vector<16xf32>,
      %sub3A_114 = arith.subf %gather3A_112, %gather3A_113 : vector<16xf32>
      %gather3A_115 = tpu.vector_load_idx %arg18[%get3A_109] : memref<10240xf32, #tpu.memory_space<vmem>>[vector<16xi32>], vector<16xf32>,
      %gather3A_116 = tpu.vector_load_idx %arg18[%get3A_111] : memref<10240xf32, #tpu.memory_space<vmem>>[vector<16xi32>], vector<16xf32>,
      %sub3A_117 = arith.subf %gather3A_115, %gather3A_116 : vector<16xf32>
      %gather3A_118 = tpu.vector_load_idx %arg19[%get3A_109] : memref<10240xf32, #tpu.memory_space<vmem>>[vector<16xi32>], vector<16xf32>,
      %gather3A_119 = tpu.vector_load_idx %arg19[%get3A_111] : memref<10240xf32, #tpu.memory_space<vmem>>[vector<16xi32>], vector<16xf32>,
      %sub3A_120 = arith.subf %gather3A_118, %gather3A_119 : vector<16xf32>
      %mul3A_121 = arith.mulf %sub3A_114, %sub3A_114 : vector<16xf32>
      %mul3A_122 = arith.mulf %sub3A_117, %sub3A_117 : vector<16xf32>
      %add3A_123 = arith.addf %mul3A_121, %mul3A_122 : vector<16xf32>
      %mul3A_124 = arith.mulf %sub3A_120, %sub3A_120 : vector<16xf32>
      %add3A_125 = arith.addf %add3A_123, %mul3A_124 : vector<16xf32>
      %iota3A_126 = tpu.iota {dimensions = array<i32: 0>} : vector<16xi32>
      %add3A_127 = arith.constant 48 : i32
      %add3A_128 = vector.broadcast %add3A_127 : i32 to vector<16xi32>
      %add3A_129 = arith.addi %iota3A_126, %add3A_128 : vector<16xi32>
      %broadcast_in_dim3A_130 = arith.constant 0 : i32
      %broadcast_in_dim3A_131 = vector.broadcast %broadcast_in_dim3A_130 : i32 to vector<16xi32>
      tpu.vector_store_idx %arg16[%add3A_129, %broadcast_in_dim3A_131], %sub3A_114 : memref<128x16xf32, #tpu.memory_space<vmem>>[vector<16xi32>, vector<16xi32>], vector<16xf32>,
      %broadcast_in_dim3A_132 = arith.constant 1 : i32
      %broadcast_in_dim3A_133 = vector.broadcast %broadcast_in_dim3A_132 : i32 to vector<16xi32>
      tpu.vector_store_idx %arg16[%add3A_129, %broadcast_in_dim3A_133], %sub3A_117 : memref<128x16xf32, #tpu.memory_space<vmem>>[vector<16xi32>, vector<16xi32>], vector<16xf32>,
      %broadcast_in_dim3A_134 = arith.constant 2 : i32
      %broadcast_in_dim3A_135 = vector.broadcast %broadcast_in_dim3A_134 : i32 to vector<16xi32>
      tpu.vector_store_idx %arg16[%add3A_129, %broadcast_in_dim3A_135], %sub3A_120 : memref<128x16xf32, #tpu.memory_space<vmem>>[vector<16xi32>, vector<16xi32>], vector<16xf32>,
      %broadcast_in_dim3A_136 = arith.constant 3 : i32
      %broadcast_in_dim3A_137 = vector.broadcast %broadcast_in_dim3A_136 : i32 to vector<16xi32>
      tpu.vector_store_idx %arg16[%add3A_129, %broadcast_in_dim3A_137], %add3A_125 : memref<128x16xf32, #tpu.memory_space<vmem>>[vector<16xi32>, vector<16xi32>], vector<16xf32>,
      %get3A_138 = arith.constant 64 : index
      %get3A_139 = tpu.vector_load %arg12[%get3A_138] {strides = array<i32>} : memref<128xi32, #tpu.memory_space<vmem>>, vector<16xi32>,
      %get3A_140 = arith.constant 64 : index
      %get3A_141 = tpu.vector_load %arg13[%get3A_140] {strides = array<i32>} : memref<128xi32, #tpu.memory_space<vmem>>, vector<16xi32>,
      %gather3A_142 = tpu.vector_load_idx %arg17[%get3A_139] : memref<10240xf32, #tpu.memory_space<vmem>>[vector<16xi32>], vector<16xf32>,
      %gather3A_143 = tpu.vector_load_idx %arg17[%get3A_141] : memref<10240xf32, #tpu.memory_space<vmem>>[vector<16xi32>], vector<16xf32>,
      %sub3A_144 = arith.subf %gather3A_142, %gather3A_143 : vector<16xf32>
      %gather3A_145 = tpu.vector_load_idx %arg18[%get3A_139] : memref<10240xf32, #tpu.memory_space<vmem>>[vector<16xi32>], vector<16xf32>,
      %gather3A_146 = tpu.vector_load_idx %arg18[%get3A_141] : memref<10240xf32, #tpu.memory_space<vmem>>[vector<16xi32>], vector<16xf32>,
      %sub3A_147 = arith.subf %gather3A_145, %gather3A_146 : vector<16xf32>
      %gather3A_148 = tpu.vector_load_idx %arg19[%get3A_139] : memref<10240xf32, #tpu.memory_space<vmem>>[vector<16xi32>], vector<16xf32>,
      %gather3A_149 = tpu.vector_load_idx %arg19[%get3A_141] : memref<10240xf32, #tpu.memory_space<vmem>>[vector<16xi32>], vector<16xf32>,
      %sub3A_150 = arith.subf %gather3A_148, %gather3A_149 : vector<16xf32>
      %mul3A_151 = arith.mulf %sub3A_144, %sub3A_144 : vector<16xf32>
      %mul3A_152 = arith.mulf %sub3A_147, %sub3A_147 : vector<16xf32>
      %add3A_153 = arith.addf %mul3A_151, %mul3A_152 : vector<16xf32>
      %mul3A_154 = arith.mulf %sub3A_150, %sub3A_150 : vector<16xf32>
      %add3A_155 = arith.addf %add3A_153, %mul3A_154 : vector<16xf32>
      %iota3A_156 = tpu.iota {dimensions = array<i32: 0>} : vector<16xi32>
      %add3A_157 = arith.constant 64 : i32
      %add3A_158 = vector.broadcast %add3A_157 : i32 to vector<16xi32>
      %add3A_159 = arith.addi %iota3A_156, %add3A_158 : vector<16xi32>
      %broadcast_in_dim3A_160 = arith.constant 0 : i32
      %broadcast_in_dim3A_161 = vector.broadcast %broadcast_in_dim3A_160 : i32 to vector<16xi32>
      tpu.vector_store_idx %arg16[%add3A_159, %broadcast_in_dim3A_161], %sub3A_144 : memref<128x16xf32, #tpu.memory_space<vmem>>[vector<16xi32>, vector<16xi32>], vector<16xf32>,
      %broadcast_in_dim3A_162 = arith.constant 1 : i32
      %broadcast_in_dim3A_163 = vector.broadcast %broadcast_in_dim3A_162 : i32 to vector<16xi32>
      tpu.vector_store_idx %arg16[%add3A_159, %broadcast_in_dim3A_163], %sub3A_147 : memref<128x16xf32, #tpu.memory_space<vmem>>[vector<16xi32>, vector<16xi32>], vector<16xf32>,
      %broadcast_in_dim3A_164 = arith.constant 2 : i32
      %broadcast_in_dim3A_165 = vector.broadcast %broadcast_in_dim3A_164 : i32 to vector<16xi32>
      tpu.vector_store_idx %arg16[%add3A_159, %broadcast_in_dim3A_165], %sub3A_150 : memref<128x16xf32, #tpu.memory_space<vmem>>[vector<16xi32>, vector<16xi32>], vector<16xf32>,
      %broadcast_in_dim3A_166 = arith.constant 3 : i32
      %broadcast_in_dim3A_167 = vector.broadcast %broadcast_in_dim3A_166 : i32 to vector<16xi32>
      tpu.vector_store_idx %arg16[%add3A_159, %broadcast_in_dim3A_167], %add3A_155 : memref<128x16xf32, #tpu.memory_space<vmem>>[vector<16xi32>, vector<16xi32>], vector<16xf32>,
      %get3A_168 = arith.constant 80 : index
      %get3A_169 = tpu.vector_load %arg12[%get3A_168] {strides = array<i32>} : memref<128xi32, #tpu.memory_space<vmem>>, vector<16xi32>,
      %get3A_170 = arith.constant 80 : index
      %get3A_171 = tpu.vector_load %arg13[%get3A_170] {strides = array<i32>} : memref<128xi32, #tpu.memory_space<vmem>>, vector<16xi32>,
      %gather3A_172 = tpu.vector_load_idx %arg17[%get3A_169] : memref<10240xf32, #tpu.memory_space<vmem>>[vector<16xi32>], vector<16xf32>,
      %gather3A_173 = tpu.vector_load_idx %arg17[%get3A_171] : memref<10240xf32, #tpu.memory_space<vmem>>[vector<16xi32>], vector<16xf32>,
      %sub3A_174 = arith.subf %gather3A_172, %gather3A_173 : vector<16xf32>
      %gather3A_175 = tpu.vector_load_idx %arg18[%get3A_169] : memref<10240xf32, #tpu.memory_space<vmem>>[vector<16xi32>], vector<16xf32>,
      %gather3A_176 = tpu.vector_load_idx %arg18[%get3A_171] : memref<10240xf32, #tpu.memory_space<vmem>>[vector<16xi32>], vector<16xf32>,
      %sub3A_177 = arith.subf %gather3A_175, %gather3A_176 : vector<16xf32>
      %gather3A_178 = tpu.vector_load_idx %arg19[%get3A_169] : memref<10240xf32, #tpu.memory_space<vmem>>[vector<16xi32>], vector<16xf32>,
      %gather3A_179 = tpu.vector_load_idx %arg19[%get3A_171] : memref<10240xf32, #tpu.memory_space<vmem>>[vector<16xi32>], vector<16xf32>,
      %sub3A_180 = arith.subf %gather3A_178, %gather3A_179 : vector<16xf32>
      %mul3A_181 = arith.mulf %sub3A_174, %sub3A_174 : vector<16xf32>
      %mul3A_182 = arith.mulf %sub3A_177, %sub3A_177 : vector<16xf32>
      %add3A_183 = arith.addf %mul3A_181, %mul3A_182 : vector<16xf32>
      %mul3A_184 = arith.mulf %sub3A_180, %sub3A_180 : vector<16xf32>
      %add3A_185 = arith.addf %add3A_183, %mul3A_184 : vector<16xf32>
      %iota3A_186 = tpu.iota {dimensions = array<i32: 0>} : vector<16xi32>
      %add3A_187 = arith.constant 80 : i32
      %add3A_188 = vector.broadcast %add3A_187 : i32 to vector<16xi32>
      %add3A_189 = arith.addi %iota3A_186, %add3A_188 : vector<16xi32>
      %broadcast_in_dim3A_190 = arith.constant 0 : i32
      %broadcast_in_dim3A_191 = vector.broadcast %broadcast_in_dim3A_190 : i32 to vector<16xi32>
      tpu.vector_store_idx %arg16[%add3A_189, %broadcast_in_dim3A_191], %sub3A_174 : memref<128x16xf32, #tpu.memory_space<vmem>>[vector<16xi32>, vector<16xi32>], vector<16xf32>,
      %broadcast_in_dim3A_192 = arith.constant 1 : i32
      %broadcast_in_dim3A_193 = vector.broadcast %broadcast_in_dim3A_192 : i32 to vector<16xi32>
      tpu.vector_store_idx %arg16[%add3A_189, %broadcast_in_dim3A_193], %sub3A_177 : memref<128x16xf32, #tpu.memory_space<vmem>>[vector<16xi32>, vector<16xi32>], vector<16xf32>,
      %broadcast_in_dim3A_194 = arith.constant 2 : i32
      %broadcast_in_dim3A_195 = vector.broadcast %broadcast_in_dim3A_194 : i32 to vector<16xi32>
      tpu.vector_store_idx %arg16[%add3A_189, %broadcast_in_dim3A_195], %sub3A_180 : memref<128x16xf32, #tpu.memory_space<vmem>>[vector<16xi32>, vector<16xi32>], vector<16xf32>,
      %broadcast_in_dim3A_196 = arith.constant 3 : i32
      %broadcast_in_dim3A_197 = vector.broadcast %broadcast_in_dim3A_196 : i32 to vector<16xi32>
      tpu.vector_store_idx %arg16[%add3A_189, %broadcast_in_dim3A_197], %add3A_185 : memref<128x16xf32, #tpu.memory_space<vmem>>[vector<16xi32>, vector<16xi32>], vector<16xf32>,
      %get3A_198 = arith.constant 96 : index
      %get3A_199 = tpu.vector_load %arg12[%get3A_198] {strides = array<i32>} : memref<128xi32, #tpu.memory_space<vmem>>, vector<16xi32>,
      %get3A_200 = arith.constant 96 : index
      %get3A_201 = tpu.vector_load %arg13[%get3A_200] {strides = array<i32>} : memref<128xi32, #tpu.memory_space<vmem>>, vector<16xi32>,
      %gather3A_202 = tpu.vector_load_idx %arg17[%get3A_199] : memref<10240xf32, #tpu.memory_space<vmem>>[vector<16xi32>], vector<16xf32>,
      %gather3A_203 = tpu.vector_load_idx %arg17[%get3A_201] : memref<10240xf32, #tpu.memory_space<vmem>>[vector<16xi32>], vector<16xf32>,
      %sub3A_204 = arith.subf %gather3A_202, %gather3A_203 : vector<16xf32>
      %gather3A_205 = tpu.vector_load_idx %arg18[%get3A_199] : memref<10240xf32, #tpu.memory_space<vmem>>[vector<16xi32>], vector<16xf32>,
      %gather3A_206 = tpu.vector_load_idx %arg18[%get3A_201] : memref<10240xf32, #tpu.memory_space<vmem>>[vector<16xi32>], vector<16xf32>,
      %sub3A_207 = arith.subf %gather3A_205, %gather3A_206 : vector<16xf32>
      %gather3A_208 = tpu.vector_load_idx %arg19[%get3A_199] : memref<10240xf32, #tpu.memory_space<vmem>>[vector<16xi32>], vector<16xf32>,
      %gather3A_209 = tpu.vector_load_idx %arg19[%get3A_201] : memref<10240xf32, #tpu.memory_space<vmem>>[vector<16xi32>], vector<16xf32>,
      %sub3A_210 = arith.subf %gather3A_208, %gather3A_209 : vector<16xf32>
      %mul3A_211 = arith.mulf %sub3A_204, %sub3A_204 : vector<16xf32>
      %mul3A_212 = arith.mulf %sub3A_207, %sub3A_207 : vector<16xf32>
      %add3A_213 = arith.addf %mul3A_211, %mul3A_212 : vector<16xf32>
      %mul3A_214 = arith.mulf %sub3A_210, %sub3A_210 : vector<16xf32>
      %add3A_215 = arith.addf %add3A_213, %mul3A_214 : vector<16xf32>
      %iota3A_216 = tpu.iota {dimensions = array<i32: 0>} : vector<16xi32>
      %add3A_217 = arith.constant 96 : i32
      %add3A_218 = vector.broadcast %add3A_217 : i32 to vector<16xi32>
      %add3A_219 = arith.addi %iota3A_216, %add3A_218 : vector<16xi32>
      %broadcast_in_dim3A_220 = arith.constant 0 : i32
      %broadcast_in_dim3A_221 = vector.broadcast %broadcast_in_dim3A_220 : i32 to vector<16xi32>
      tpu.vector_store_idx %arg16[%add3A_219, %broadcast_in_dim3A_221], %sub3A_204 : memref<128x16xf32, #tpu.memory_space<vmem>>[vector<16xi32>, vector<16xi32>], vector<16xf32>,
      %broadcast_in_dim3A_222 = arith.constant 1 : i32
      %broadcast_in_dim3A_223 = vector.broadcast %broadcast_in_dim3A_222 : i32 to vector<16xi32>
      tpu.vector_store_idx %arg16[%add3A_219, %broadcast_in_dim3A_223], %sub3A_207 : memref<128x16xf32, #tpu.memory_space<vmem>>[vector<16xi32>, vector<16xi32>], vector<16xf32>,
      %broadcast_in_dim3A_224 = arith.constant 2 : i32
      %broadcast_in_dim3A_225 = vector.broadcast %broadcast_in_dim3A_224 : i32 to vector<16xi32>
      tpu.vector_store_idx %arg16[%add3A_219, %broadcast_in_dim3A_225], %sub3A_210 : memref<128x16xf32, #tpu.memory_space<vmem>>[vector<16xi32>, vector<16xi32>], vector<16xf32>,
      %broadcast_in_dim3A_226 = arith.constant 3 : i32
      %broadcast_in_dim3A_227 = vector.broadcast %broadcast_in_dim3A_226 : i32 to vector<16xi32>
      tpu.vector_store_idx %arg16[%add3A_219, %broadcast_in_dim3A_227], %add3A_215 : memref<128x16xf32, #tpu.memory_space<vmem>>[vector<16xi32>, vector<16xi32>], vector<16xf32>,
      %get3A_228 = arith.constant 112 : index
      %get3A_229 = tpu.vector_load %arg12[%get3A_228] {strides = array<i32>} : memref<128xi32, #tpu.memory_space<vmem>>, vector<16xi32>,
      %get3A_230 = arith.constant 112 : index
      %get3A_231 = tpu.vector_load %arg13[%get3A_230] {strides = array<i32>} : memref<128xi32, #tpu.memory_space<vmem>>, vector<16xi32>,
      %gather3A_232 = tpu.vector_load_idx %arg17[%get3A_229] : memref<10240xf32, #tpu.memory_space<vmem>>[vector<16xi32>], vector<16xf32>,
      %gather3A_233 = tpu.vector_load_idx %arg17[%get3A_231] : memref<10240xf32, #tpu.memory_space<vmem>>[vector<16xi32>], vector<16xf32>,
      %sub3A_234 = arith.subf %gather3A_232, %gather3A_233 : vector<16xf32>
      %gather3A_235 = tpu.vector_load_idx %arg18[%get3A_229] : memref<10240xf32, #tpu.memory_space<vmem>>[vector<16xi32>], vector<16xf32>,
      %gather3A_236 = tpu.vector_load_idx %arg18[%get3A_231] : memref<10240xf32, #tpu.memory_space<vmem>>[vector<16xi32>], vector<16xf32>,
      %sub3A_237 = arith.subf %gather3A_235, %gather3A_236 : vector<16xf32>
      %gather3A_238 = tpu.vector_load_idx %arg19[%get3A_229] : memref<10240xf32, #tpu.memory_space<vmem>>[vector<16xi32>], vector<16xf32>,
      %gather3A_239 = tpu.vector_load_idx %arg19[%get3A_231] : memref<10240xf32, #tpu.memory_space<vmem>>[vector<16xi32>], vector<16xf32>,
      %sub3A_240 = arith.subf %gather3A_238, %gather3A_239 : vector<16xf32>
      %mul3A_241 = arith.mulf %sub3A_234, %sub3A_234 : vector<16xf32>
      %mul3A_242 = arith.mulf %sub3A_237, %sub3A_237 : vector<16xf32>
      %add3A_243 = arith.addf %mul3A_241, %mul3A_242 : vector<16xf32>
      %mul3A_244 = arith.mulf %sub3A_240, %sub3A_240 : vector<16xf32>
      %add3A_245 = arith.addf %add3A_243, %mul3A_244 : vector<16xf32>
      %iota3A_246 = tpu.iota {dimensions = array<i32: 0>} : vector<16xi32>
      %add3A_247 = arith.constant 112 : i32
      %add3A_248 = vector.broadcast %add3A_247 : i32 to vector<16xi32>
      %add3A_249 = arith.addi %iota3A_246, %add3A_248 : vector<16xi32>
      %broadcast_in_dim3A_250 = arith.constant 0 : i32
      %broadcast_in_dim3A_251 = vector.broadcast %broadcast_in_dim3A_250 : i32 to vector<16xi32>
      tpu.vector_store_idx %arg16[%add3A_249, %broadcast_in_dim3A_251], %sub3A_234 : memref<128x16xf32, #tpu.memory_space<vmem>>[vector<16xi32>, vector<16xi32>], vector<16xf32>,
      %broadcast_in_dim3A_252 = arith.constant 1 : i32
      %broadcast_in_dim3A_253 = vector.broadcast %broadcast_in_dim3A_252 : i32 to vector<16xi32>
      tpu.vector_store_idx %arg16[%add3A_249, %broadcast_in_dim3A_253], %sub3A_237 : memref<128x16xf32, #tpu.memory_space<vmem>>[vector<16xi32>, vector<16xi32>], vector<16xf32>,
      %broadcast_in_dim3A_254 = arith.constant 2 : i32
      %broadcast_in_dim3A_255 = vector.broadcast %broadcast_in_dim3A_254 : i32 to vector<16xi32>
      tpu.vector_store_idx %arg16[%add3A_249, %broadcast_in_dim3A_255], %sub3A_240 : memref<128x16xf32, #tpu.memory_space<vmem>>[vector<16xi32>, vector<16xi32>], vector<16xf32>,
      %broadcast_in_dim3A_256 = arith.constant 3 : i32
      %broadcast_in_dim3A_257 = vector.broadcast %broadcast_in_dim3A_256 : i32 to vector<16xi32>
      tpu.vector_store_idx %arg16[%add3A_249, %broadcast_in_dim3A_257], %add3A_245 : memref<128x16xf32, #tpu.memory_space<vmem>>[vector<16xi32>, vector<16xi32>], vector<16xf32>,
      %dma_wait3A = arith.constant 0 : i32
      %dma_wait3A_258 = arith.constant 0 : i32
      %dma_wait3A_259 = tpu.memref_slice %arg2[%dma_wait3A, %dma_wait3A_258] : memref<10240x128xf32, #tpu.memory_space<hbm>> -> memref<10240x128xf32, #tpu.memory_space<hbm>>
      tpu.wait_indirect_dma semaphore(%arg20 : memref<!tpu.dma_semaphore, #tpu.memory_space<semaphore_mem>>) src(%dma_wait3A_259 : memref<10240x128xf32, #tpu.memory_space<hbm>>) dst(%arg14 : memref<128x128xf32, #tpu.memory_space<vmem>>)
      %dma_wait3A_260 = arith.constant 0 : i32
      %dma_wait3A_261 = arith.constant 0 : i32
      %dma_wait3A_262 = tpu.memref_slice %arg3[%dma_wait3A_260, %dma_wait3A_261] : memref<10240x128xf32, #tpu.memory_space<hbm>> -> memref<10240x128xf32, #tpu.memory_space<hbm>>
      tpu.wait_indirect_dma semaphore(%arg21 : memref<!tpu.dma_semaphore, #tpu.memory_space<semaphore_mem>>) src(%dma_wait3A_262 : memref<10240x128xf32, #tpu.memory_space<hbm>>) dst(%arg15 : memref<128x128xf32, #tpu.memory_space<vmem>>)
      "tpu.region"() ({
        %run_scoped3A = tpu.sem_alloc : memref<!tpu.dma_semaphore, #tpu.memory_space<semaphore_mem>>
        %dma_start3A_263 = arith.constant 0 : i32
        %dma_start3A_264 = tpu.memref_slice %arg9[%add3A_17, %dma_start3A_263] : memref<327680x128xf32, #tpu.memory_space<hbm>> -> memref<128x128xf32, #tpu.memory_space<hbm>>
        %dma_start3A_265 = arith.constant 0 : i32
        %dma_start3A_266 = tpu.memref_slice %arg9[%add3A_17, %dma_start3A_265] : memref<327680x128xf32, #tpu.memory_space<hbm>> -> memref<128x128xf32, #tpu.memory_space<hbm>>
        tpu.enqueue_dma source(%arg14 : memref<128x128xf32, #tpu.memory_space<vmem>>) target(%dma_start3A_266 : memref<128x128xf32, #tpu.memory_space<hbm>>) target_semaphore(%run_scoped3A : memref<!tpu.dma_semaphore, #tpu.memory_space<semaphore_mem>>)
        %dma_wait3A_267 = arith.constant 0 : i32
        %dma_wait3A_268 = tpu.memref_slice %arg9[%add3A_17, %dma_wait3A_267] : memref<327680x128xf32, #tpu.memory_space<hbm>> -> memref<128x128xf32, #tpu.memory_space<hbm>>
        %dma_wait3A_269 = arith.constant 0 : i32
        %dma_wait3A_270 = tpu.memref_slice %arg9[%add3A_17, %dma_wait3A_269] : memref<327680x128xf32, #tpu.memory_space<hbm>> -> memref<128x128xf32, #tpu.memory_space<hbm>>
        tpu.wait_dma2 semaphore(%run_scoped3A : memref<!tpu.dma_semaphore, #tpu.memory_space<semaphore_mem>>) src(%arg14 : memref<128x128xf32, #tpu.memory_space<vmem>>) dst(%dma_wait3A_270 : memref<128x128xf32, #tpu.memory_space<hbm>>)
        tpu.yield
      }) : () -> ()
      "tpu.region"() ({
        %run_scoped3A = tpu.sem_alloc : memref<!tpu.dma_semaphore, #tpu.memory_space<semaphore_mem>>
        %dma_start3A_263 = arith.constant 0 : i32
        %dma_start3A_264 = tpu.memref_slice %arg10[%add3A_17, %dma_start3A_263] : memref<327680x128xf32, #tpu.memory_space<hbm>> -> memref<128x128xf32, #tpu.memory_space<hbm>>
        %dma_start3A_265 = arith.constant 0 : i32
        %dma_start3A_266 = tpu.memref_slice %arg10[%add3A_17, %dma_start3A_265] : memref<327680x128xf32, #tpu.memory_space<hbm>> -> memref<128x128xf32, #tpu.memory_space<hbm>>
        tpu.enqueue_dma source(%arg15 : memref<128x128xf32, #tpu.memory_space<vmem>>) target(%dma_start3A_266 : memref<128x128xf32, #tpu.memory_space<hbm>>) target_semaphore(%run_scoped3A : memref<!tpu.dma_semaphore, #tpu.memory_space<semaphore_mem>>)
        %dma_wait3A_267 = arith.constant 0 : i32
        %dma_wait3A_268 = tpu.memref_slice %arg10[%add3A_17, %dma_wait3A_267] : memref<327680x128xf32, #tpu.memory_space<hbm>> -> memref<128x128xf32, #tpu.memory_space<hbm>>
        %dma_wait3A_269 = arith.constant 0 : i32
        %dma_wait3A_270 = tpu.memref_slice %arg10[%add3A_17, %dma_wait3A_269] : memref<327680x128xf32, #tpu.memory_space<hbm>> -> memref<128x128xf32, #tpu.memory_space<hbm>>
        tpu.wait_dma2 semaphore(%run_scoped3A : memref<!tpu.dma_semaphore, #tpu.memory_space<semaphore_mem>>) src(%arg15 : memref<128x128xf32, #tpu.memory_space<vmem>>) dst(%dma_wait3A_270 : memref<128x128xf32, #tpu.memory_space<hbm>>)
        tpu.yield
      }) : () -> ()
      "tpu.region"() ({
        %run_scoped3A = tpu.sem_alloc : memref<!tpu.dma_semaphore, #tpu.memory_space<semaphore_mem>>
        %dma_start3A_263 = arith.constant 0 : i32
        %dma_start3A_264 = tpu.memref_slice %arg11[%add3A_17, %dma_start3A_263] : memref<327680x16xf32, #tpu.memory_space<hbm>> -> memref<128x16xf32, #tpu.memory_space<hbm>>
        %dma_start3A_265 = arith.constant 0 : i32
        %dma_start3A_266 = tpu.memref_slice %arg11[%add3A_17, %dma_start3A_265] : memref<327680x16xf32, #tpu.memory_space<hbm>> -> memref<128x16xf32, #tpu.memory_space<hbm>>
        tpu.enqueue_dma source(%arg16 : memref<128x16xf32, #tpu.memory_space<vmem>>) target(%dma_start3A_266 : memref<128x16xf32, #tpu.memory_space<hbm>>) target_semaphore(%run_scoped3A : memref<!tpu.dma_semaphore, #tpu.memory_space<semaphore_mem>>)
        %dma_wait3A_267 = arith.constant 0 : i32
        %dma_wait3A_268 = tpu.memref_slice %arg11[%add3A_17, %dma_wait3A_267] : memref<327680x16xf32, #tpu.memory_space<hbm>> -> memref<128x16xf32, #tpu.memory_space<hbm>>
        %dma_wait3A_269 = arith.constant 0 : i32
        %dma_wait3A_270 = tpu.memref_slice %arg11[%add3A_17, %dma_wait3A_269] : memref<327680x16xf32, #tpu.memory_space<hbm>> -> memref<128x16xf32, #tpu.memory_space<hbm>>
        tpu.wait_dma2 semaphore(%run_scoped3A : memref<!tpu.dma_semaphore, #tpu.memory_space<semaphore_mem>>) src(%arg16 : memref<128x16xf32, #tpu.memory_space<vmem>>) dst(%dma_wait3A_270 : memref<128x16xf32, #tpu.memory_space<hbm>>)
        tpu.yield
      }) : () -> ()
    }
    %scan3A_13 = arith.constant 80 : i32
    return
  }
}

module attributes {stable_mosaic.version = 14 : i64} {
  func.func @_tables_body(%arg0: i32, %arg1: memref<256x128xf32, #tpu.memory_space<vmem>>, %arg2: memref<128x128xf32, #tpu.memory_space<vmem>>, %arg3: memref<128x128xf32, #tpu.memory_space<vmem>>, %arg4: memref<1x128xf32, #tpu.memory_space<vmem>>, %arg5: memref<256x128xf32, #tpu.memory_space<vmem>>, %arg6: memref<256x128xf32, #tpu.memory_space<vmem>>) attributes {dimension_semantics = [#tpu.dimension_semantics<arbitrary>], iteration_bounds = array<i64: 40>, scalar_prefetch = 0 : i64, scratch_operands = 0 : i64, tpu.core_type = #tpu.core_type<tc>, window_params = [{transform_indices = @transform_0, window_bounds = array<i64: 256, 128>}, {pipeline_mode = #tpu.pipeline_mode<synchronous>, transform_indices = @transform_1, window_bounds = array<i64: 128, 128>}, {pipeline_mode = #tpu.pipeline_mode<synchronous>, transform_indices = @transform_2, window_bounds = array<i64: 128, 128>}, {pipeline_mode = #tpu.pipeline_mode<synchronous>, transform_indices = @transform_3, window_bounds = array<i64: 1, 128>}, {transform_indices = @transform_4, window_bounds = array<i64: 256, 128>}, {transform_indices = @transform_5, window_bounds = array<i64: 256, 128>}]} {
    %get3A = arith.constant 0 : index
    %get3A_0 = arith.constant 0 : index
    %get3A_1 = vector.load %arg1[%get3A, %get3A_0] : memref<256x128xf32, #tpu.memory_space<vmem>>, vector<256x128xf32>
    %get3A_2 = arith.constant 0 : index
    %get3A_3 = arith.constant 0 : index
    %get3A_4 = vector.load %arg2[%get3A_2, %get3A_3] : memref<128x128xf32, #tpu.memory_space<vmem>>, vector<128x128xf32>
    %dot_general3A = arith.constant dense<0.000000e+00> : vector<256x128xf32>
    %dot_general3A_5 = tpu.matmul %get3A_1, %get3A_4, %dot_general3A {dimension_numbers = #tpu.dot_dimension_numbers<[1], [0], [0], [1], [0, 0, 1, 1], [], []>, transpose_lhs_hint = false} : vector<256x128xf32>, vector<128x128xf32>, vector<256x128xf32> -> vector<256x128xf32>
    %get3A_6 = arith.constant 0 : index
    %get3A_7 = arith.constant 0 : index
    %get3A_8 = vector.load %arg4[%get3A_6, %get3A_7] : memref<1x128xf32, #tpu.memory_space<vmem>>, vector<1x128xf32>
    %add3A = vector.broadcast %get3A_8 : vector<1x128xf32> to vector<256x128xf32>
    %add3A_9 = arith.addf %dot_general3A_5, %add3A : vector<256x128xf32>
    %swap3A = arith.constant 0 : index
    %swap3A_10 = arith.constant 0 : index
    %swap3A_11 = vector.load %arg5[%swap3A, %swap3A_10] : memref<256x128xf32, #tpu.memory_space<vmem>>, vector<256x128xf32>
    tpu.vector_store %arg5[%swap3A, %swap3A_10], %add3A_9 {strides = array<i32>} : memref<256x128xf32, #tpu.memory_space<vmem>>, vector<256x128xf32>,
    %get3A_12 = arith.constant 0 : index
    %get3A_13 = arith.constant 0 : index
    %get3A_14 = vector.load %arg3[%get3A_12, %get3A_13] : memref<128x128xf32, #tpu.memory_space<vmem>>, vector<128x128xf32>
    %dot_general3A_15 = arith.constant dense<0.000000e+00> : vector<256x128xf32>
    %dot_general3A_16 = tpu.matmul %get3A_1, %get3A_14, %dot_general3A_15 {dimension_numbers = #tpu.dot_dimension_numbers<[1], [0], [0], [1], [0, 0, 1, 1], [], []>, transpose_lhs_hint = false} : vector<256x128xf32>, vector<128x128xf32>, vector<256x128xf32> -> vector<256x128xf32>
    %swap3A_17 = arith.constant 0 : index
    %swap3A_18 = arith.constant 0 : index
    %swap3A_19 = vector.load %arg6[%swap3A_17, %swap3A_18] : memref<256x128xf32, #tpu.memory_space<vmem>>, vector<256x128xf32>
    tpu.vector_store %arg6[%swap3A_17, %swap3A_18], %dot_general3A_16 {strides = array<i32>} : memref<256x128xf32, #tpu.memory_space<vmem>>, vector<256x128xf32>,
    return
  }
  func.func @transform_0(%arg0: i32) -> (i32, i32) {
    %c0_i32 = arith.constant 0 : i32
    %c0_i32_0 = arith.constant 0 : i32
    return %arg0, %c0_i32 : i32, i32
  }
  func.func @transform_1(%arg0: i32) -> (i32, i32) {
    %c0_i32 = arith.constant 0 : i32
    %c0_i32_0 = arith.constant 0 : i32
    %c0_i32_1 = arith.constant 0 : i32
    return %c0_i32, %c0_i32_0 : i32, i32
  }
  func.func @transform_2(%arg0: i32) -> (i32, i32) {
    %c0_i32 = arith.constant 0 : i32
    %c0_i32_0 = arith.constant 0 : i32
    %c0_i32_1 = arith.constant 0 : i32
    return %c0_i32, %c0_i32_0 : i32, i32
  }
  func.func @transform_3(%arg0: i32) -> (i32, i32) {
    %c0_i32 = arith.constant 0 : i32
    %c0_i32_0 = arith.constant 0 : i32
    %c0_i32_1 = arith.constant 0 : i32
    return %c0_i32, %c0_i32_0 : i32, i32
  }
  func.func @transform_4(%arg0: i32) -> (i32, i32) {
    %c0_i32 = arith.constant 0 : i32
    %c0_i32_0 = arith.constant 0 : i32
    return %arg0, %c0_i32 : i32, i32
  }
  func.func @transform_5(%arg0: i32) -> (i32, i32) {
    %c0_i32 = arith.constant 0 : i32
    %c0_i32_0 = arith.constant 0 : i32
    return %arg0, %c0_i32 : i32, i32
  }
}

module attributes {stable_mosaic.version = 14 : i64} {
  func.func @_edge_body(%arg0: i32, %arg1: memref<1024x128xf32, #tpu.memory_space<vmem>>, %arg2: memref<1024x128xf32, #tpu.memory_space<vmem>>, %arg3: memref<1024x16xf32, #tpu.memory_space<vmem>>, %arg4: memref<1024x16xf32, #tpu.memory_space<vmem>>, %arg5: memref<128x128xf32, #tpu.memory_space<vmem>>, %arg6: memref<16x128xf32, #tpu.memory_space<vmem>>, %arg7: memref<8x128xf32, #tpu.memory_space<vmem>>, %arg8: memref<1024x128xf32, #tpu.memory_space<vmem>>, %arg9: memref<1024x16xf32, #tpu.memory_space<vmem>>) attributes {dimension_semantics = [#tpu.dimension_semantics<arbitrary>], iteration_bounds = array<i64: 320>, scalar_prefetch = 0 : i64, scratch_operands = 0 : i64, tpu.core_type = #tpu.core_type<tc>, window_params = [{transform_indices = @transform_0, window_bounds = array<i64: 1024, 128>}, {transform_indices = @transform_1, window_bounds = array<i64: 1024, 128>}, {transform_indices = @transform_2, window_bounds = array<i64: 1024, 16>}, {transform_indices = @transform_3, window_bounds = array<i64: 1024, 16>}, {pipeline_mode = #tpu.pipeline_mode<synchronous>, transform_indices = @transform_4, window_bounds = array<i64: 128, 128>}, {pipeline_mode = #tpu.pipeline_mode<synchronous>, transform_indices = @transform_5, window_bounds = array<i64: 16, 128>}, {pipeline_mode = #tpu.pipeline_mode<synchronous>, transform_indices = @transform_6, window_bounds = array<i64: 8, 128>}, {transform_indices = @transform_7, window_bounds = array<i64: 1024, 128>}, {transform_indices = @transform_8, window_bounds = array<i64: 1024, 16>}]} {
    %get3A = arith.constant 0 : index
    %get3A_0 = arith.constant 0 : index
    %get3A_1 = vector.load %arg3[%get3A, %get3A_0] : memref<1024x16xf32, #tpu.memory_space<vmem>>, vector<1024x16xf32>
    %slice3A = vector.extract_strided_slice %get3A_1 {offsets = [0, 3], sizes = [1024, 1], strides = [1, 1]} : vector<1024x16xf32> to vector<1024x1xf32>
    %get3A_2 = arith.constant 0 : index
    %get3A_3 = arith.constant 0 : index
    %get3A_4 = vector.load %arg7[%get3A_2, %get3A_3] : memref<8x128xf32, #tpu.memory_space<vmem>>, vector<1x128xf32>
    %get3A_5 = arith.constant 1 : index
    %get3A_6 = arith.constant 0 : index
    %get3A_7 = vector.load %arg7[%get3A_5, %get3A_6] : memref<8x128xf32, #tpu.memory_space<vmem>>, vector<1x128xf32>
    %get3A_8 = arith.constant 2 : index
    %get3A_9 = arith.constant 0 : index
    %get3A_10 = vector.load %arg7[%get3A_8, %get3A_9] : memref<8x128xf32, #tpu.memory_space<vmem>>, vector<1x128xf32>
    %get3A_11 = arith.constant 3 : index
    %get3A_12 = arith.constant 0 : index
    %get3A_13 = vector.load %arg7[%get3A_11, %get3A_12] : memref<8x128xf32, #tpu.memory_space<vmem>>, vector<1x1xf32>
    %get3A_14 = arith.constant 0 : index
    %get3A_15 = arith.constant 0 : index
    %get3A_16 = vector.load %arg1[%get3A_14, %get3A_15] : memref<1024x128xf32, #tpu.memory_space<vmem>>, vector<1024x128xf32>
    %get3A_17 = arith.constant 0 : index
    %get3A_18 = arith.constant 0 : index
    %get3A_19 = vector.load %arg2[%get3A_17, %get3A_18] : memref<1024x128xf32, #tpu.memory_space<vmem>>, vector<1024x128xf32>
    %add3A = arith.addf %get3A_16, %get3A_19 : vector<1024x128xf32>
    %mul3A = vector.broadcast %slice3A : vector<1024x1xf32> to vector<1024x128xf32>
    %mul3A_20 = vector.broadcast %get3A_4 : vector<1x128xf32> to vector<1024x128xf32>
    %mul3A_21 = arith.mulf %mul3A, %mul3A_20 : vector<1024x128xf32>
    %add3A_22 = arith.addf %add3A, %mul3A_21 : vector<1024x128xf32>
    %get3A_23 = arith.constant 0 : index
    %get3A_24 = arith.constant 0 : index
    %get3A_25 = vector.load %arg4[%get3A_23, %get3A_24] : memref<1024x16xf32, #tpu.memory_space<vmem>>, vector<1024x16xf32>
    %get3A_26 = arith.constant 0 : index
    %get3A_27 = arith.constant 0 : index
    %get3A_28 = vector.load %arg6[%get3A_26, %get3A_27] : memref<16x128xf32, #tpu.memory_space<vmem>>, vector<16x128xf32>
    %dot_general3A = arith.constant dense<0.000000e+00> : vector<1024x128xf32>
    %dot_general3A_29 = tpu.matmul %get3A_25, %get3A_28, %dot_general3A {dimension_numbers = #tpu.dot_dimension_numbers<[1], [0], [0], [1], [0, 0, 1, 1], [], []>, transpose_lhs_hint = false} : vector<1024x16xf32>, vector<16x128xf32>, vector<1024x128xf32> -> vector<1024x128xf32>
    %add3A_30 = arith.addf %add3A_22, %dot_general3A_29 : vector<1024x128xf32>
    %logistic3A = arith.negf %add3A_30 : vector<1024x128xf32>
    %logistic3A_31 = math.exp %logistic3A : vector<1024x128xf32>
    %logistic3A_32 = arith.constant 1.000000e+00 : f32
    %logistic3A_33 = vector.broadcast %logistic3A_32 : f32 to vector<1024x128xf32>
    %logistic3A_34 = arith.addf %logistic3A_33, %logistic3A_31 : vector<1024x128xf32>
    %logistic3A_35 = arith.divf %logistic3A_33, %logistic3A_34 : vector<1024x128xf32>
    %mul3A_36 = arith.mulf %add3A_30, %logistic3A_35 : vector<1024x128xf32>
    %get3A_37 = arith.constant 0 : index
    %get3A_38 = arith.constant 0 : index
    %get3A_39 = vector.load %arg5[%get3A_37, %get3A_38] : memref<128x128xf32, #tpu.memory_space<vmem>>, vector<128x128xf32>
    %dot_general3A_40 = arith.constant dense<0.000000e+00> : vector<1024x128xf32>
    %dot_general3A_41 = tpu.matmul %mul3A_36, %get3A_39, %dot_general3A_40 {dimension_numbers = #tpu.dot_dimension_numbers<[1], [0], [0], [1], [0, 0, 1, 1], [], []>, transpose_lhs_hint = false} : vector<1024x128xf32>, vector<128x128xf32>, vector<1024x128xf32> -> vector<1024x128xf32>
    %add3A_42 = vector.broadcast %get3A_7 : vector<1x128xf32> to vector<1024x128xf32>
    %add3A_43 = arith.addf %dot_general3A_41, %add3A_42 : vector<1024x128xf32>
    %logistic3A_44 = arith.negf %add3A_43 : vector<1024x128xf32>
    %logistic3A_45 = math.exp %logistic3A_44 : vector<1024x128xf32>
    %logistic3A_46 = arith.constant 1.000000e+00 : f32
    %logistic3A_47 = vector.broadcast %logistic3A_46 : f32 to vector<1024x128xf32>
    %logistic3A_48 = arith.addf %logistic3A_47, %logistic3A_45 : vector<1024x128xf32>
    %logistic3A_49 = arith.divf %logistic3A_47, %logistic3A_48 : vector<1024x128xf32>
    %mul3A_50 = arith.mulf %add3A_43, %logistic3A_49 : vector<1024x128xf32>
    %mul3A_51 = vector.broadcast %get3A_10 : vector<1x128xf32> to vector<1024x128xf32>
    %mul3A_52 = arith.mulf %mul3A_50, %mul3A_51 : vector<1024x128xf32>
    %reduce_sum3A = arith.constant dense<0.000000e+00> : vector<1024xf32>
    %reduce_sum3A_53 = vector.multi_reduction <add>, %mul3A_52, %reduce_sum3A [1] : vector<1024x128xf32> to vector<1024xf32>
    %broadcast_in_dim3A = vector.shape_cast %reduce_sum3A_53 : vector<1024xf32> to vector<1024x1xf32>
    %add3A_54 = vector.broadcast %get3A_13 : vector<1x1xf32> to vector<1024x1xf32>
    %add3A_55 = arith.addf %broadcast_in_dim3A, %add3A_54 : vector<1024x1xf32>
    %logistic3A_56 = arith.negf %add3A_55 : vector<1024x1xf32>
    %logistic3A_57 = math.exp %logistic3A_56 : vector<1024x1xf32>
    %logistic3A_58 = arith.constant 1.000000e+00 : f32
    %logistic3A_59 = vector.broadcast %logistic3A_58 : f32 to vector<1024x1xf32>
    %logistic3A_60 = arith.addf %logistic3A_59, %logistic3A_57 : vector<1024x1xf32>
    %logistic3A_61 = arith.divf %logistic3A_59, %logistic3A_60 : vector<1024x1xf32>
    %mul3A_62 = arith.mulf %add3A_55, %logistic3A_61 : vector<1024x1xf32>
    %iota3A = tpu.iota {dimensions = array<i32: 1>} : vector<1024x16xi32>
    %iota3A_63 = tpu.iota {dimensions = array<i32: 0>} : vector<1024x1xi32>
    %mul3A_64 = arith.constant 1024 : i32
    %mul3A_65 = arith.muli %arg0, %mul3A_64 : i32
    %add3A_66 = vector.broadcast %mul3A_65 : i32 to vector<1024x1xi32>
    %add3A_67 = arith.addi %iota3A_63, %add3A_66 : vector<1024x1xi32>
    %lt3A = arith.constant 320000 : i32
    %lt3A_68 = vector.broadcast %lt3A : i32 to vector<1024x1xi32>
    %lt3A_69 = arith.cmpi slt, %add3A_67, %lt3A_68 : vector<1024x1xi32>
    %jit3A = arith.constant 0.000000e+00 : f32
    %broadcast_in_dim3A_70 = vector.shape_cast %lt3A_69 : vector<1024x1xi1> to vector<1024x1xi1>
    %broadcast_in_dim3A_71 = vector.broadcast %broadcast_in_dim3A_70 : vector<1024x1xi1> to vector<1024x128xi1>
    %broadcast_in_dim3A_72 = vector.broadcast %jit3A : f32 to vector<1024x128xf32>
    %select_n3A = arith.select %broadcast_in_dim3A_71, %mul3A_50, %broadcast_in_dim3A_72 : vector<1024x128xi1>, vector<1024x128xf32>
    %swap3A = arith.constant 0 : index
    %swap3A_73 = arith.constant 0 : index
    %swap3A_74 = vector.load %arg8[%swap3A, %swap3A_73] : memref<1024x128xf32, #tpu.memory_space<vmem>>, vector<1024x128xf32>
    tpu.vector_store %arg8[%swap3A, %swap3A_73], %select_n3A {strides = array<i32>} : memref<1024x128xf32, #tpu.memory_space<vmem>>, vector<1024x128xf32>,
    %lt3A_75 = arith.constant 3 : i32
    %lt3A_76 = vector.broadcast %lt3A_75 : i32 to vector<1024x16xi32>
    %lt3A_77 = arith.cmpi slt, %iota3A, %lt3A_76 : vector<1024x16xi32>
    %and3A = vector.broadcast %lt3A_69 : vector<1024x1xi1> to vector<1024x16xi1>
    %and3A_78 = arith.andi %and3A, %lt3A_77 : vector<1024x16xi1>
    %mul3A_79 = vector.broadcast %mul3A_62 : vector<1024x1xf32> to vector<1024x16xf32>
    %mul3A_80 = arith.mulf %get3A_1, %mul3A_79 : vector<1024x16xf32>
    %jit3A_81 = arith.constant 0.000000e+00 : f32
    %broadcast_in_dim3A_82 = vector.broadcast %jit3A_81 : f32 to vector<1024x16xf32>
    %select_n3A_83 = arith.select %and3A_78, %mul3A_80, %broadcast_in_dim3A_82 : vector<1024x16xi1>, vector<1024x16xf32>
    %swap3A_84 = arith.constant 0 : index
    %swap3A_85 = arith.constant 0 : index
    %swap3A_86 = vector.load %arg9[%swap3A_84, %swap3A_85] : memref<1024x16xf32, #tpu.memory_space<vmem>>, vector<1024x16xf32>
    tpu.vector_store %arg9[%swap3A_84, %swap3A_85], %select_n3A_83 {strides = array<i32>} : memref<1024x16xf32, #tpu.memory_space<vmem>>, vector<1024x16xf32>,
    return
  }
  func.func @transform_0(%arg0: i32) -> (i32, i32) {
    %c0_i32 = arith.constant 0 : i32
    %c0_i32_0 = arith.constant 0 : i32
    return %arg0, %c0_i32 : i32, i32
  }
  func.func @transform_1(%arg0: i32) -> (i32, i32) {
    %c0_i32 = arith.constant 0 : i32
    %c0_i32_0 = arith.constant 0 : i32
    return %arg0, %c0_i32 : i32, i32
  }
  func.func @transform_2(%arg0: i32) -> (i32, i32) {
    %c0_i32 = arith.constant 0 : i32
    %c0_i32_0 = arith.constant 0 : i32
    return %arg0, %c0_i32 : i32, i32
  }
  func.func @transform_3(%arg0: i32) -> (i32, i32) {
    %c0_i32 = arith.constant 0 : i32
    %c0_i32_0 = arith.constant 0 : i32
    return %arg0, %c0_i32 : i32, i32
  }
  func.func @transform_4(%arg0: i32) -> (i32, i32) {
    %c0_i32 = arith.constant 0 : i32
    %c0_i32_0 = arith.constant 0 : i32
    %c0_i32_1 = arith.constant 0 : i32
    return %c0_i32, %c0_i32_0 : i32, i32
  }
  func.func @transform_5(%arg0: i32) -> (i32, i32) {
    %c0_i32 = arith.constant 0 : i32
    %c0_i32_0 = arith.constant 0 : i32
    %c0_i32_1 = arith.constant 0 : i32
    return %c0_i32, %c0_i32_0 : i32, i32
  }
  func.func @transform_6(%arg0: i32) -> (i32, i32) {
    %c0_i32 = arith.constant 0 : i32
    %c0_i32_0 = arith.constant 0 : i32
    %c0_i32_1 = arith.constant 0 : i32
    return %c0_i32, %c0_i32_0 : i32, i32
  }
  func.func @transform_7(%arg0: i32) -> (i32, i32) {
    %c0_i32 = arith.constant 0 : i32
    %c0_i32_0 = arith.constant 0 : i32
    return %arg0, %c0_i32 : i32, i32
  }
  func.func @transform_8(%arg0: i32) -> (i32, i32) {
    %c0_i32 = arith.constant 0 : i32
    %c0_i32_0 = arith.constant 0 : i32
    return %arg0, %c0_i32 : i32, i32
  }
}

module attributes {stable_mosaic.version = 14 : i64} {
  func.func @_node_body(%arg0: i32, %arg1: memref<256x128xf32, #tpu.memory_space<vmem>>, %arg2: memref<256x16xf32, #tpu.memory_space<vmem>>, %arg3: memref<2x256x128xf32, #tpu.memory_space<vmem>>, %arg4: memref<2x256x16xf32, #tpu.memory_space<vmem>>, %arg5: memref<128x128xf32, #tpu.memory_space<vmem>>, %arg6: memref<128x128xf32, #tpu.memory_space<vmem>>, %arg7: memref<128x128xf32, #tpu.memory_space<vmem>>, %arg8: memref<8x128xf32, #tpu.memory_space<vmem>>, %arg9: memref<256x128xf32, #tpu.memory_space<vmem>>, %arg10: memref<256x16xf32, #tpu.memory_space<vmem>>) attributes {dimension_semantics = [#tpu.dimension_semantics<arbitrary>], iteration_bounds = array<i64: 40>, scalar_prefetch = 0 : i64, scratch_operands = 0 : i64, tpu.core_type = #tpu.core_type<tc>, window_params = [{transform_indices = @transform_0, window_bounds = array<i64: 256, 128>}, {transform_indices = @transform_1, window_bounds = array<i64: 256, 16>}, {transform_indices = @transform_2, window_bounds = array<i64: 2, 256, 128>}, {transform_indices = @transform_3, window_bounds = array<i64: 2, 256, 16>}, {pipeline_mode = #tpu.pipeline_mode<synchronous>, transform_indices = @transform_4, window_bounds = array<i64: 128, 128>}, {pipeline_mode = #tpu.pipeline_mode<synchronous>, transform_indices = @transform_5, window_bounds = array<i64: 128, 128>}, {pipeline_mode = #tpu.pipeline_mode<synchronous>, transform_indices = @transform_6, window_bounds = array<i64: 128, 128>}, {pipeline_mode = #tpu.pipeline_mode<synchronous>, transform_indices = @transform_7, window_bounds = array<i64: 8, 128>}, {transform_indices = @transform_8, window_bounds = array<i64: 256, 128>}, {transform_indices = @transform_9, window_bounds = array<i64: 256, 16>}]} {
    %get3A = arith.constant 0 : index
    %get3A_0 = arith.constant 0 : index
    %get3A_1 = vector.load %arg1[%get3A, %get3A_0] : memref<256x128xf32, #tpu.memory_space<vmem>>, vector<256x128xf32>
    %get3A_2 = arith.constant 0 : index
    %get3A_3 = arith.constant 0 : index
    %get3A_4 = arith.constant 0 : index
    %get3A_5 = vector.load %arg3[%get3A_2, %get3A_3, %get3A_4] : memref<2x256x128xf32, #tpu.memory_space<vmem>>, vector<1x256x128xf32>
    %get3A_6 = vector.shape_cast %get3A_5 : vector<1x256x128xf32> to vector<256x128xf32>
    %get3A_7 = arith.constant 1 : index
    %get3A_8 = arith.constant 0 : index
    %get3A_9 = arith.constant 0 : index
    %get3A_10 = vector.load %arg3[%get3A_7, %get3A_8, %get3A_9] : memref<2x256x128xf32, #tpu.memory_space<vmem>>, vector<1x256x128xf32>
    %get3A_11 = vector.shape_cast %get3A_10 : vector<1x256x128xf32> to vector<256x128xf32>
    %add3A = arith.addf %get3A_6, %get3A_11 : vector<256x128xf32>
    %get3A_12 = arith.constant 0 : index
    %get3A_13 = arith.constant 0 : index
    %get3A_14 = vector.load %arg8[%get3A_12, %get3A_13] : memref<8x128xf32, #tpu.memory_space<vmem>>, vector<1x128xf32>
    %get3A_15 = arith.constant 1 : index
    %get3A_16 = arith.constant 0 : index
    %get3A_17 = vector.load %arg8[%get3A_15, %get3A_16] : memref<8x128xf32, #tpu.memory_space<vmem>>, vector<1x128xf32>
    %get3A_18 = arith.constant 0 : index
    %get3A_19 = arith.constant 0 : index
    %get3A_20 = vector.load %arg5[%get3A_18, %get3A_19] : memref<128x128xf32, #tpu.memory_space<vmem>>, vector<128x128xf32>
    %dot_general3A = arith.constant dense<0.000000e+00> : vector<256x128xf32>
    %dot_general3A_21 = tpu.matmul %get3A_1, %get3A_20, %dot_general3A {dimension_numbers = #tpu.dot_dimension_numbers<[1], [0], [0], [1], [0, 0, 1, 1], [], []>, transpose_lhs_hint = false} : vector<256x128xf32>, vector<128x128xf32>, vector<256x128xf32> -> vector<256x128xf32>
    %get3A_22 = arith.constant 0 : index
    %get3A_23 = arith.constant 0 : index
    %get3A_24 = vector.load %arg6[%get3A_22, %get3A_23] : memref<128x128xf32, #tpu.memory_space<vmem>>, vector<128x128xf32>
    %dot_general3A_25 = arith.constant dense<0.000000e+00> : vector<256x128xf32>
    %dot_general3A_26 = tpu.matmul %add3A, %get3A_24, %dot_general3A_25 {dimension_numbers = #tpu.dot_dimension_numbers<[1], [0], [0], [1], [0, 0, 1, 1], [], []>, transpose_lhs_hint = false} : vector<256x128xf32>, vector<128x128xf32>, vector<256x128xf32> -> vector<256x128xf32>
    %add3A_27 = arith.addf %dot_general3A_21, %dot_general3A_26 : vector<256x128xf32>
    %add3A_28 = vector.broadcast %get3A_14 : vector<1x128xf32> to vector<256x128xf32>
    %add3A_29 = arith.addf %add3A_27, %add3A_28 : vector<256x128xf32>
    %logistic3A = arith.negf %add3A_29 : vector<256x128xf32>
    %logistic3A_30 = math.exp %logistic3A : vector<256x128xf32>
    %logistic3A_31 = arith.constant 1.000000e+00 : f32
    %logistic3A_32 = vector.broadcast %logistic3A_31 : f32 to vector<256x128xf32>
    %logistic3A_33 = arith.addf %logistic3A_32, %logistic3A_30 : vector<256x128xf32>
    %logistic3A_34 = arith.divf %logistic3A_32, %logistic3A_33 : vector<256x128xf32>
    %mul3A = arith.mulf %add3A_29, %logistic3A_34 : vector<256x128xf32>
    %get3A_35 = arith.constant 0 : index
    %get3A_36 = arith.constant 0 : index
    %get3A_37 = vector.load %arg7[%get3A_35, %get3A_36] : memref<128x128xf32, #tpu.memory_space<vmem>>, vector<128x128xf32>
    %dot_general3A_38 = arith.constant dense<0.000000e+00> : vector<256x128xf32>
    %dot_general3A_39 = tpu.matmul %mul3A, %get3A_37, %dot_general3A_38 {dimension_numbers = #tpu.dot_dimension_numbers<[1], [0], [0], [1], [0, 0, 1, 1], [], []>, transpose_lhs_hint = false} : vector<256x128xf32>, vector<128x128xf32>, vector<256x128xf32> -> vector<256x128xf32>
    %add3A_40 = vector.broadcast %get3A_17 : vector<1x128xf32> to vector<256x128xf32>
    %add3A_41 = arith.addf %dot_general3A_39, %add3A_40 : vector<256x128xf32>
    %swap3A = arith.constant 0 : index
    %swap3A_42 = arith.constant 0 : index
    %swap3A_43 = vector.load %arg9[%swap3A, %swap3A_42] : memref<256x128xf32, #tpu.memory_space<vmem>>, vector<256x128xf32>
    tpu.vector_store %arg9[%swap3A, %swap3A_42], %add3A_41 {strides = array<i32>} : memref<256x128xf32, #tpu.memory_space<vmem>>, vector<256x128xf32>,
    %get3A_44 = arith.constant 0 : index
    %get3A_45 = arith.constant 0 : index
    %get3A_46 = vector.load %arg2[%get3A_44, %get3A_45] : memref<256x16xf32, #tpu.memory_space<vmem>>, vector<256x16xf32>
    %get3A_47 = arith.constant 0 : index
    %get3A_48 = arith.constant 0 : index
    %get3A_49 = arith.constant 0 : index
    %get3A_50 = vector.load %arg4[%get3A_47, %get3A_48, %get3A_49] : memref<2x256x16xf32, #tpu.memory_space<vmem>>, vector<1x256x16xf32>
    %get3A_51 = vector.shape_cast %get3A_50 : vector<1x256x16xf32> to vector<256x16xf32>
    %get3A_52 = arith.constant 1 : index
    %get3A_53 = arith.constant 0 : index
    %get3A_54 = arith.constant 0 : index
    %get3A_55 = vector.load %arg4[%get3A_52, %get3A_53, %get3A_54] : memref<2x256x16xf32, #tpu.memory_space<vmem>>, vector<1x256x16xf32>
    %get3A_56 = vector.shape_cast %get3A_55 : vector<1x256x16xf32> to vector<256x16xf32>
    %add3A_57 = arith.addf %get3A_51, %get3A_56 : vector<256x16xf32>
    %mul3A_58 = arith.constant 0.00999999977 : f32
    %mul3A_59 = vector.broadcast %mul3A_58 : f32 to vector<256x16xf32>
    %mul3A_60 = arith.mulf %mul3A_59, %add3A_57 : vector<256x16xf32>
    %add3A_61 = arith.addf %get3A_46, %mul3A_60 : vector<256x16xf32>
    %swap3A_62 = arith.constant 0 : index
    %swap3A_63 = arith.constant 0 : index
    %swap3A_64 = vector.load %arg10[%swap3A_62, %swap3A_63] : memref<256x16xf32, #tpu.memory_space<vmem>>, vector<256x16xf32>
    tpu.vector_store %arg10[%swap3A_62, %swap3A_63], %add3A_61 {strides = array<i32>} : memref<256x16xf32, #tpu.memory_space<vmem>>, vector<256x16xf32>,
    return
  }
  func.func @transform_0(%arg0: i32) -> (i32, i32) {
    %c0_i32 = arith.constant 0 : i32
    %c0_i32_0 = arith.constant 0 : i32
    return %arg0, %c0_i32 : i32, i32
  }
  func.func @transform_1(%arg0: i32) -> (i32, i32) {
    %c0_i32 = arith.constant 0 : i32
    %c0_i32_0 = arith.constant 0 : i32
    return %arg0, %c0_i32 : i32, i32
  }
  func.func @transform_2(%arg0: i32) -> (i32, i32, i32) {
    %c0_i32 = arith.constant 0 : i32
    %c0_i32_0 = arith.constant 0 : i32
    %c0_i32_1 = arith.constant 0 : i32
    return %c0_i32, %arg0, %c0_i32_0 : i32, i32, i32
  }
  func.func @transform_3(%arg0: i32) -> (i32, i32, i32) {
    %c0_i32 = arith.constant 0 : i32
    %c0_i32_0 = arith.constant 0 : i32
    %c0_i32_1 = arith.constant 0 : i32
    return %c0_i32, %arg0, %c0_i32_0 : i32, i32, i32
  }
  func.func @transform_4(%arg0: i32) -> (i32, i32) {
    %c0_i32 = arith.constant 0 : i32
    %c0_i32_0 = arith.constant 0 : i32
    %c0_i32_1 = arith.constant 0 : i32
    return %c0_i32, %c0_i32_0 : i32, i32
  }
  func.func @transform_5(%arg0: i32) -> (i32, i32) {
    %c0_i32 = arith.constant 0 : i32
    %c0_i32_0 = arith.constant 0 : i32
    %c0_i32_1 = arith.constant 0 : i32
    return %c0_i32, %c0_i32_0 : i32, i32
  }
  func.func @transform_6(%arg0: i32) -> (i32, i32) {
    %c0_i32 = arith.constant 0 : i32
    %c0_i32_0 = arith.constant 0 : i32
    %c0_i32_1 = arith.constant 0 : i32
    return %c0_i32, %c0_i32_0 : i32, i32
  }
  func.func @transform_7(%arg0: i32) -> (i32, i32) {
    %c0_i32 = arith.constant 0 : i32
    %c0_i32_0 = arith.constant 0 : i32
    %c0_i32_1 = arith.constant 0 : i32
    return %c0_i32, %c0_i32_0 : i32, i32
  }
  func.func @transform_8(%arg0: i32) -> (i32, i32) {
    %c0_i32 = arith.constant 0 : i32
    %c0_i32_0 = arith.constant 0 : i32
    return %arg0, %c0_i32 : i32, i32
  }
  func.func @transform_9(%arg0: i32) -> (i32, i32) {
    %c0_i32 = arith.constant 0 : i32
    %c0_i32_0 = arith.constant 0 : i32
    return %arg0, %c0_i32 : i32, i32
  }
}

</mosaic_0001>

<sc_bundles>
// kernel: kernel.11.cloned.1.call-start
scs
__scs_entry_jumppad:
0x0: {  	(pc) =	sbr.rel $0x88, $3  }
0x1: {  	(tag) =	ssettag $0x0;
	lr =	simm.s32 $0x1  }
0x2: {  	[smem:$0x3F93] =	sst lr;
	_ =	strace $0xD0000000  }
0x3: {  	_ = 	snop  }
0x4: {  	_ = 	snop  }
0x5: {  	_ = 	snop  }
0x6: {  	_ = 	snop  }
0x7: {  	_ = 	snop  }
__scs_overlays_trampoline_lowered:
0x8: {  	[smem:$0x3FA2] =	sst s0  }
0x9: {  	[smem:$0x3FA3] =	sst s1  }
0xa: {  	[smem:$0x3FA4] =	sst s2  }
0xb: {  	[smem:$0x3FA5] =	sst s3  }
0xc: {  	[smem:$0x3FA6] =	sst s4  }
0xd: {  	[smem:$0x3FA7] =	sst s5  }
0xe: {  	[smem:$0x3FA8] =	sst s6  }
0xf: {  	[smem:$0x3FA9] =	sst s7  }
0x10: {  	[smem:$0x3FAA] =	sst s8  }
0x11: {  	[smem:$0x3FAB] =	sst s9;
	s0 =	simm.s32 @!p0 $0x0  }
0x12: {  	s1 =	sld [smem:$0x3F91];
	s0 =	simm.s32 @p0 $0x1  }
0x13: {  	[smem:$0x3FAC] =	sst s0;
	s0 =	simm.s32 @!p1 $0x0  }
0x14: {  	s2 =	sld [smem:$0x3F90];
	s0 =	simm.s32 @p1 $0x1  }
0x15: {  	[smem:$0x3FAD] =	sst s0;
	s0 =	simm.s32 @!p2 $0x0  }
0x16: {  	s3 =	sld [smem:$0x3FDB];
	s0 =	simm.s32 @p2 $0x1  }
0x17: {  	s4 =	simm.s32 $0x1BF5;
	[smem:$0x3FAF] =	sst s0  }
0x18: {  	s0 =	sld [smem:$0x3F92];
	_ =	swait.ge [sflag:s4], $0x0  }
0x19: {  	s7 =	sld [smem:$0x3F93]  }
0x1a: {  	s8 =	sadd.s32 $0xFFFFE003, lr  }
0x1b: {  	s9 =	sadd.s32 $0xFFFFFEF7, lr;
	s5 =	simm.s32 $0xFFFFFFFF;
	p2 =	slt.u32 s8, $0xFFFFF086  }
0x1c: {  	p1 =	slt.u32 s9, $0xF7A;
	s5 =	simm.s32 @!p2 $0x0  }
0x1d: {  	s5 =	simm.s32 @p1 $0x1;
	p0 =	seq.s32 s7, s2  }
0x1e: {  	s7 =	smul.u32 @!p0 $0xF7A, s2;
	p2 =	seq.s32 @!p0 s5, $0x0  }
0x1f: {  	s9 =	smul.u32 $0xF7A, s1;
	s8 =	simm.s32 @!p0 $0x1BF5;
	p2 =	por !p2, p0  }
0x20: {  	[sflag:s8] =	ssyncset.s32 @!p0 $0xFFFFF086;
	s6 =	sadd.s32 @!p0 s3, s7;
	s7 =	simm.s32 @!p0 $0x108  }
0x21: {  	s3 =	sadd.s32 s3, s9;
	s6 =	sadd.s32 @!p0 $0x88, s6;
	s7 =	simm.s32 @p2 $0x1082  }
0x22: {  	[simem:s7], [sflag:s8] =	dma.local @!p0 [hbm:s6], $0xF7A  }
0x23: {  	s9 =	sor.u32 $0xD0000000, s2;
	s6 =	simm.s32 $0x108;
	_ =	swait.ge @!p0 [sflag:s8], $0x0  }
0x24: {  	s3 =	sadd.s32 $0x88, s3;
	s6 =	simm.s32 @!p1 $0x1082;
	[sflag:s4] =	ssyncset.s32 $0xFFFFF086  }
0x25: {  	[simem:s6], [sflag:s4] =	dma.local [hbm:s3], $0xF7A  }
0x26: {  	[smem:$0x3F93] =	sst s1;
	(tag) =	ssettag s2;
	_ =	strace s9  }
0x27: {  	s1 =	sld [smem:$0x3FA3]  }
0x28: {  	s2 =	sld [smem:$0x3FA4]  }
0x29: {  	s4 =	sld [smem:$0x3FA6]  }
0x2a: {  	p0 =	seq.s32 s5, $0x0;
	s5 =	sld [smem:$0x3FA7]  }
0x2b: {  	s6 =	sld [smem:$0x3FA8]  }
0x2c: {  	s7 =	sld [smem:$0x3FA9]  }
0x2d: {  	s3 =	simm.s32 $0x108;
	s8 =	sld [smem:$0x3FAA]  }
0x2e: {  	s3 =	simm.s32 @!p0 $0x1082;
	s9 =	sld [smem:$0x3FAB]  }
0x2f: {  	lr =	sadd.s32 s0, s3;
	s0 =	sld [smem:$0x3FA2]  }
0x30: {  	s3 =	sld [smem:$0x3FA5]  }
0x31: {  	[smem:$0x3FAE] =	sst s10  }
0x32: {  	s10 =	sld [smem:$0x3FAC];
	_ =	sdelay $0x3  }
0x33: {  	p0 =	seq.s32 s10, $0x1;
	s10 =	sld [smem:$0x3FAE];
	_ =	sdelay $0x3  }
0x34: {  	[smem:$0x3FAE] =	sst s10  }
0x35: {  	s10 =	sld [smem:$0x3FAD];
	_ =	sdelay $0x3  }
0x36: {  	p1 =	seq.s32 s10, $0x1;
	s10 =	sld [smem:$0x3FAE];
	_ =	sdelay $0x3  }
0x37: {  	[smem:$0x3FAE] =	sst s10  }
0x38: {  	s10 =	sld [smem:$0x3FAF]  }
0x39: {  	_ = 	snop;
	(pc) =	sbr.ind lr, $3  }
0x3a: {  	_ = 	snop  }
0x3b: {  	_ = 	snop  }
0x3c: {  	p2 =	seq.s32 s10, $0x1;
	s10 =	sld [smem:$0x3FAE]  }
0x3d: {  	_ =	shalt  }
0x3e: {  	_ =	shalt  }
0x3f: {  	_ =	shalt  }
0x40: {  	_ =	shalt  }
0x41: {  	_ =	shalt  }
0x42: {  	_ =	shalt  }
0x43: {  	_ =	shalt  }
0x44: {  	_ =	shalt  }
0x45: {  	_ =	shalt  }
0x46: {  	_ =	shalt  }
0x47: {  	_ =	shalt  }
0x48: {  	_ =	shalt  }
0x49: {  	_ =	shalt  }
0x4a: {  	_ =	shalt  }
0x4b: {  	_ =	shalt  }
0x4c: {  	_ =	shalt  }
0x4d: {  	_ =	shalt  }
0x4e: {  	_ =	shalt  }
0x4f: {  	_ =	shalt  }
0x50: {  	_ =	shalt  }
0x51: {  	_ =	shalt  }
0x52: {  	_ =	shalt  }
0x53: {  	_ =	shalt  }
0x54: {  	_ =	shalt  }
0x55: {  	_ =	shalt  }
0x56: {  	_ =	shalt  }
0x57: {  	_ =	shalt  }
0x58: {  	_ =	shalt  }
0x59: {  	_ =	shalt  }
0x5a: {  	_ =	shalt  }
0x5b: {  	_ =	shalt  }
0x5c: {  	_ =	shalt  }
0x5d: {  	_ =	shalt  }
0x5e: {  	_ =	shalt  }
0x5f: {  	_ =	shalt  }
0x60: {  	_ =	shalt  }
0x61: {  	_ =	shalt  }
0x62: {  	_ =	shalt  }
0x63: {  	_ =	shalt  }
0x64: {  	_ =	shalt  }
0x65: {  	_ =	shalt  }
0x66: {  	_ =	shalt  }
0x67: {  	_ =	shalt  }
0x68: {  	_ =	shalt  }
0x69: {  	_ =	shalt  }
0x6a: {  	_ =	shalt  }
0x6b: {  	_ =	shalt  }
0x6c: {  	_ =	shalt  }
0x6d: {  	_ =	shalt  }
0x6e: {  	_ =	shalt  }
0x6f: {  	_ =	shalt  }
0x70: {  	_ =	shalt  }
0x71: {  	_ =	shalt  }
0x72: {  	_ =	shalt  }
0x73: {  	_ =	shalt  }
0x74: {  	_ =	shalt  }
0x75: {  	_ =	shalt  }
0x76: {  	_ =	shalt  }
0x77: {  	_ =	shalt  }
0x78: {  	_ =	shalt  }
0x79: {  	_ =	shalt  }
0x7a: {  	_ =	shalt  }
0x7b: {  	_ =	shalt  }
0x7c: {  	_ =	shalt  }
0x7d: {  	_ =	shalt  }
0x7e: {  	_ =	shalt  }
0x7f: {  	_ =	shalt  }
0x80: {  	_ =	shalt  }
0x81: {  	_ =	shalt  }
0x82: {  	_ =	shalt  }
0x83: {  	_ =	shalt  }
0x84: {  	_ =	shalt  }
0x85: {  	_ =	shalt  }
0x86: {  	_ =	shalt  }
0x87: {  	_ =	shalt  }
.Lfunc_end0:
.L_simem_size_0:
called_computation.1_lowered:
.L_overlay_start_0:
0x88: {  	s2 =	sld [smem:$0x3FD9]  }
0x89: {  	s3 =	sld [smem:$0x3FFE];
	_ =	sdelay $0x1  }
0x8a: {  	s1 =	srdreg.scid  }
0x8b: {  	s0 =	sand.u32 $0x1, s1  }
0x8c: {  	s17 =	sshll.u32 s0, $0xA;
	s2 =	sadd.s32 s3, s2  }
0x8d: {  	s2 =	sadd.s32 s2, s17  }
0x8e: {  	[smem:$0x3FBA] =	sst s2  }
0x8f: {  	_ = 	snop  }
0x90: {  	(tm) =	ssettm $0x1  }
0x91: {  	s18 =	sld [smem:$0x3FFB];
	_ =	sdelay $0x3  }
0x92: {  	_ =	strace s18  }
0x93: {  	s2 =	sld [smem:$0x3FFC];
	_ =	sdelay $0x3  }
0x94: {  	_ =	strace s2  }
0x95: {  	s2 =	sld [smem:$0x3FFD];
	_ =	sdelay $0x3  }
0x96: {  	_ =	strace s2  }
0x97: {  	_ =	strace $0x8FFFFFFF  }
0x98: {  	s19 =	sld [smem:$0x3FDB];
	_ =	sdelay $0x1  }
0x99: {  	s20 =	simm.s32 $_scs_section_size  }
0x9a: {  	s4 =	simm.s32 $_size__tile_overlayer_lowered;
	s5 =	simm.s32 $_tile_overlayer_lowered  }
0x9b: {  	s6 =	simm.s32 $0x1BFF;
	s21 =	sshll.u32 s5, $0x1;
	s3 =	sadd.s32 s20, s19  }
0x9c: {  	s22 =	simm.s32 $0x0;
	s4 =	sshll.u32 s4, $0x1;
	s5 =	sadd.s32 s21, s3  }
0x9d: {  	[timem:s22], [sflag:s6] =	dma.local [hbm:s5], s4  }
0x9e: {  	_ =	swait.ge [sflag:s6], s4  }
0x9f: {  	s4 =	ssub.s32 $0x0, s4;
	[sflag:s6] =	ssyncset.done $0x0  }
0xa0: {  	[sflag:s6] =	ssyncadd.s32 s4;
	_ =	sdelay $0x1  }
0xa1: {  	s23 =	simm.s32 $0x1B8B  }
0xa2: {  	_ =	swait.ge [sflag:s23], $0x1  }
0xa3: {  	[sflag:s23] =	ssyncset.done $0x0  }
0xa4: {  	[sflag:s23] =	ssyncadd.s32 $0xFFFFFFFF  }
0xa5: {  	s4 =	sld [smem:$0x0]  }
0xa6: {  	s5 =	sand.u32 $0xFFFFFFFE, s1  }
0xa7: {  	p0 =	sne.s32 s1, s5  }
0xa8: {  	s5 =	sshll.u32 @p0 s5, $0xE  }
0xa9: {  	s5 =	sadd.s32 @p0 $0x11B8D, s5;
	s6 =	sshll.u32 @p0 s4, $0x11  }
0xaa: {  	s5 =	sor.u32 @p0 s6, s5  }
0xab: {  	[sflag:s5] =	ssyncadd.remote.s32 @p0 $0x1;
	_ =	sdelay $0x1  }
0xac: {  	s5 =	simm.s32 @p0 $0x1B8D  }
0xad: {  	_ =	swait.eq @p0 [sflag:s5], $0x1  }
0xae: {  	[sflag:s5] =	ssyncadd.s32 @p0 $0xFFFFFFFF  }
0xaf: {  	s6 =	sshll.u32 @!p0 s1, $0xE  }
0xb0: {  	s6 =	sor.u32 @!p0 $0x4000, s6;
	s5 =	simm.s32 @!p0 $0x1B8D  }
0xb1: {  	s4 =	sshll.u32 @!p0 s4, $0x11;
	s6 =	sadd.s32 @!p0 $0x11B8D, s6;
	_ =	swait.eq @!p0 [sflag:s5], $0x1  }
0xb2: {  	s4 =	sor.u32 @!p0 s4, s6;
	[sflag:s5] =	ssyncadd.s32 @!p0 $0xFFFFFFFF  }
0xb3: {  	s25 =	simm.s32 $0x1B8E;
	s24 =	sld [smem:$0x3FFE];
	[sflag:s4] =	ssyncadd.remote.s32 @!p0 $0x1  }
0xb4: {  	s26 =	simm.s32 $execute0_lowered;
	[smem:$0x3FD2] =	sst s25  }
0xb5: {  	s5 =	sshll.u32 s26, $0x1;
	_ =	strace $0x8000004C;
	[dreg:$0x1] =	wrdreg $0xFFFFFFFF  }
0xb6: {  	s28 =	simm.s32 $_size_execute0_lowered;
	s3 =	sadd.s32 s3, s5;
	[dreg:$0x0] =	wrdreg $0x0  }
0xb7: {  	s5 =	sshll.u32 s28, $0x1;
	[dreg:$0x2] =	wrdreg s3  }
0xb8: {  	[dreg:$0x3] =	wrdreg s5  }
0xb9: {  	[dreg:$0x4] =	wrdreg $0xC0  }
0xba: {  	_ =	task [dreg:s22], $0x5FFFF  }
0xbb: {  	[dreg:$0x1] =	wrdreg $0xFFFFFFFF  }
0xbc: {  	[dreg:$0x0] =	wrdreg $0x60  }
0xbd: {  	[dreg:$0x2] =	wrdreg s24  }
0xbe: {  	[dreg:$0x3] =	wrdreg $0x40800  }
0xbf: {  	[dreg:$0x4] =	wrdreg $0x9  }
0xc0: {  	_ =	task.clear_ibuf [dreg:s22], $0x5FFFF;
	_ =	strace $0x9000004C  }
0xc1: {  	s29 =	simm.s32 $0x9;
	_ =	strace $0x8000004E  }
0xc2: {  	_ =	swait.ge [sflag:s29], $0x1  }
0xc3: {  	[sflag:s29] =	ssyncadd.s32 $0xFFFFFFFF  }
0xc4: {  	_ =	strace $0x9000004E  }
0xc5: {  	_ =	sfence  }
0xc6: {  	s30 =	sld [smem:$0x0];
	_ =	sdelay $0x2  }
0xc7: {  	s31 =	sshll.u32 s1, $0xD;
	s1 =	sshrl.u32 s1, $0x2  }
0xc8: {  	s4 =	sand.u32 $0x4000, s31;
	s1 =	sadd.s32 s1, s30  }
0xc9: {  	s0 =	sor.u32 s4, s0;
	s1 =	sshll.u32 s1, $0x11  }
0xca: {  	s0 =	sor.u32 s1, s0  }
0xcb: {  	s0 =	sadd.s32 $0x8F2B, s0  }
0xcc: {  	[sflag:s0] =	ssyncadd.remote.s32 $0x1  }
0xcd: {  	_ =	sfence.sel $0xFFFF  }
0xce: {  	[dreg:$0x0] =	wrdreg $0xFFFFFFFF;
	(pc) =	sbr.abs _section_cstart, $3  }
0xcf: {  	[dreg:$0x1] =	wrdreg $0xFFFFFFFF  }
0xd0: {  	_ =	task.clear_ibuf [dreg:s22], $0x2FFFF;
	_ =	strace $0x9FFFFFFF  }
0xd1: {  	(tm) =	ssettm $0x7FFFFFFF  }
tec
execute0_lowered:
.L_overlay_start_1:
0x0: {  	(tag) =	ssettag $0x1  }
0x1: {  	s25 =	stileid.u32  }
0x2: {  	s6 =	smul.u32 $0x2800, s25  }
0x3: {  	s16 =	smul.u32 $0x278, s25  }
0x4: {  	s4 =	rddreg [dreg:$0x0];
	s26 =	smul.u32 $0x4F000, s25  }
0x5: {  	s0 =	srdreg.scid;
	s11 =	smul.u32 $0x2780, s25  }
0x6: {  	s1 =	rddreg [dreg:$0x1];
	s5 =	sand.u32 $0x1, s0;
	s31 =	smul.u32 $0x28000, s25  }
0x7: {  	s2 =	simm.s32 $0x0;
	s0 =	rddreg [dreg:$0x2];
	s3 =	smul.u32 $0x28000, s5  }
0x8: {  	[smem:$0x7FF] =	sst s2;
	s20 =	sadd.s32 $0x69400, s4;
	s7 =	smul.u32 $0x280000, s5  }
0x9: {  	p0 =	sne.s32 s25, $0x0;
	s25 =	simm.s32 $0x0;
	s18 =	smul.u32 $0x2800, s5  }
0xa: {  	_ =	strace $0x8000004D;
	s15 =	ssub.s32 $0x2, s5;
	s9 =	smul.u32 $0x140000, s5  }
0xb: {  	s17 =	sadd.s32 $0x200, s16;
	s19 =	sshrl.u32 s15, $0x1;
	s28 =	sshrl.u32 s26, $0x2  }
0xc: {  	s3 =	sadd.s32 s6, s3;
	s21 =	sadd.s32 s7, s4;
	s8 =	sshll.u32 s17, $0x4  }
0xd: {  	s10 =	ssub.s32 s15, s19;
	s23 =	sshll.u32 s17, $0x7;
	s6 =	sadd.s32 s18, s17  }
0xe: {  	s24 =	sshrl.u32 s9, $0x3;
	s17 =	sadd.s32 $0x80, s16;
	s19 =	sadd.s32 $0x100, s16  }
0xf: {  	s3 =	sshrl.u32 s3, $0x3;
	s5 =	sadd.s32 s23, s1;
	s6 =	sshll.u32 s6, $0x4  }
0x10: {  	s7 =	sadd.s32 s20, s24;
	s29 =	sshll.u32 s17, $0x4;
	s12 =	sshll.u32 s17, $0x7  }
0x11: {  	s13 =	sshll.u32 s19, $0x4;
	s23 =	sadd.s32 $0x180, s16;
	s14 =	sshll.u32 s19, $0x7  }
0x12: {  	s16 =	sadd.s32 s18, s16;
	s19 =	sadd.s32 s18, s19;
	s21 =	sadd.s32 s31, s21  }
0x13: {  	s22 =	sadd.s32 s3, s4;
	s3 =	sadd.s32 $0x41400, s4;
	s6 =	sadd.s32 s20, s6  }
0x14: {  	s7 =	sadd.s32 $0x27800, s7;
	s12 =	sadd.s32 s12, s1;
	s15 =	sshll.u32 s23, $0x4  }
0x15: {  	s14 =	sadd.s32 s14, s1;
	s24 =	sshll.u32 s23, $0x7;
	s26 =	sshll.u32 s16, $0x4  }
0x16: {  	s23 =	sadd.s32 s18, s23;
	s19 =	sshll.u32 s19, $0x4;
	s21 =	sadd.s32 $0x1E73400, s21  }
0x17: {  	s4 =	sadd.s32 s3, s8;
	s8 =	smax.u32 s10, $0x1;
	s9 =	sadd.s32 s3, s11  }
0x18: {  	s10 =	sadd.s32 s28, s1;
	s11 =	sadd.s32 s3, s29;
	s13 =	sadd.s32 s3, s13  }
0x19: {  	s15 =	sadd.s32 s3, s15;
	s28 =	sadd.s32 s18, s17;
	s16 =	sadd.s32 s24, s1  }
0x1a: {  	s17 =	sadd.s32 s20, s26;
	s23 =	sshll.u32 s23, $0x4;
	s19 =	sadd.s32 s20, s19  }
0x1b: {  	s22 =	sadd.s32 $0x5400, s22;
	s24 =	simm.s32 $0x1;
	s30 =	sshll.u32 s28, $0x4  }
0x1c: {  	s18 =	sadd.s32 s20, s30;
	s20 =	sadd.s32 s20, s23;
	s23 =	simm.s32 $0x80  }
.LBB2_1:
0x1d: {  	[tilespmem:s23], [sflag:$0x1] =	stream.linear.gather [hbm4b:s9+s2], $0x4000, $0x38;
	[tilespmem:$0x17C80] =	vst v63  }
0x1e: {  	_ =	swait.ge [sflag:s24], $0x4000  }
0x1f: {  	[sflag:s24] =	ssyncset.done $0x0  }
0x20: {  	[sflag:s24] =	ssyncadd.s32 $0xFFFFC000  }
0x21: {  	[spmem:s10] =	stream.linear.scatter [tilespmem:s23], [sflag:$0x1], $0x4000, $0x38;
	[tilespmem:$0x17C80] =	vst v63  }
0x22: {  	_ =	swait.ge [sflag:s24], $0x4000  }
0x23: {  	[sflag:s24] =	ssyncset.done $0x0  }
0x24: {  	[sflag:s24] =	ssyncadd.s32 $0xFFFFC000  }
0x25: {  	[tilespmem:s23], [sflag:$0x1] =	stream.linear.gather [hbm4b:s11+s2], $0x4000, $0x38;
	[tilespmem:$0x17C80] =	vst v63  }
0x26: {  	_ =	swait.ge [sflag:s24], $0x4000  }
0x27: {  	[sflag:s24] =	ssyncset.done $0x0  }
0x28: {  	[sflag:s24] =	ssyncadd.s32 $0xFFFFC000  }
0x29: {  	[spmem:s12] =	stream.linear.scatter [tilespmem:s23], [sflag:$0x1], $0x4000, $0x38;
	[tilespmem:$0x17C80] =	vst v63  }
0x2a: {  	_ =	swait.ge [sflag:s24], $0x4000  }
0x2b: {  	[sflag:s24] =	ssyncset.done $0x0  }
0x2c: {  	[sflag:s24] =	ssyncadd.s32 $0xFFFFC000  }
0x2d: {  	[tilespmem:s23], [sflag:$0x1] =	stream.linear.gather [hbm4b:s13+s2], $0x4000, $0x38;
	[tilespmem:$0x17C80] =	vst v63  }
0x2e: {  	_ =	swait.ge [sflag:s24], $0x4000  }
0x2f: {  	[sflag:s24] =	ssyncset.done $0x0  }
0x30: {  	[sflag:s24] =	ssyncadd.s32 $0xFFFFC000  }
0x31: {  	[spmem:s14] =	stream.linear.scatter [tilespmem:s23], [sflag:$0x1], $0x4000, $0x38;
	[tilespmem:$0x17C80] =	vst v63  }
0x32: {  	_ =	swait.ge [sflag:s24], $0x4000  }
0x33: {  	[sflag:s24] =	ssyncset.done $0x0  }
0x34: {  	[sflag:s24] =	ssyncadd.s32 $0xFFFFC000  }
0x35: {  	[tilespmem:s23], [sflag:$0x1] =	stream.linear.gather [hbm4b:s15+s2], $0x4000, $0x38;
	[tilespmem:$0x17C80] =	vst v63  }
0x36: {  	_ =	swait.ge [sflag:s24], $0x4000  }
0x37: {  	[sflag:s24] =	ssyncset.done $0x0  }
0x38: {  	[sflag:s24] =	ssyncadd.s32 $0xFFFFC000  }
0x39: {  	[spmem:s16] =	stream.linear.scatter [tilespmem:s23], [sflag:$0x1], $0x4000, $0x38;
	[tilespmem:$0x17C80] =	vst v63  }
0x3a: {  	_ =	swait.ge [sflag:s24], $0x4000  }
0x3b: {  	[sflag:s24] =	ssyncset.done $0x0  }
0x3c: {  	[sflag:s24] =	ssyncadd.s32 $0xFFFFC000  }
0x3d: {  	[tilespmem:s23], [sflag:$0x1] =	stream.linear.gather [hbm4b:s4+s2], $0x3C00, $0x38;
	[tilespmem:$0x17C80] =	vst v63  }
0x3e: {  	_ =	swait.ge [sflag:s24], $0x3C00  }
0x3f: {  	[sflag:s24] =	ssyncset.done $0x0  }
0x40: {  	[sflag:s24] =	ssyncadd.s32 $0xFFFFC400  }
0x41: {  	[spmem:s5] =	stream.linear.scatter [tilespmem:s23], [sflag:$0x1], $0x3C00, $0x38;
	[tilespmem:$0x17C80] =	vst v63  }
0x42: {  	_ =	swait.ge [sflag:s24], $0x3C00  }
0x43: {  	[sflag:s24] =	ssyncset.done $0x0  }
0x44: {  	[sflag:s24] =	ssyncadd.s32 $0xFFFFC400  }
0x45: {  	s26 =	sadd.s32 $0x0, s22;
	[bflag:$0x0] =	sbarrier.arrive $0xFFFF  }
0x46: {  	[tilespmem:s2], [sflag:$0x1] =	stream.linear.gather [hbm4b:s26+s2], $0x80, $0x38;
	[tilespmem:$0x17C80] =	vst v63  }
0x47: {  	_ =	swait.ge [sflag:s24], $0x80  }
0x48: {  	[sflag:s24] =	ssyncset.done $0x0  }
0x49: {  	[sflag:s24] =	ssyncadd.s32 $0xFFFFFF80  }
0x4a: {  	[tilespmem:s23], [sflag:$0x1] =	stream.linear.gather [hbm4b:s21+s2], $0x4000, $0x38;
	[tilespmem:$0x17C80] =	vst v63  }
0x4b: {  	_ =	swait.ge [sflag:s24], $0x4000  }
0x4c: {  	[sflag:s24] =	ssyncset.done $0x0  }
0x4d: {  	[sflag:s24] =	ssyncadd.s32 $0xFFFFC000  }
0x4e: {  	[spmem:s1] =	stream.indirect.scatter.add.f32 [tilespmem:s23], [sflag:$0x1], $0x80, s2, s23, $0xb8;
	[tilespmem:$0x17C80] =	vst v63  }
0x4f: {  	s28 =	simm.s32 $0x10;
	_ =	swait.ge [sflag:s24], $0x4000  }
0x50: {  	s29 =	simm.s32 $0x20;
	s26 =	sadd.s32 $0x800, s21;
	[sflag:s24] =	ssyncset.done $0x0  }
.LBB2_2:
0x51: {  	s30 =	sadd.s32 s28, s22  }
0x52: {  	[sflag:s24] =	ssyncadd.s32 $0xFFFFC000;
	s28 =	smov.u32 s29;
	s31 =	sadd.s32 $0x10, s29  }
0x53: {  	[tilespmem:s2], [sflag:$0x1] =	stream.linear.gather [hbm4b:s30+s2], $0x80, $0x38;
	[tilespmem:$0x17C80] =	vst v63  }
0x54: {  	p1 =	sne.s32 s29, $0x4F0;
	_ =	swait.ge [sflag:s24], $0x80  }
0x55: {  	[sflag:s24] =	ssyncset.done $0x0  }
0x56: {  	[sflag:s24] =	ssyncadd.s32 $0xFFFFFF80  }
0x57: {  	[tilespmem:s23], [sflag:$0x1] =	stream.linear.gather [hbm4b:s26+s2], $0x4000, $0x38;
	[tilespmem:$0x17C80] =	vst v63  }
0x58: {  	_ =	swait.ge [sflag:s24], $0x4000  }
.Ltmp0:
0x59: {  	[sflag:s24] =	ssyncset.done $0x0;
	(pc) =	sbr.rel @p1 .LBB2_2-.Ltmp0, $4  }
0x5a: {  	[sflag:s24] =	ssyncadd.s32 $0xFFFFC000  }
0x5b: {  	[spmem:s1] =	stream.indirect.scatter.add.f32 [tilespmem:s23], [sflag:$0x1], $0x80, s2, s23, $0xb8;
	[tilespmem:$0x17C80] =	vst v63  }
0x5c: {  	_ =	swait.ge [sflag:s24], $0x4000  }
0x5d: {  	s29 =	smov.u32 s31;
	s26 =	sadd.s32 $0x800, s26;
	[sflag:s24] =	ssyncset.done $0x0  }
0x5e: {  	s28 =	sadd.s32 s28, s22;
	[sflag:s24] =	ssyncadd.s32 $0xFFFFC000  }
0x5f: {  	[tilespmem:s2], [sflag:$0x1] =	stream.linear.gather [hbm4b:s28+s2], $0x80, $0x38;
	[tilespmem:$0x17C80] =	vst v63  }
0x60: {  	_ =	swait.ge [sflag:s24], $0x80  }
0x61: {  	[sflag:s24] =	ssyncset.done $0x0  }
0x62: {  	[sflag:s24] =	ssyncadd.s32 $0xFFFFFF80  }
0x63: {  	[tilespmem:s23], [sflag:$0x1] =	stream.linear.gather [hbm4b:s26+s2], $0x4000, $0x38;
	[tilespmem:$0x17C80] =	vst v63  }
0x64: {  	_ =	swait.ge [sflag:s24], $0x4000  }
0x65: {  	[sflag:s24] =	ssyncset.done $0x0  }
0x66: {  	[sflag:s24] =	ssyncadd.s32 $0xFFFFC000  }
0x67: {  	[spmem:s1] =	stream.indirect.scatter.add.f32 [tilespmem:s23], [sflag:$0x1], $0x80, s2, s23, $0xb8;
	[tilespmem:$0x17C80] =	vst v63  }
0x68: {  	_ =	swait.ge [sflag:s24], $0x4000  }
0x69: {  	[sflag:s24] =	ssyncset.done $0x0  }
0x6a: {  	[sflag:s24] =	ssyncadd.s32 $0xFFFFC000  }
0x6b: {  	[bflag:$0x0] =	sbarrier.arrive $0xFFFF  }
0x6c: {  	[tilespmem:s23], [sflag:$0x1] =	stream.linear.gather [spmem:s10], $0x4000, $0x38;
	[tilespmem:$0x17C80] =	vst v63  }
0x6d: {  	_ =	swait.ge [sflag:s24], $0x4000  }
0x6e: {  	[sflag:s24] =	ssyncset.done $0x0  }
0x6f: {  	[sflag:s24] =	ssyncadd.s32 $0xFFFFC000  }
0x70: {  	[hbm4b:s17+s2] =	stream.linear.scatter [tilespmem:s23], [sflag:$0x1], $0x4000, $0x38;
	[tilespmem:$0x17C80] =	vst v63  }
0x71: {  	_ =	swait.ge [sflag:s24], $0x4000  }
0x72: {  	[sflag:s24] =	ssyncset.done $0x0  }
0x73: {  	[sflag:s24] =	ssyncadd.s32 $0xFFFFC000  }
0x74: {  	[tilespmem:s23], [sflag:$0x1] =	stream.linear.gather [spmem:s12], $0x4000, $0x38;
	[tilespmem:$0x17C80] =	vst v63  }
0x75: {  	_ =	swait.ge [sflag:s24], $0x4000  }
0x76: {  	[sflag:s24] =	ssyncset.done $0x0  }
0x77: {  	[sflag:s24] =	ssyncadd.s32 $0xFFFFC000  }
0x78: {  	[hbm4b:s18+s2] =	stream.linear.scatter [tilespmem:s23], [sflag:$0x1], $0x4000, $0x38;
	[tilespmem:$0x17C80] =	vst v63  }
0x79: {  	_ =	swait.ge [sflag:s24], $0x4000  }
0x7a: {  	[sflag:s24] =	ssyncset.done $0x0  }
0x7b: {  	[sflag:s24] =	ssyncadd.s32 $0xFFFFC000  }
0x7c: {  	[tilespmem:s23], [sflag:$0x1] =	stream.linear.gather [spmem:s14], $0x4000, $0x38;
	[tilespmem:$0x17C80] =	vst v63  }
0x7d: {  	_ =	swait.ge [sflag:s24], $0x4000  }
0x7e: {  	[sflag:s24] =	ssyncset.done $0x0  }
0x7f: {  	[sflag:s24] =	ssyncadd.s32 $0xFFFFC000  }
0x80: {  	[hbm4b:s19+s2] =	stream.linear.scatter [tilespmem:s23], [sflag:$0x1], $0x4000, $0x38;
	[tilespmem:$0x17C80] =	vst v63  }
0x81: {  	_ =	swait.ge [sflag:s24], $0x4000  }
0x82: {  	[sflag:s24] =	ssyncset.done $0x0  }
0x83: {  	[sflag:s24] =	ssyncadd.s32 $0xFFFFC000  }
0x84: {  	[tilespmem:s23], [sflag:$0x1] =	stream.linear.gather [spmem:s16], $0x4000, $0x38;
	[tilespmem:$0x17C80] =	vst v63  }
0x85: {  	_ =	swait.ge [sflag:s24], $0x4000  }
0x86: {  	[sflag:s24] =	ssyncset.done $0x0  }
0x87: {  	[sflag:s24] =	ssyncadd.s32 $0xFFFFC000  }
0x88: {  	[hbm4b:s20+s2] =	stream.linear.scatter [tilespmem:s23], [sflag:$0x1], $0x4000, $0x38;
	[tilespmem:$0x17C80] =	vst v63  }
0x89: {  	_ =	swait.ge [sflag:s24], $0x4000  }
0x8a: {  	[sflag:s24] =	ssyncset.done $0x0  }
0x8b: {  	[sflag:s24] =	ssyncadd.s32 $0xFFFFC000  }
0x8c: {  	[tilespmem:s23], [sflag:$0x1] =	stream.linear.gather [spmem:s5], $0x3C00, $0x38;
	[tilespmem:$0x17C80] =	vst v63  }
0x8d: {  	_ =	swait.ge [sflag:s24], $0x3C00  }
0x8e: {  	[sflag:s24] =	ssyncset.done $0x0  }
0x8f: {  	[sflag:s24] =	ssyncadd.s32 $0xFFFFC400  }
0x90: {  	[hbm4b:s6+s2] =	stream.linear.scatter [tilespmem:s23], [sflag:$0x1], $0x3C00, $0x38;
	[tilespmem:$0x17C80] =	vst v63  }
0x91: {  	_ =	swait.ge [sflag:s24], $0x3C00  }
0x92: {  	s29 =	simm.s32 @!p0 $0x1;
	[sflag:s24] =	ssyncset.done $0x0  }
0x93: {  	s28 =	simm.s32 @!p0 $0x80;
	s26 =	simm.s32 @!p0 $0x0;
	[sflag:s24] =	ssyncadd.s32 $0xFFFFC400  }
0x94: {  	[tilespmem:s28], [sflag:$0x1] =	stream.linear.gather @!p0 [hbm4b:s3+s26], $0x4000, $0x38;
	[tilespmem:$0x17C80] =	vst v63  }
0x95: {  	s25 =	sadd.s32 $0x1, s25;
	_ =	swait.ge @!p0 [sflag:s29], $0x4000  }
0x96: {  	p1 =	sne.s32 s25, s8;
	[sflag:s29] =	ssyncset.done @!p0 $0x0  }
.Ltmp1:
0x97: {  	[sflag:s29] =	ssyncadd.s32 @!p0 $0xFFFFC000;
	(pc) =	sbr.rel @p1 .LBB2_1-.Ltmp1, $4  }
0x98: {  	[hbm4b:s7+s26] =	stream.linear.scatter @!p0 [tilespmem:s28], [sflag:$0x1], $0x4000, $0x38;
	[tilespmem:$0x17C80] =	vst v63  }
0x99: {  	_ =	swait.ge @!p0 [sflag:s29], $0x4000  }
0x9a: {  	[sflag:s29] =	ssyncset.done @!p0 $0x0  }
0x9b: {  	[sflag:s29] =	ssyncadd.s32 @!p0 $0xFFFFC000  }
0x9c: {  	_ =	sfence.sel $0x180000  }
0x9d: {  	[bflag:$0x0] =	sbarrier.arrive $0xFFFF  }
0x9e: {  	_ =	strace $0x9000004D  }
0x9f: {  	s0 =	sadd.s32 @!p0 $0x100000, s0;
	[bflag:$0x2] =	sbarrier.arrive $0xFFFF  }
0xa0: {  	[sflag:s0] =	ssyncadd.tile.s32 @!p0 $0x1;
	_ =	shalt  }
.Lfunc_end2:
_tile_overlayer_lowered:
.L_overlay_start_2:
0xa1: {  	(tag) =	ssettag $0x2  }
0xa2: {  	s0 =	rddreg [dreg:$0x0];
	s2 =	stileid.u32  }
0xa3: {  	s1 =	rddreg [dreg:$0x1];
	p0 =	sne.s32 s2, $0x0  }
0xa4: {  	s3 =	rddreg [dreg:$0x2];
	[bflag:$0x3] =	sbarrier.arrive $0xFFFF;
	s2 =	simm.s32 @!p0 $0x1C01  }
0xa5: {  	[timem:s3], [sflag:s2] =	dma.local @!p0 [hbm:s0], s1  }
0xa6: {  	s0 =	simm.s32 @!p0 $0x1  }
0xa7: {  	_ =	swait.ge @!p0 [sflag:s0], s1  }
0xa8: {  	s1 =	ssub.s32 @!p0 $0x0, s1;
	[sflag:s0] =	ssyncset.done @!p0 $0x0  }
0xa9: {  	[sflag:s0] =	ssyncadd.s32 @!p0 s1  }
0xaa: {  	[bflag:$0x3] =	sbarrier.arrive $0xFFFF  }
0xab: {  	_ =	shalt  }

// kernel: kernel.14.cloned.1.call-start
scs
__scs_entry_jumppad:
0x0: {  	(pc) =	sbr.rel $0x88, $3  }
0x1: {  	(tag) =	ssettag $0x0;
	lr =	simm.s32 $0x1  }
0x2: {  	[smem:$0x3F93] =	sst lr;
	_ =	strace $0xD0000000  }
0x3: {  	_ = 	snop  }
0x4: {  	_ = 	snop  }
0x5: {  	_ = 	snop  }
0x6: {  	_ = 	snop  }
0x7: {  	_ = 	snop  }
__scs_overlays_trampoline_lowered:
0x8: {  	[smem:$0x3FA2] =	sst s0  }
0x9: {  	[smem:$0x3FA3] =	sst s1  }
0xa: {  	[smem:$0x3FA4] =	sst s2  }
0xb: {  	[smem:$0x3FA5] =	sst s3  }
0xc: {  	[smem:$0x3FA6] =	sst s4  }
0xd: {  	[smem:$0x3FA7] =	sst s5  }
0xe: {  	[smem:$0x3FA8] =	sst s6  }
0xf: {  	[smem:$0x3FA9] =	sst s7  }
0x10: {  	[smem:$0x3FAA] =	sst s8  }
0x11: {  	[smem:$0x3FAB] =	sst s9;
	s0 =	simm.s32 @!p0 $0x0  }
0x12: {  	s1 =	sld [smem:$0x3F91];
	s0 =	simm.s32 @p0 $0x1  }
0x13: {  	[smem:$0x3FAC] =	sst s0;
	s0 =	simm.s32 @!p1 $0x0  }
0x14: {  	s2 =	sld [smem:$0x3F90];
	s0 =	simm.s32 @p1 $0x1  }
0x15: {  	[smem:$0x3FAD] =	sst s0;
	s0 =	simm.s32 @!p2 $0x0  }
0x16: {  	s3 =	sld [smem:$0x3FDB];
	s0 =	simm.s32 @p2 $0x1  }
0x17: {  	s4 =	simm.s32 $0x1BF5;
	[smem:$0x3FAF] =	sst s0  }
0x18: {  	s0 =	sld [smem:$0x3F92];
	_ =	swait.ge [sflag:s4], $0x0  }
0x19: {  	s7 =	sld [smem:$0x3F93]  }
0x1a: {  	s8 =	sadd.s32 $0xFFFFE003, lr  }
0x1b: {  	s9 =	sadd.s32 $0xFFFFFEF7, lr;
	s5 =	simm.s32 $0xFFFFFFFF;
	p2 =	slt.u32 s8, $0xFFFFF086  }
0x1c: {  	p1 =	slt.u32 s9, $0xF7A;
	s5 =	simm.s32 @!p2 $0x0  }
0x1d: {  	s5 =	simm.s32 @p1 $0x1;
	p0 =	seq.s32 s7, s2  }
0x1e: {  	s7 =	smul.u32 @!p0 $0xF7A, s2;
	p2 =	seq.s32 @!p0 s5, $0x0  }
0x1f: {  	s9 =	smul.u32 $0xF7A, s1;
	s8 =	simm.s32 @!p0 $0x1BF5;
	p2 =	por !p2, p0  }
0x20: {  	[sflag:s8] =	ssyncset.s32 @!p0 $0xFFFFF086;
	s6 =	sadd.s32 @!p0 s3, s7;
	s7 =	simm.s32 @!p0 $0x108  }
0x21: {  	s3 =	sadd.s32 s3, s9;
	s6 =	sadd.s32 @!p0 $0x88, s6;
	s7 =	simm.s32 @p2 $0x1082  }
0x22: {  	[simem:s7], [sflag:s8] =	dma.local @!p0 [hbm:s6], $0xF7A  }
0x23: {  	s9 =	sor.u32 $0xD0000000, s2;
	s6 =	simm.s32 $0x108;
	_ =	swait.ge @!p0 [sflag:s8], $0x0  }
0x24: {  	s3 =	sadd.s32 $0x88, s3;
	s6 =	simm.s32 @!p1 $0x1082;
	[sflag:s4] =	ssyncset.s32 $0xFFFFF086  }
0x25: {  	[simem:s6], [sflag:s4] =	dma.local [hbm:s3], $0xF7A  }
0x26: {  	[smem:$0x3F93] =	sst s1;
	(tag) =	ssettag s2;
	_ =	strace s9  }
0x27: {  	s1 =	sld [smem:$0x3FA3]  }
0x28: {  	s2 =	sld [smem:$0x3FA4]  }
0x29: {  	s4 =	sld [smem:$0x3FA6]  }
0x2a: {  	p0 =	seq.s32 s5, $0x0;
	s5 =	sld [smem:$0x3FA7]  }
0x2b: {  	s6 =	sld [smem:$0x3FA8]  }
0x2c: {  	s7 =	sld [smem:$0x3FA9]  }
0x2d: {  	s3 =	simm.s32 $0x108;
	s8 =	sld [smem:$0x3FAA]  }
0x2e: {  	s3 =	simm.s32 @!p0 $0x1082;
	s9 =	sld [smem:$0x3FAB]  }
0x2f: {  	lr =	sadd.s32 s0, s3;
	s0 =	sld [smem:$0x3FA2]  }
0x30: {  	s3 =	sld [smem:$0x3FA5]  }
0x31: {  	[smem:$0x3FAE] =	sst s10  }
0x32: {  	s10 =	sld [smem:$0x3FAC];
	_ =	sdelay $0x3  }
0x33: {  	p0 =	seq.s32 s10, $0x1;
	s10 =	sld [smem:$0x3FAE];
	_ =	sdelay $0x3  }
0x34: {  	[smem:$0x3FAE] =	sst s10  }
0x35: {  	s10 =	sld [smem:$0x3FAD];
	_ =	sdelay $0x3  }
0x36: {  	p1 =	seq.s32 s10, $0x1;
	s10 =	sld [smem:$0x3FAE];
	_ =	sdelay $0x3  }
0x37: {  	[smem:$0x3FAE] =	sst s10  }
0x38: {  	s10 =	sld [smem:$0x3FAF]  }
0x39: {  	_ = 	snop;
	(pc) =	sbr.ind lr, $3  }
0x3a: {  	_ = 	snop  }
0x3b: {  	_ = 	snop  }
0x3c: {  	p2 =	seq.s32 s10, $0x1;
	s10 =	sld [smem:$0x3FAE]  }
0x3d: {  	_ =	shalt  }
0x3e: {  	_ =	shalt  }
0x3f: {  	_ =	shalt  }
0x40: {  	_ =	shalt  }
0x41: {  	_ =	shalt  }
0x42: {  	_ =	shalt  }
0x43: {  	_ =	shalt  }
0x44: {  	_ =	shalt  }
0x45: {  	_ =	shalt  }
0x46: {  	_ =	shalt  }
0x47: {  	_ =	shalt  }
0x48: {  	_ =	shalt  }
0x49: {  	_ =	shalt  }
0x4a: {  	_ =	shalt  }
0x4b: {  	_ =	shalt  }
0x4c: {  	_ =	shalt  }
0x4d: {  	_ =	shalt  }
0x4e: {  	_ =	shalt  }
0x4f: {  	_ =	shalt  }
0x50: {  	_ =	shalt  }
0x51: {  	_ =	shalt  }
0x52: {  	_ =	shalt  }
0x53: {  	_ =	shalt  }
0x54: {  	_ =	shalt  }
0x55: {  	_ =	shalt  }
0x56: {  	_ =	shalt  }
0x57: {  	_ =	shalt  }
0x58: {  	_ =	shalt  }
0x59: {  	_ =	shalt  }
0x5a: {  	_ =	shalt  }
0x5b: {  	_ =	shalt  }
0x5c: {  	_ =	shalt  }
0x5d: {  	_ =	shalt  }
0x5e: {  	_ =	shalt  }
0x5f: {  	_ =	shalt  }
0x60: {  	_ =	shalt  }
0x61: {  	_ =	shalt  }
0x62: {  	_ =	shalt  }
0x63: {  	_ =	shalt  }
0x64: {  	_ =	shalt  }
0x65: {  	_ =	shalt  }
0x66: {  	_ =	shalt  }
0x67: {  	_ =	shalt  }
0x68: {  	_ =	shalt  }
0x69: {  	_ =	shalt  }
0x6a: {  	_ =	shalt  }
0x6b: {  	_ =	shalt  }
0x6c: {  	_ =	shalt  }
0x6d: {  	_ =	shalt  }
0x6e: {  	_ =	shalt  }
0x6f: {  	_ =	shalt  }
0x70: {  	_ =	shalt  }
0x71: {  	_ =	shalt  }
0x72: {  	_ =	shalt  }
0x73: {  	_ =	shalt  }
0x74: {  	_ =	shalt  }
0x75: {  	_ =	shalt  }
0x76: {  	_ =	shalt  }
0x77: {  	_ =	shalt  }
0x78: {  	_ =	shalt  }
0x79: {  	_ =	shalt  }
0x7a: {  	_ =	shalt  }
0x7b: {  	_ =	shalt  }
0x7c: {  	_ =	shalt  }
0x7d: {  	_ =	shalt  }
0x7e: {  	_ =	shalt  }
0x7f: {  	_ =	shalt  }
0x80: {  	_ =	shalt  }
0x81: {  	_ =	shalt  }
0x82: {  	_ =	shalt  }
0x83: {  	_ =	shalt  }
0x84: {  	_ =	shalt  }
0x85: {  	_ =	shalt  }
0x86: {  	_ =	shalt  }
0x87: {  	_ =	shalt  }
.Lfunc_end0:
.L_simem_size_0:
called_computation.2_lowered:
.L_overlay_start_0:
0x88: {  	s2 =	sld [smem:$0x3FD9]  }
0x89: {  	s3 =	sld [smem:$0x3FFE];
	_ =	sdelay $0x1  }
0x8a: {  	s1 =	srdreg.scid  }
0x8b: {  	s0 =	sand.u32 $0x1, s1  }
0x8c: {  	s16 =	sshll.u32 s0, $0xA;
	s2 =	sadd.s32 s3, s2  }
0x8d: {  	s2 =	sadd.s32 s2, s16  }
0x8e: {  	[smem:$0x3FBA] =	sst s2  }
0x8f: {  	_ = 	snop  }
0x90: {  	(tm) =	ssettm $0x1  }
0x91: {  	s17 =	sld [smem:$0x3FFB];
	_ =	sdelay $0x3  }
0x92: {  	_ =	strace s17  }
0x93: {  	s2 =	sld [smem:$0x3FFC];
	_ =	sdelay $0x3  }
0x94: {  	_ =	strace s2  }
0x95: {  	s2 =	sld [smem:$0x3FFD];
	_ =	sdelay $0x3  }
0x96: {  	_ =	strace s2  }
0x97: {  	_ =	strace $0x8FFFFFFF  }
0x98: {  	s18 =	sld [smem:$0x3FDB];
	_ =	sdelay $0x1  }
0x99: {  	s19 =	simm.s32 $_scs_section_size  }
0x9a: {  	s4 =	simm.s32 $_size__tile_overlayer_lowered;
	s5 =	simm.s32 $_tile_overlayer_lowered  }
0x9b: {  	s22 =	simm.s32 $0x1BFF;
	s21 =	sshll.u32 s5, $0x1;
	s2 =	sadd.s32 s19, s18  }
0x9c: {  	s6 =	simm.s32 $0x0;
	s20 =	sshll.u32 s4, $0x1;
	s4 =	sadd.s32 s21, s2  }
0x9d: {  	[timem:s6], [sflag:s22] =	dma.local [hbm:s4], s20  }
0x9e: {  	_ =	swait.ge [sflag:s22], s20  }
0x9f: {  	s3 =	ssub.s32 $0x0, s20;
	[sflag:s22] =	ssyncset.done $0x0  }
0xa0: {  	[sflag:s22] =	ssyncadd.s32 s3;
	_ =	sdelay $0x1  }
0xa1: {  	s23 =	simm.s32 $0x1B8B  }
0xa2: {  	_ =	swait.ge [sflag:s23], $0x1  }
0xa3: {  	[sflag:s23] =	ssyncset.done $0x0  }
0xa4: {  	s25 =	simm.s32 $0x1B8E;
	s24 =	sld [smem:$0x3FFE];
	[sflag:s23] =	ssyncadd.s32 $0xFFFFFFFF  }
0xa5: {  	s26 =	simm.s32 $execute0_lowered;
	[smem:$0x3FD2] =	sst s25  }
0xa6: {  	s4 =	sshll.u32 s26, $0x1;
	_ =	strace $0x80000049;
	[dreg:$0x1] =	wrdreg $0xFFFFFFFF  }
0xa7: {  	s28 =	simm.s32 $_size_execute0_lowered;
	s2 =	sadd.s32 s2, s4;
	[dreg:$0x0] =	wrdreg $0x0  }
0xa8: {  	s4 =	sshll.u32 s28, $0x1;
	[dreg:$0x2] =	wrdreg s2  }
0xa9: {  	[dreg:$0x3] =	wrdreg s4  }
0xaa: {  	[dreg:$0x4] =	wrdreg $0xC0  }
0xab: {  	_ =	task [dreg:s6], $0x5FFFF  }
0xac: {  	[dreg:$0x1] =	wrdreg $0xFFFFFFFF  }
0xad: {  	[dreg:$0x0] =	wrdreg $0x60  }
0xae: {  	[dreg:$0x2] =	wrdreg s24  }
0xaf: {  	[dreg:$0x3] =	wrdreg $0xA9000  }
0xb0: {  	[dreg:$0x4] =	wrdreg $0xA  }
0xb1: {  	_ =	task.clear_ibuf [dreg:s6], $0x5FFFF;
	_ =	strace $0x90000049  }
0xb2: {  	s29 =	simm.s32 $0xA;
	_ =	strace $0x8000004B  }
0xb3: {  	_ =	swait.ge [sflag:s29], $0x1  }
0xb4: {  	[sflag:s29] =	ssyncadd.s32 $0xFFFFFFFF  }
0xb5: {  	_ =	strace $0x9000004B  }
0xb6: {  	_ =	sfence  }
0xb7: {  	s30 =	sld [smem:$0x0];
	_ =	sdelay $0x2  }
0xb8: {  	s31 =	sshll.u32 s1, $0xD;
	s1 =	sshrl.u32 s1, $0x2  }
0xb9: {  	s3 =	sand.u32 $0x4000, s31;
	s1 =	sadd.s32 s1, s30  }
0xba: {  	s0 =	sor.u32 s3, s0;
	s1 =	sshll.u32 s1, $0x11  }
0xbb: {  	s0 =	sor.u32 s1, s0  }
0xbc: {  	s0 =	sadd.s32 $0x8F2B, s0  }
0xbd: {  	[sflag:s0] =	ssyncadd.remote.s32 $0x1  }
0xbe: {  	_ =	sfence.sel $0xFFFF  }
0xbf: {  	[dreg:$0x0] =	wrdreg $0xFFFFFFFF;
	(pc) =	sbr.abs _section_cstart, $3  }
0xc0: {  	[dreg:$0x1] =	wrdreg $0xFFFFFFFF  }
0xc1: {  	_ =	task.clear_ibuf [dreg:s6], $0x2FFFF;
	_ =	strace $0x9FFFFFFF  }
0xc2: {  	(tm) =	ssettm $0x7FFFFFFF  }
0xc3: {  	_ =	shalt  }
tec
execute0_lowered:
.L_overlay_start_1:
0x0: {  	(tag) =	ssettag $0x1  }
0x1: {  	s0 =	srdreg.scid  }
0x2: {  	s5 =	rddreg [dreg:$0x0];
	s6 =	sand.u32 $0x1, s0  }
0x3: {  	s0 =	stileid.u32;
	s4 =	smul.u32 $0x28000, s6  }
0x4: {  	s2 =	rddreg [dreg:$0x1];
	s7 =	smul.u32 $0x2800, s0  }
0x5: {  	s1 =	rddreg [dreg:$0x2];
	v0 =	vlaneseq.u32;
	s8 =	smul.u32 $0x280000, s6  }
0x6: {  	s3 =	simm.s32 $0x0;
	s13 =	simm.s32 $0x4100;
	v0 =	vmul.u32 $0x80, v0;
	s29 =	smul.u32 $0x500, s0  }
0x7: {  	s14 =	simm.s32 $0x80;
	s15 =	simm.s32 $0x0;
	s10 =	smul.u32 $0x5000, s6  }
0x8: {  	v1 =	vimm.f32 $0.0e+00;
	[smem:$0x7FF] =	sst s3;
	s6 =	ssub.s32 $0x2, s6;
	s11 =	smul.u32 $0xA000, s0;
	v2 =	vor.u32 $0x1, v0;
	v4 =	vor.u32 $0x800, v0  }
0x9: {  	_ =	strace $0x8000004A;
	s12 =	smul.u32 $0x28000, s0;
	v5 =	vor.u32 $0x801, v0;
	v6 =	vor.u32 $0x802, v0;
	s30 =	sshrl.u32 s6, $0x1;
	v7 =	vor.u32 $0x1000, v0  }
0xa: {  	v8 =	vor.u32 $0x1001, v0;
	v9 =	vor.u32 $0x1002, v0;
	v10 =	vor.u32 $0x1800, v0;
	s4 =	sadd.s32 s7, s4;
	s8 =	sadd.s32 s8, s5;
	s7 =	sadd.s32 s29, s10  }
0xb: {  	v11 =	vor.u32 $0x1801, v0;
	v12 =	vor.u32 $0x1802, v0;
	v13 =	vor.u32 $0x2000, v0;
	s10 =	ssub.s32 s6, s30;
	s31 =	sshrl.u32 s11, $0x2;
	s11 =	simm.s32 $0x1  }
0xc: {  	v14 =	vor.u32 $0x2001, v0;
	v15 =	vor.u32 $0x2002, v0;
	v16 =	vor.u32 $0x2800, v0;
	s4 =	sshrl.u32 s4, $0x3;
	s7 =	sadd.s32 s7, s5;
	s8 =	sadd.s32 s12, s8  }
0xd: {  	v17 =	vor.u32 $0x2801, v0;
	v18 =	vor.u32 $0x2802, v0;
	v19 =	vor.u32 $0x3000, v0;
	s12 =	simm.s32 $0x100;
	s9 =	sadd.s32 s4, s5;
	s4 =	sadd.s32 $0x41400, s5  }
0xe: {  	v20 =	vor.u32 $0x3001, v0;
	v21 =	vor.u32 $0x3002, v0;
	v22 =	vor.u32 $0x3800, v0;
	s5 =	sadd.s32 s31, s2;
	s6 =	sadd.s32 $0xF400, s7;
	s7 =	smax.u32 s10, $0x1  }
0xf: {  	v3 =	vor.u32 $0x2, v0;
	v23 =	vor.u32 $0x3801, v0;
	v24 =	vor.u32 $0x3802, v0;
	s8 =	sadd.s32 $0x1973400, s8;
	s10 =	simm.s32 $0x8100;
	s9 =	sadd.s32 $0x5400, s9  }
.LBB2_1:
0x10: {  	s16 =	simm.s32 $0x0;
	s17 =	simm.s32 $0x200  }
.LBB2_2:
0x11: {  	p0 =	sne.s32 s17, $0xFE00;
	[tilespmem:s16+$0x4170] =	vst v1  }
0x12: {  	[tilespmem:s16+$0x4100] =	vst v1  }
0x13: {  	[tilespmem:s16+$0x4110] =	vst v1  }
.Ltmp0:
0x14: {  	[tilespmem:s16+$0x4120] =	vst v1;
	(pc) =	sbr.rel @p0 .LBB2_2-.Ltmp0, $4  }
0x15: {  	[tilespmem:s16+$0x4130] =	vst v1  }
0x16: {  	[tilespmem:s16+$0x4140] =	vst v1  }
0x17: {  	[tilespmem:s16+$0x4150] =	vst v1  }
0x18: {  	[tilespmem:s16+$0x4160] =	vst v1;
	s16 =	sshra.s32 s17, $0x2;
	s17 =	sadd.s32 $0x200, s17  }
0x19: {  	[tilespmem:s16+$0x4170] =	vst v1  }
0x1a: {  	[tilespmem:s16+$0x4100] =	vst v1  }
0x1b: {  	[tilespmem:s16+$0x4110] =	vst v1  }
0x1c: {  	[tilespmem:s16+$0x4120] =	vst v1  }
0x1d: {  	[tilespmem:s16+$0x4130] =	vst v1  }
0x1e: {  	[tilespmem:s16+$0x4140] =	vst v1  }
0x1f: {  	[tilespmem:s16+$0x4150] =	vst v1  }
0x20: {  	[tilespmem:s16+$0x4160] =	vst v1;
	s16 =	simm.s32 $0x0  }
0x21: {  	[tilespmem:s10], [sflag:$0x1] =	stream.linear.gather [hbm4b:s4+s16], $0x2800, $0x38;
	[tilespmem:$0xD100] =	vst v63  }
0x22: {  	_ =	swait.ge [sflag:s11], $0x2800  }
0x23: {  	[sflag:s11] =	ssyncset.done $0x0  }
0x24: {  	[sflag:s11] =	ssyncadd.s32 $0xFFFFD800  }
0x25: {  	[spmem:s5] =	stream.linear.scatter [tilespmem:s10], [sflag:$0x1], $0x2800, $0x38;
	[tilespmem:$0xD100] =	vst v63  }
0x26: {  	_ =	swait.ge [sflag:s11], $0x2800  }
0x27: {  	[sflag:s11] =	ssyncset.done $0x0  }
0x28: {  	[sflag:s11] =	ssyncadd.s32 $0xFFFFD800  }
0x29: {  	s17 =	smov.u32 s8;
	[bflag:$0x0] =	sbarrier.arrive $0xFFFF  }
.LBB2_4:
0x2a: {  	s18 =	sadd.s32 s16, s9  }
0x2b: {  	[tilespmem:s3], [sflag:$0x1] =	stream.linear.gather [hbm4b:s18+s3], $0x80, $0x38;
	[tilespmem:$0xD100] =	vst v63  }
0x2c: {  	_ =	swait.ge [sflag:s11], $0x80  }
0x2d: {  	[sflag:s11] =	ssyncset.done $0x0  }
0x2e: {  	[sflag:s11] =	ssyncadd.s32 $0xFFFFFF80  }
0x2f: {  	[tilespmem:s12], [sflag:$0x1] =	stream.linear.gather [hbm4b:s17+s3], $0x4000, $0x38;
	[tilespmem:$0xD100] =	vst v63  }
0x30: {  	_ =	swait.ge [sflag:s11], $0x4000  }
0x31: {  	[sflag:s11] =	ssyncset.done $0x0  }
0x32: {  	[sflag:s11] =	ssyncadd.s32 $0xFFFFC000  }
0x33: {  	v25 =	vld [tilespmem:$0x0];
	_ =	sdelay $0x4  }
0x34: {  	v26 =	vshll.u32 v25, $0x4;
	v25 =	vshrl.u32 v25, $0x3  }
0x35: {  	v26 =	vand.u32 $0x70, v26;
	[tilespmem:$0x80] =	vst v25  }
0x36: {  	v25 =	vld.idx.msk [tilespmem:v0+s12+$0x0], $0xffff;
	v27 =	vor.u32 v0, v26  }
0x37: {  	v28 =	vld.idx.msk [tilespmem:v2+s12+$0x0], $0xffff;
	v29 =	vor.u32 v2, v26  }
0x38: {  	v30 =	vld.idx.msk [tilespmem:v3+s12+$0x0], $0xffff;
	v26 =	vor.u32 v3, v26;
	_ =	sdelay $0x2  }
0x39: {  	[tilespmem:v27+s13+$0x0] =	vst.idx.msk $0xffff, v25  }
0x3a: {  	[tilespmem:v29+s13+$0x0] =	vst.idx.msk $0xffff, v28  }
0x3b: {  	[tilespmem:v26+s13+$0x0] =	vst.idx.msk $0xffff, v30  }
0x3c: {  	v25 =	vld [tilespmem:$0x10];
	_ =	sdelay $0x4  }
0x3d: {  	v26 =	vshll.u32 v25, $0x4;
	v25 =	vshrl.u32 v25, $0x3  }
0x3e: {  	v26 =	vand.u32 $0x70, v26;
	[tilespmem:$0x90] =	vst v25  }
0x3f: {  	v25 =	vld.idx.msk [tilespmem:v4+s12+$0x0], $0xffff;
	v27 =	vor.u32 v4, v26  }
0x40: {  	v28 =	vld.idx.msk [tilespmem:v5+s12+$0x0], $0xffff;
	v57 =	vor.u32 v5, v26  }
0x41: {  	v30 =	vld.idx.msk [tilespmem:v6+s12+$0x0], $0xffff;
	v26 =	vor.u32 v6, v26;
	_ =	sdelay $0x2  }
0x42: {  	[tilespmem:v27+s13+$0x0] =	vst.idx.msk $0xffff, v25  }
0x43: {  	[tilespmem:v57+s13+$0x0] =	vst.idx.msk $0xffff, v28  }
0x44: {  	[tilespmem:v26+s13+$0x0] =	vst.idx.msk $0xffff, v30  }
0x45: {  	v25 =	vld [tilespmem:$0x20];
	_ =	sdelay $0x4  }
0x46: {  	v26 =	vshll.u32 v25, $0x4;
	v25 =	vshrl.u32 v25, $0x3  }
0x47: {  	v26 =	vand.u32 $0x70, v26;
	[tilespmem:$0xA0] =	vst v25  }
0x48: {  	v25 =	vld.idx.msk [tilespmem:v7+s12+$0x0], $0xffff;
	v27 =	vor.u32 v7, v26  }
0x49: {  	v28 =	vld.idx.msk [tilespmem:v8+s12+$0x0], $0xffff;
	v58 =	vor.u32 v8, v26  }
0x4a: {  	v30 =	vld.idx.msk [tilespmem:v9+s12+$0x0], $0xffff;
	v26 =	vor.u32 v9, v26;
	_ =	sdelay $0x2  }
0x4b: {  	[tilespmem:v27+s13+$0x0] =	vst.idx.msk $0xffff, v25  }
0x4c: {  	[tilespmem:v58+s13+$0x0] =	vst.idx.msk $0xffff, v28  }
0x4d: {  	[tilespmem:v26+s13+$0x0] =	vst.idx.msk $0xffff, v30  }
0x4e: {  	v25 =	vld [tilespmem:$0x30];
	_ =	sdelay $0x4  }
0x4f: {  	v26 =	vshll.u32 v25, $0x4;
	v25 =	vshrl.u32 v25, $0x3  }
0x50: {  	v26 =	vand.u32 $0x70, v26;
	[tilespmem:$0xB0] =	vst v25  }
0x51: {  	v25 =	vld.idx.msk [tilespmem:v10+s12+$0x0], $0xffff;
	v27 =	vor.u32 v10, v26  }
0x52: {  	v28 =	vld.idx.msk [tilespmem:v11+s12+$0x0], $0xffff;
	v59 =	vor.u32 v11, v26  }
0x53: {  	v30 =	vld.idx.msk [tilespmem:v12+s12+$0x0], $0xffff;
	v26 =	vor.u32 v12, v26;
	_ =	sdelay $0x2  }
0x54: {  	[tilespmem:v27+s13+$0x0] =	vst.idx.msk $0xffff, v25  }
0x55: {  	[tilespmem:v59+s13+$0x0] =	vst.idx.msk $0xffff, v28  }
0x56: {  	[tilespmem:v26+s13+$0x0] =	vst.idx.msk $0xffff, v30  }
0x57: {  	v25 =	vld [tilespmem:$0x40];
	_ =	sdelay $0x4  }
0x58: {  	v26 =	vshll.u32 v25, $0x4;
	v25 =	vshrl.u32 v25, $0x3  }
0x59: {  	v26 =	vand.u32 $0x70, v26;
	[tilespmem:$0xC0] =	vst v25  }
0x5a: {  	v25 =	vld.idx.msk [tilespmem:v13+s12+$0x0], $0xffff;
	v27 =	vor.u32 v13, v26  }
0x5b: {  	v28 =	vld.idx.msk [tilespmem:v14+s12+$0x0], $0xffff;
	v60 =	vor.u32 v14, v26  }
0x5c: {  	v30 =	vld.idx.msk [tilespmem:v15+s12+$0x0], $0xffff;
	v26 =	vor.u32 v15, v26;
	_ =	sdelay $0x2  }
0x5d: {  	[tilespmem:v27+s13+$0x0] =	vst.idx.msk $0xffff, v25  }
0x5e: {  	[tilespmem:v60+s13+$0x0] =	vst.idx.msk $0xffff, v28  }
0x5f: {  	[tilespmem:v26+s13+$0x0] =	vst.idx.msk $0xffff, v30  }
0x60: {  	v25 =	vld [tilespmem:$0x50];
	_ =	sdelay $0x4  }
0x61: {  	v26 =	vshll.u32 v25, $0x4;
	v25 =	vshrl.u32 v25, $0x3  }
0x62: {  	v26 =	vand.u32 $0x70, v26;
	[tilespmem:$0xD0] =	vst v25  }
0x63: {  	v25 =	vld.idx.msk [tilespmem:v16+s12+$0x0], $0xffff;
	v27 =	vor.u32 v16, v26  }
0x64: {  	v28 =	vld.idx.msk [tilespmem:v17+s12+$0x0], $0xffff;
	v61 =	vor.u32 v17, v26  }
0x65: {  	v30 =	vld.idx.msk [tilespmem:v18+s12+$0x0], $0xffff;
	v26 =	vor.u32 v18, v26;
	_ =	sdelay $0x2  }
0x66: {  	[tilespmem:v27+s13+$0x0] =	vst.idx.msk $0xffff, v25  }
0x67: {  	[tilespmem:v61+s13+$0x0] =	vst.idx.msk $0xffff, v28  }
0x68: {  	[tilespmem:v26+s13+$0x0] =	vst.idx.msk $0xffff, v30  }
0x69: {  	v25 =	vld [tilespmem:$0x60];
	_ =	sdelay $0x4  }
0x6a: {  	v26 =	vshll.u32 v25, $0x4;
	v25 =	vshrl.u32 v25, $0x3  }
0x6b: {  	v26 =	vand.u32 $0x70, v26;
	[tilespmem:$0xE0] =	vst v25  }
0x6c: {  	v25 =	vld.idx.msk [tilespmem:v19+s12+$0x0], $0xffff;
	v27 =	vor.u32 v19, v26  }
0x6d: {  	v28 =	vld.idx.msk [tilespmem:v20+s12+$0x0], $0xffff;
	v62 =	vor.u32 v20, v26  }
0x6e: {  	v30 =	vld.idx.msk [tilespmem:v21+s12+$0x0], $0xffff;
	v26 =	vor.u32 v21, v26;
	_ =	sdelay $0x2  }
0x6f: {  	[tilespmem:v27+s13+$0x0] =	vst.idx.msk $0xffff, v25  }
0x70: {  	[tilespmem:v62+s13+$0x0] =	vst.idx.msk $0xffff, v28  }
0x71: {  	[tilespmem:v26+s13+$0x0] =	vst.idx.msk $0xffff, v30  }
0x72: {  	v25 =	vld [tilespmem:$0x70];
	_ =	sdelay $0x4  }
0x73: {  	v26 =	vshll.u32 v25, $0x4;
	v25 =	vshrl.u32 v25, $0x3  }
0x74: {  	v26 =	vand.u32 $0x70, v26;
	[tilespmem:$0xF0] =	vst v25  }
0x75: {  	v25 =	vld.idx.msk [tilespmem:v22+s12+$0x0], $0xffff;
	v27 =	vor.u32 v22, v26  }
0x76: {  	v28 =	vld.idx.msk [tilespmem:v23+s12+$0x0], $0xffff;
	v63 =	vor.u32 v23, v26  }
0x77: {  	v30 =	vld.idx.msk [tilespmem:v24+s12+$0x0], $0xffff;
	v26 =	vor.u32 v24, v26;
	_ =	sdelay $0x2  }
0x78: {  	[tilespmem:v27+s13+$0x0] =	vst.idx.msk $0xffff, v25  }
0x79: {  	[tilespmem:v63+s13+$0x0] =	vst.idx.msk $0xffff, v28  }
0x7a: {  	[tilespmem:v26+s13+$0x0] =	vst.idx.msk $0xffff, v30  }
0x7b: {  	[spmem:s2] =	stream.indirect.scatter.add.f32 [tilespmem:s13], [sflag:$0x1], $0x80, s14, s14, $0xb8;
	[tilespmem:$0xD100] =	vst v63  }
0x7c: {  	_ =	swait.ge [sflag:s11], $0x4000  }
0x7d: {  	[sflag:s11] =	ssyncset.done $0x0  }
0x7e: {  	[sflag:s11] =	ssyncadd.s32 $0xFFFFC000  }
0x7f: {  	v25 =	vld [tilespmem:$0x0];
	_ =	sdelay $0x4  }
0x80: {  	v25 =	vshll.u32 v25, $0x4  }
0x81: {  	v25 =	vand.u32 $0x70, v25  }
0x82: {  	v26 =	vor.u32 v0, v25  }
0x83: {  	v27 =	vor.u32 v2, v25  }
0x84: {  	v25 =	vor.u32 v3, v25;
	_ =	sdelay $0x2  }
0x85: {  	[tilespmem:v26+s13+$0x0] =	vst.idx.msk $0xffff, v1  }
0x86: {  	[tilespmem:v27+s13+$0x0] =	vst.idx.msk $0xffff, v1  }
0x87: {  	[tilespmem:v25+s13+$0x0] =	vst.idx.msk $0xffff, v1  }
0x88: {  	v25 =	vld [tilespmem:$0x10];
	_ =	sdelay $0x4  }
0x89: {  	v25 =	vshll.u32 v25, $0x4  }
0x8a: {  	v25 =	vand.u32 $0x70, v25  }
0x8b: {  	v26 =	vor.u32 v4, v25  }
0x8c: {  	v27 =	vor.u32 v5, v25  }
0x8d: {  	v25 =	vor.u32 v6, v25;
	_ =	sdelay $0x2  }
0x8e: {  	[tilespmem:v26+s13+$0x0] =	vst.idx.msk $0xffff, v1  }
0x8f: {  	[tilespmem:v27+s13+$0x0] =	vst.idx.msk $0xffff, v1  }
0x90: {  	[tilespmem:v25+s13+$0x0] =	vst.idx.msk $0xffff, v1  }
0x91: {  	v25 =	vld [tilespmem:$0x20];
	_ =	sdelay $0x4  }
0x92: {  	v25 =	vshll.u32 v25, $0x4  }
0x93: {  	v25 =	vand.u32 $0x70, v25  }
0x94: {  	v26 =	vor.u32 v7, v25  }
0x95: {  	v27 =	vor.u32 v8, v25  }
0x96: {  	v25 =	vor.u32 v9, v25;
	_ =	sdelay $0x2  }
0x97: {  	[tilespmem:v26+s13+$0x0] =	vst.idx.msk $0xffff, v1  }
0x98: {  	[tilespmem:v27+s13+$0x0] =	vst.idx.msk $0xffff, v1  }
0x99: {  	[tilespmem:v25+s13+$0x0] =	vst.idx.msk $0xffff, v1  }
0x9a: {  	v25 =	vld [tilespmem:$0x30];
	_ =	sdelay $0x4  }
0x9b: {  	v25 =	vshll.u32 v25, $0x4  }
0x9c: {  	v25 =	vand.u32 $0x70, v25  }
0x9d: {  	v26 =	vor.u32 v10, v25  }
0x9e: {  	v27 =	vor.u32 v11, v25  }
0x9f: {  	v25 =	vor.u32 v12, v25;
	_ =	sdelay $0x2  }
0xa0: {  	[tilespmem:v26+s13+$0x0] =	vst.idx.msk $0xffff, v1  }
0xa1: {  	[tilespmem:v27+s13+$0x0] =	vst.idx.msk $0xffff, v1  }
0xa2: {  	[tilespmem:v25+s13+$0x0] =	vst.idx.msk $0xffff, v1  }
0xa3: {  	v25 =	vld [tilespmem:$0x40];
	_ =	sdelay $0x4  }
0xa4: {  	v25 =	vshll.u32 v25, $0x4  }
0xa5: {  	v25 =	vand.u32 $0x70, v25  }
0xa6: {  	v26 =	vor.u32 v13, v25  }
0xa7: {  	v27 =	vor.u32 v14, v25  }
0xa8: {  	v25 =	vor.u32 v15, v25;
	_ =	sdelay $0x2  }
0xa9: {  	[tilespmem:v26+s13+$0x0] =	vst.idx.msk $0xffff, v1  }
0xaa: {  	[tilespmem:v27+s13+$0x0] =	vst.idx.msk $0xffff, v1  }
0xab: {  	[tilespmem:v25+s13+$0x0] =	vst.idx.msk $0xffff, v1  }
0xac: {  	v25 =	vld [tilespmem:$0x50];
	_ =	sdelay $0x4  }
0xad: {  	v25 =	vshll.u32 v25, $0x4  }
0xae: {  	v25 =	vand.u32 $0x70, v25  }
0xaf: {  	v26 =	vor.u32 v16, v25  }
0xb0: {  	v27 =	vor.u32 v17, v25  }
0xb1: {  	v25 =	vor.u32 v18, v25;
	_ =	sdelay $0x2  }
0xb2: {  	[tilespmem:v26+s13+$0x0] =	vst.idx.msk $0xffff, v1  }
0xb3: {  	[tilespmem:v27+s13+$0x0] =	vst.idx.msk $0xffff, v1  }
0xb4: {  	[tilespmem:v25+s13+$0x0] =	vst.idx.msk $0xffff, v1  }
0xb5: {  	v25 =	vld [tilespmem:$0x60];
	_ =	sdelay $0x4  }
0xb6: {  	v25 =	vshll.u32 v25, $0x4  }
0xb7: {  	v25 =	vand.u32 $0x70, v25  }
0xb8: {  	v26 =	vor.u32 v19, v25  }
0xb9: {  	v27 =	vor.u32 v20, v25  }
0xba: {  	v25 =	vor.u32 v21, v25;
	_ =	sdelay $0x2  }
0xbb: {  	[tilespmem:v26+s13+$0x0] =	vst.idx.msk $0xffff, v1  }
0xbc: {  	[tilespmem:v27+s13+$0x0] =	vst.idx.msk $0xffff, v1  }
0xbd: {  	[tilespmem:v25+s13+$0x0] =	vst.idx.msk $0xffff, v1  }
0xbe: {  	v25 =	vld [tilespmem:$0x70];
	_ =	sdelay $0x4  }
0xbf: {  	v25 =	vshll.u32 v25, $0x4  }
0xc0: {  	v25 =	vand.u32 $0x70, v25  }
0xc1: {  	v26 =	vor.u32 v22, v25  }
0xc2: {  	v27 =	vor.u32 v23, v25  }
0xc3: {  	p0 =	sne.s32 s16, $0x4F0;
	v25 =	vor.u32 v24, v25  }
.Ltmp1:
0xc4: {  	_ = 	snop;
	(pc) =	sbr.rel @p0 .LBB2_4-.Ltmp1, $4  }
0xc5: {  	_ = 	snop  }
0xc6: {  	[tilespmem:v26+s13+$0x0] =	vst.idx.msk $0xffff, v1  }
0xc7: {  	[tilespmem:v27+s13+$0x0] =	vst.idx.msk $0xffff, v1  }
0xc8: {  	s16 =	sadd.s32 $0x10, s16;
	s17 =	sadd.s32 $0x800, s17;
	[tilespmem:v25+s13+$0x0] =	vst.idx.msk $0xffff, v1  }
0xc9: {  	[bflag:$0x0] =	sbarrier.arrive $0xFFFF  }
0xca: {  	[tilespmem:s10], [sflag:$0x1] =	stream.linear.gather [spmem:s5], $0x2800, $0x38;
	[tilespmem:$0xD100] =	vst v63  }
0xcb: {  	s15 =	sadd.s32 $0x1, s15;
	_ =	swait.ge [sflag:s11], $0x2800  }
0xcc: {  	p0 =	sne.s32 s15, s7;
	[sflag:s11] =	ssyncset.done $0x0  }
.Ltmp2:
0xcd: {  	[sflag:s11] =	ssyncadd.s32 $0xFFFFD800;
	(pc) =	sbr.rel @p0 .LBB2_1-.Ltmp2, $4  }
0xce: {  	[hbm4b:s6+s3] =	stream.linear.scatter [tilespmem:s10], [sflag:$0x1], $0x2800, $0x38;
	[tilespmem:$0xD100] =	vst v63  }
0xcf: {  	_ =	swait.ge [sflag:s11], $0x2800  }
0xd0: {  	[sflag:s11] =	ssyncset.done $0x0  }
0xd1: {  	[sflag:s11] =	ssyncadd.s32 $0xFFFFD800  }
0xd2: {  	_ =	sfence.sel $0x180000  }
0xd3: {  	[bflag:$0x0] =	sbarrier.arrive $0xFFFF  }
0xd4: {  	p0 =	sne.s32 s0, $0x0;
	_ =	strace $0x9000004A  }
0xd5: {  	s0 =	sadd.s32 @!p0 $0x100000, s1;
	[bflag:$0x2] =	sbarrier.arrive $0xFFFF  }
0xd6: {  	[sflag:s0] =	ssyncadd.tile.s32 @!p0 $0x1;
	_ =	shalt  }
.Lfunc_end2:
_tile_overlayer_lowered:
.L_overlay_start_2:
0xd7: {  	(tag) =	ssettag $0x2  }
0xd8: {  	s0 =	rddreg [dreg:$0x0];
	s2 =	stileid.u32  }
0xd9: {  	s1 =	rddreg [dreg:$0x1];
	p0 =	sne.s32 s2, $0x0  }
0xda: {  	s3 =	rddreg [dreg:$0x2];
	[bflag:$0x3] =	sbarrier.arrive $0xFFFF;
	s2 =	simm.s32 @!p0 $0x1C01  }
0xdb: {  	[timem:s3], [sflag:s2] =	dma.local @!p0 [hbm:s0], s1  }
0xdc: {  	s0 =	simm.s32 @!p0 $0x1  }
0xdd: {  	_ =	swait.ge @!p0 [sflag:s0], s1  }
0xde: {  	s1 =	ssub.s32 @!p0 $0x0, s1;
	[sflag:s0] =	ssyncset.done @!p0 $0x0  }
0xdf: {  	[sflag:s0] =	ssyncadd.s32 @!p0 s1  }
0xe0: {  	[bflag:$0x3] =	sbarrier.arrive $0xFFFF  }
0xe1: {  	_ =	shalt  }

// kernel: kernel.8.cloned.1.call-start
scs
__scs_entry_jumppad:
0x0: {  	(pc) =	sbr.rel $0x88, $3  }
0x1: {  	(tag) =	ssettag $0x0;
	lr =	simm.s32 $0x1  }
0x2: {  	[smem:$0x3F93] =	sst lr;
	_ =	strace $0xD0000000  }
0x3: {  	_ = 	snop  }
0x4: {  	_ = 	snop  }
0x5: {  	_ = 	snop  }
0x6: {  	_ = 	snop  }
0x7: {  	_ = 	snop  }
__scs_overlays_trampoline_lowered:
0x8: {  	[smem:$0x3FA2] =	sst s0  }
0x9: {  	[smem:$0x3FA3] =	sst s1  }
0xa: {  	[smem:$0x3FA4] =	sst s2  }
0xb: {  	[smem:$0x3FA5] =	sst s3  }
0xc: {  	[smem:$0x3FA6] =	sst s4  }
0xd: {  	[smem:$0x3FA7] =	sst s5  }
0xe: {  	[smem:$0x3FA8] =	sst s6  }
0xf: {  	[smem:$0x3FA9] =	sst s7  }
0x10: {  	[smem:$0x3FAA] =	sst s8  }
0x11: {  	[smem:$0x3FAB] =	sst s9;
	s0 =	simm.s32 @!p0 $0x0  }
0x12: {  	s1 =	sld [smem:$0x3F91];
	s0 =	simm.s32 @p0 $0x1  }
0x13: {  	[smem:$0x3FAC] =	sst s0;
	s0 =	simm.s32 @!p1 $0x0  }
0x14: {  	s2 =	sld [smem:$0x3F90];
	s0 =	simm.s32 @p1 $0x1  }
0x15: {  	[smem:$0x3FAD] =	sst s0;
	s0 =	simm.s32 @!p2 $0x0  }
0x16: {  	s3 =	sld [smem:$0x3FDB];
	s0 =	simm.s32 @p2 $0x1  }
0x17: {  	s4 =	simm.s32 $0x1BF5;
	[smem:$0x3FAF] =	sst s0  }
0x18: {  	s0 =	sld [smem:$0x3F92];
	_ =	swait.ge [sflag:s4], $0x0  }
0x19: {  	s7 =	sld [smem:$0x3F93]  }
0x1a: {  	s8 =	sadd.s32 $0xFFFFE003, lr  }
0x1b: {  	s9 =	sadd.s32 $0xFFFFFEF7, lr;
	s5 =	simm.s32 $0xFFFFFFFF;
	p2 =	slt.u32 s8, $0xFFFFF086  }
0x1c: {  	p1 =	slt.u32 s9, $0xF7A;
	s5 =	simm.s32 @!p2 $0x0  }
0x1d: {  	s5 =	simm.s32 @p1 $0x1;
	p0 =	seq.s32 s7, s2  }
0x1e: {  	s7 =	smul.u32 @!p0 $0xF7A, s2;
	p2 =	seq.s32 @!p0 s5, $0x0  }
0x1f: {  	s9 =	smul.u32 $0xF7A, s1;
	s8 =	simm.s32 @!p0 $0x1BF5;
	p2 =	por !p2, p0  }
0x20: {  	[sflag:s8] =	ssyncset.s32 @!p0 $0xFFFFF086;
	s6 =	sadd.s32 @!p0 s3, s7;
	s7 =	simm.s32 @!p0 $0x108  }
0x21: {  	s3 =	sadd.s32 s3, s9;
	s6 =	sadd.s32 @!p0 $0x88, s6;
	s7 =	simm.s32 @p2 $0x1082  }
0x22: {  	[simem:s7], [sflag:s8] =	dma.local @!p0 [hbm:s6], $0xF7A  }
0x23: {  	s9 =	sor.u32 $0xD0000000, s2;
	s6 =	simm.s32 $0x108;
	_ =	swait.ge @!p0 [sflag:s8], $0x0  }
0x24: {  	s3 =	sadd.s32 $0x88, s3;
	s6 =	simm.s32 @!p1 $0x1082;
	[sflag:s4] =	ssyncset.s32 $0xFFFFF086  }
0x25: {  	[simem:s6], [sflag:s4] =	dma.local [hbm:s3], $0xF7A  }
0x26: {  	[smem:$0x3F93] =	sst s1;
	(tag) =	ssettag s2;
	_ =	strace s9  }
0x27: {  	s1 =	sld [smem:$0x3FA3]  }
0x28: {  	s2 =	sld [smem:$0x3FA4]  }
0x29: {  	s4 =	sld [smem:$0x3FA6]  }
0x2a: {  	p0 =	seq.s32 s5, $0x0;
	s5 =	sld [smem:$0x3FA7]  }
0x2b: {  	s6 =	sld [smem:$0x3FA8]  }
0x2c: {  	s7 =	sld [smem:$0x3FA9]  }
0x2d: {  	s3 =	simm.s32 $0x108;
	s8 =	sld [smem:$0x3FAA]  }
0x2e: {  	s3 =	simm.s32 @!p0 $0x1082;
	s9 =	sld [smem:$0x3FAB]  }
0x2f: {  	lr =	sadd.s32 s0, s3;
	s0 =	sld [smem:$0x3FA2]  }
0x30: {  	s3 =	sld [smem:$0x3FA5]  }
0x31: {  	[smem:$0x3FAE] =	sst s10  }
0x32: {  	s10 =	sld [smem:$0x3FAC];
	_ =	sdelay $0x3  }
0x33: {  	p0 =	seq.s32 s10, $0x1;
	s10 =	sld [smem:$0x3FAE];
	_ =	sdelay $0x3  }
0x34: {  	[smem:$0x3FAE] =	sst s10  }
0x35: {  	s10 =	sld [smem:$0x3FAD];
	_ =	sdelay $0x3  }
0x36: {  	p1 =	seq.s32 s10, $0x1;
	s10 =	sld [smem:$0x3FAE];
	_ =	sdelay $0x3  }
0x37: {  	[smem:$0x3FAE] =	sst s10  }
0x38: {  	s10 =	sld [smem:$0x3FAF]  }
0x39: {  	_ = 	snop;
	(pc) =	sbr.ind lr, $3  }
0x3a: {  	_ = 	snop  }
0x3b: {  	_ = 	snop  }
0x3c: {  	p2 =	seq.s32 s10, $0x1;
	s10 =	sld [smem:$0x3FAE]  }
0x3d: {  	_ =	shalt  }
0x3e: {  	_ =	shalt  }
0x3f: {  	_ =	shalt  }
0x40: {  	_ =	shalt  }
0x41: {  	_ =	shalt  }
0x42: {  	_ =	shalt  }
0x43: {  	_ =	shalt  }
0x44: {  	_ =	shalt  }
0x45: {  	_ =	shalt  }
0x46: {  	_ =	shalt  }
0x47: {  	_ =	shalt  }
0x48: {  	_ =	shalt  }
0x49: {  	_ =	shalt  }
0x4a: {  	_ =	shalt  }
0x4b: {  	_ =	shalt  }
0x4c: {  	_ =	shalt  }
0x4d: {  	_ =	shalt  }
0x4e: {  	_ =	shalt  }
0x4f: {  	_ =	shalt  }
0x50: {  	_ =	shalt  }
0x51: {  	_ =	shalt  }
0x52: {  	_ =	shalt  }
0x53: {  	_ =	shalt  }
0x54: {  	_ =	shalt  }
0x55: {  	_ =	shalt  }
0x56: {  	_ =	shalt  }
0x57: {  	_ =	shalt  }
0x58: {  	_ =	shalt  }
0x59: {  	_ =	shalt  }
0x5a: {  	_ =	shalt  }
0x5b: {  	_ =	shalt  }
0x5c: {  	_ =	shalt  }
0x5d: {  	_ =	shalt  }
0x5e: {  	_ =	shalt  }
0x5f: {  	_ =	shalt  }
0x60: {  	_ =	shalt  }
0x61: {  	_ =	shalt  }
0x62: {  	_ =	shalt  }
0x63: {  	_ =	shalt  }
0x64: {  	_ =	shalt  }
0x65: {  	_ =	shalt  }
0x66: {  	_ =	shalt  }
0x67: {  	_ =	shalt  }
0x68: {  	_ =	shalt  }
0x69: {  	_ =	shalt  }
0x6a: {  	_ =	shalt  }
0x6b: {  	_ =	shalt  }
0x6c: {  	_ =	shalt  }
0x6d: {  	_ =	shalt  }
0x6e: {  	_ =	shalt  }
0x6f: {  	_ =	shalt  }
0x70: {  	_ =	shalt  }
0x71: {  	_ =	shalt  }
0x72: {  	_ =	shalt  }
0x73: {  	_ =	shalt  }
0x74: {  	_ =	shalt  }
0x75: {  	_ =	shalt  }
0x76: {  	_ =	shalt  }
0x77: {  	_ =	shalt  }
0x78: {  	_ =	shalt  }
0x79: {  	_ =	shalt  }
0x7a: {  	_ =	shalt  }
0x7b: {  	_ =	shalt  }
0x7c: {  	_ =	shalt  }
0x7d: {  	_ =	shalt  }
0x7e: {  	_ =	shalt  }
0x7f: {  	_ =	shalt  }
0x80: {  	_ =	shalt  }
0x81: {  	_ =	shalt  }
0x82: {  	_ =	shalt  }
0x83: {  	_ =	shalt  }
0x84: {  	_ =	shalt  }
0x85: {  	_ =	shalt  }
0x86: {  	_ =	shalt  }
0x87: {  	_ =	shalt  }
.Lfunc_end0:
.L_simem_size_0:
called_computation_lowered:
.L_overlay_start_0:
0x88: {  	s2 =	sld [smem:$0x3FD9]  }
0x89: {  	s3 =	sld [smem:$0x3FFE];
	_ =	sdelay $0x1  }
0x8a: {  	s1 =	srdreg.scid  }
0x8b: {  	s0 =	sand.u32 $0x1, s1  }
0x8c: {  	s14 =	sshll.u32 s0, $0xA;
	s2 =	sadd.s32 s3, s2  }
0x8d: {  	s2 =	sadd.s32 s2, s14  }
0x8e: {  	[smem:$0x3FBA] =	sst s2  }
0x8f: {  	_ = 	snop  }
0x90: {  	s2 =	sld [smem:$0x3FD0];
	_ =	sdelay $0x2  }
0x91: {  	s15 =	simm.s32 $0xB;
	s4 =	simm.s32 $0x10  }
0x92: {  	[smem:s4], [sflag:s15] =	dma.local [hbm:s2], $0x1  }
0x93: {  	_ =	swait.eq [sflag:s15], $0x1  }
0x94: {  	[sflag:s15] =	ssyncset.done $0x0  }
0x95: {  	[sflag:s15] =	ssyncadd.s32 $0xFFFFFFFF  }
0x96: {  	s16 =	sld [smem:$0x11];
	(tm) =	ssettm $0x1  }
0x97: {  	s17 =	sld [smem:$0x3FFB];
	_ =	sdelay $0x3  }
0x98: {  	_ =	strace s17  }
0x99: {  	s3 =	sld [smem:$0x3FFC];
	_ =	sdelay $0x3  }
0x9a: {  	_ =	strace s3  }
0x9b: {  	s3 =	sld [smem:$0x3FFD];
	_ =	sdelay $0x3  }
0x9c: {  	_ =	strace s3  }
0x9d: {  	_ =	strace $0x8FFFFFFF  }
0x9e: {  	s18 =	sld [smem:$0x3FDB];
	_ =	sdelay $0x1  }
0x9f: {  	s19 =	simm.s32 $_scs_section_size  }
0xa0: {  	s5 =	simm.s32 $_size__tile_overlayer_lowered;
	s6 =	simm.s32 $_tile_overlayer_lowered  }
0xa1: {  	s22 =	simm.s32 $0x1BFF;
	s21 =	sshll.u32 s6, $0x1;
	s3 =	sadd.s32 s19, s18  }
0xa2: {  	s7 =	simm.s32 $0x0;
	s20 =	sshll.u32 s5, $0x1;
	s5 =	sadd.s32 s21, s3  }
0xa3: {  	[timem:s7], [sflag:s22] =	dma.local [hbm:s5], s20  }
0xa4: {  	_ =	swait.ge [sflag:s22], s20  }
0xa5: {  	s4 =	ssub.s32 $0x0, s20;
	[sflag:s22] =	ssyncset.done $0x0  }
0xa6: {  	[sflag:s22] =	ssyncadd.s32 s4;
	_ =	sdelay $0x1  }
0xa7: {  	s23 =	simm.s32 $0x1B8B  }
0xa8: {  	_ =	swait.ge [sflag:s23], $0x1  }
0xa9: {  	[sflag:s23] =	ssyncset.done $0x0  }
0xaa: {  	s25 =	simm.s32 $0x1B8E;
	s24 =	sld [smem:$0x3FFE];
	[sflag:s23] =	ssyncadd.s32 $0xFFFFFFFF  }
0xab: {  	s26 =	simm.s32 $execute0_lowered;
	[smem:$0x3FD2] =	sst s25  }
0xac: {  	s5 =	sshll.u32 s26, $0x1;
	_ =	strace $0x80000046;
	[dreg:$0x1] =	wrdreg $0xFFFFFFFF  }
0xad: {  	s28 =	simm.s32 $_size_execute0_lowered;
	s3 =	sadd.s32 s3, s5;
	[dreg:$0x0] =	wrdreg $0x0  }
0xae: {  	s5 =	sshll.u32 s28, $0x1;
	[dreg:$0x2] =	wrdreg s3  }
0xaf: {  	[dreg:$0x3] =	wrdreg s5  }
0xb0: {  	[dreg:$0x4] =	wrdreg $0xC0  }
0xb1: {  	_ =	task [dreg:s7], $0x5FFFF  }
0xb2: {  	[dreg:$0x1] =	wrdreg $0xFFFFFFFF  }
0xb3: {  	[dreg:$0x0] =	wrdreg $0x60  }
0xb4: {  	[dreg:$0x2] =	wrdreg s24  }
0xb5: {  	[dreg:$0x3] =	wrdreg s16  }
0xb6: {  	[dreg:$0x4] =	wrdreg $0x9  }
0xb7: {  	_ =	task.clear_ibuf [dreg:s7], $0x5FFFF;
	_ =	strace $0x90000046  }
0xb8: {  	s29 =	simm.s32 $0x9;
	_ =	strace $0x80000048  }
0xb9: {  	_ =	swait.ge [sflag:s29], $0x1  }
0xba: {  	[sflag:s29] =	ssyncadd.s32 $0xFFFFFFFF  }
0xbb: {  	_ =	strace $0x90000048  }
0xbc: {  	_ =	sfence  }
0xbd: {  	s30 =	sld [smem:$0x0];
	_ =	sdelay $0x2  }
0xbe: {  	s31 =	sshll.u32 s1, $0xD;
	s1 =	sshrl.u32 s1, $0x2  }
0xbf: {  	s3 =	sand.u32 $0x4000, s31;
	s1 =	sadd.s32 s1, s30  }
0xc0: {  	s0 =	sor.u32 s3, s0;
	s1 =	sshll.u32 s1, $0x11  }
0xc1: {  	s0 =	sor.u32 s1, s0  }
0xc2: {  	s0 =	sadd.s32 $0x8F2B, s0  }
0xc3: {  	[sflag:s0] =	ssyncadd.remote.s32 $0x1  }
0xc4: {  	_ =	sfence.sel $0xFFFF  }
0xc5: {  	[dreg:$0x0] =	wrdreg $0xFFFFFFFF;
	(pc) =	sbr.abs _section_cstart, $3  }
0xc6: {  	[dreg:$0x1] =	wrdreg $0xFFFFFFFF  }
0xc7: {  	_ =	task.clear_ibuf [dreg:s7], $0x2FFFF;
	_ =	strace $0x9FFFFFFF  }
0xc8: {  	(tm) =	ssettm $0x7FFFFFFF  }
0xc9: {  	_ =	shalt  }
tec
execute0_lowered:
.L_overlay_start_1:
0x0: {  	(tag) =	ssettag $0x1  }
0x1: {  	s8 =	rddreg [dreg:$0x0]  }
0x2: {  	s1 =	rddreg [dreg:$0x1]  }
0x3: {  	s0 =	rddreg [dreg:$0x2];
	v0 =	vlaneseq.u32  }
0x4: {  	s3 =	simm.s32 $0x0;
	s4 =	srdreg.scid;
	s2 =	stileid.u32;
	v0 =	vmul.u32 $0x80, v0  }
0x5: {  	s14 =	simm.s32 $0xC100;
	s15 =	simm.s32 $0x3;
	s16 =	simm.s32 $0xE900  }
0x6: {  	v1 =	vimm.f32 $0.0e+00;
	s17 =	simm.s32 $0x11100;
	s18 =	simm.s32 $0x80;
	s19 =	simm.s32 $0x100;
	v2 =	vor.u32 $0x1, v0  }
0x7: {  	s20 =	simm.s32 $0x4100;
	s21 =	simm.s32 $0x8100;
	s22 =	simm.s32 $0x1;
	v3 =	vor.u32 $0x2, v0;
	v5 =	vor.u32 $0x800, v0;
	v6 =	vor.u32 $0x801, v0  }
0x8: {  	s23 =	simm.s32 $0x2;
	s24 =	simm.s32 $0x0;
	s10 =	smul.u32 $0x5000, s2;
	v7 =	vor.u32 $0x802, v0;
	v8 =	vor.u32 $0x803, v0;
	v9 =	vor.u32 $0x1000, v0  }
0x9: {  	[smem:$0x7FF] =	sst s3;
	s9 =	sand.u32 $0x1, s4;
	s12 =	smul.u32 $0x50000, s2;
	v10 =	vor.u32 $0x1001, v0;
	v11 =	vor.u32 $0x1002, v0;
	v12 =	vor.u32 $0x1003, v0  }
0xa: {  	s4 =	sadd.s32 $0x41400, s8;
	s5 =	sadd.s32 $0x69400, s8;
	s11 =	smul.u32 $0x2800, s9;
	v13 =	vor.u32 $0x1800, v0;
	v14 =	vor.u32 $0x1801, v0;
	v15 =	vor.u32 $0x1802, v0  }
0xb: {  	s6 =	sadd.s32 $0x4800, s8;
	s7 =	sadd.s32 $0x4E00, s8;
	s29 =	smul.u32 $0x28000, s9;
	v16 =	vor.u32 $0x1803, v0;
	v17 =	vor.u32 $0x2000, v0;
	v18 =	vor.u32 $0x2001, v0  }
0xc: {  	_ =	strace $0x80000047;
	s9 =	ssub.s32 $0x2, s9;
	s12 =	sadd.s32 s12, s8;
	v19 =	vor.u32 $0x2002, v0;
	v20 =	vor.u32 $0x2003, v0;
	v21 =	vor.u32 $0x2800, v0  }
0xd: {  	s30 =	sshrl.u32 s9, $0x1;
	v22 =	vor.u32 $0x2801, v0;
	v23 =	vor.u32 $0x2802, v0;
	v24 =	vor.u32 $0x2803, v0;
	s10 =	sadd.s32 s11, s10;
	s11 =	sadd.s32 s29, s12  }
0xe: {  	v25 =	vor.u32 $0x3000, v0;
	v26 =	vor.u32 $0x3001, v0;
	v27 =	vor.u32 $0x3002, v0;
	s31 =	ssub.s32 s9, s30;
	s10 =	sshrl.u32 s10, $0x3;
	s9 =	sadd.s32 $0x591400, s11  }
0xf: {  	v28 =	vor.u32 $0x3003, v0;
	v29 =	vor.u32 $0x3800, v0;
	v30 =	vor.u32 $0x3801, v0;
	s13 =	sadd.s32 s10, s8;
	s8 =	sadd.s32 $0x91400, s11;
	s10 =	smax.u32 s31, $0x1  }
0x10: {  	v4 =	vor.u32 $0x3, v0;
	v31 =	vor.u32 $0x3802, v0;
	v32 =	vor.u32 $0x3803, v0;
	s11 =	sadd.s32 $0xA91400, s11;
	s12 =	sadd.s32 $0xF400, s13;
	s13 =	sadd.s32 $0x5400, s13  }
.LBB2_1:
0x11: {  	[tilespmem:s14], [sflag:$0x3] =	stream.linear.gather [hbm4b:s6+s3], $0x2800, $0x38;
	[tilespmem:$0x13900] =	vst v63  }
0x12: {  	_ =	swait.ge [sflag:s15], $0x2800  }
0x13: {  	[sflag:s15] =	ssyncset.done $0x0  }
0x14: {  	[sflag:s15] =	ssyncadd.s32 $0xFFFFD800  }
0x15: {  	[tilespmem:s16], [sflag:$0x3] =	stream.linear.gather [hbm4b:s7+s3], $0x2800, $0x38;
	[tilespmem:$0x13900] =	vst v63  }
0x16: {  	_ =	swait.ge [sflag:s15], $0x2800  }
0x17: {  	[sflag:s15] =	ssyncset.done $0x0  }
0x18: {  	[sflag:s15] =	ssyncadd.s32 $0xFFFFD800  }
0x19: {  	[tilespmem:s17], [sflag:$0x3] =	stream.linear.gather [hbm4b:s1+s3], $0x2800, $0x38;
	[tilespmem:$0x13900] =	vst v63  }
0x1a: {  	_ =	swait.ge [sflag:s15], $0x2800  }
0x1b: {  	[sflag:s15] =	ssyncset.done $0x0  }
0x1c: {  	s25 =	simm.s32 $0x0;
	[sflag:s15] =	ssyncadd.s32 $0xFFFFD800  }
.LBB2_2:
0x1d: {  	p0 =	sne.s32 s25, $0xFE00  }
.Ltmp0:
0x1e: {  	_ = 	snop;
	(pc) =	sbr.rel @p0 .LBB2_2-.Ltmp0, $3  }
0x1f: {  	_ =	sdelay $0x1  }
0x20: {  	s26 =	sshra.s32 s25, $0x2  }
0x21: {  	s25 =	sadd.s32 $0x200, s25;
	[tilespmem:s26+$0x8100] =	vst v1  }
0x22: {  	s25 =	simm.s32 $0x0;
	s26 =	smov.u32 s13;
	s28 =	smov.u32 s12  }
.LBB2_4:
0x23: {  	[tilespmem:s3], [sflag:$0x3] =	stream.linear.gather [hbm4b:s26+s3], $0x80, $0x38;
	[tilespmem:$0x13900] =	vst v63  }
0x24: {  	_ =	swait.ge [sflag:s15], $0x80  }
0x25: {  	[sflag:s15] =	ssyncset.done $0x0  }
0x26: {  	[sflag:s15] =	ssyncadd.s32 $0xFFFFFF80  }
0x27: {  	[tilespmem:s18], [sflag:$0x3] =	stream.linear.gather [hbm4b:s28+s3], $0x80, $0x38;
	[tilespmem:$0x13900] =	vst v63  }
0x28: {  	_ =	swait.ge [sflag:s15], $0x80  }
0x29: {  	[sflag:s15] =	ssyncset.done $0x0  }
0x2a: {  	[sflag:s15] =	ssyncadd.s32 $0xFFFFFF80  }
0x2b: {  	[tilespmem:s19], [sflag:$0x1] =	stream.indirect.gather [hbm4b:s4+s18], $0x80, s3, s18, $0xb8;
	[tilespmem:$0x13900] =	vst v63  }
0x2c: {  	_ = 	snop  }
0x2d: {  	[tilespmem:s20], [sflag:$0x2] =	stream.indirect.gather [hbm4b:s5+s18], $0x80, s18, s18, $0xb8;
	[tilespmem:$0x13900] =	vst v63  }
0x2e: {  	v33 =	vld [tilespmem:$0x0]  }
0x2f: {  	v34 =	vld [tilespmem:$0x80];
	_ =	sdelay $0x6  }
0x30: {  	v35 =	vld.idx.msk [tilespmem:v33+s14+$0x0], $0xffff  }
0x31: {  	v36 =	vld.idx.msk [tilespmem:v34+s14+$0x0], $0xffff  }
0x32: {  	v37 =	vld.idx.msk [tilespmem:v33+s16+$0x0], $0xffff  }
0x33: {  	v38 =	vld.idx.msk [tilespmem:v34+s16+$0x0], $0xffff  }
0x34: {  	v33 =	vld.idx.msk [tilespmem:v33+s17+$0x0], $0xffff  }
0x35: {  	v34 =	vld.idx.msk [tilespmem:v34+s17+$0x0], $0xffff;
	_ =	sdelay $0x2  }
0x36: {  	v35 =	vsub.f32 v35, v36;
	v50 =	vsub.f32 v37, v38;
	_ =	sdelay $0x1  }
0x37: {  	v33 =	vsub.f32 v33, v34;
	v51 =	vmul.f32 v35, v35;
	v37 =	vmul.f32 v50, v50;
	_ =	sdelay $0x1  }
0x38: {  	v52 =	vmul.f32 v33, v33;
	v34 =	vadd.f32 v37, v51  }
0x39: {  	[tilespmem:v0+s21+$0x0] =	vst.idx.msk $0xffff, v35  }
0x3a: {  	[tilespmem:v2+s21+$0x0] =	vst.idx.msk $0xffff, v50;
	v34 =	vadd.f32 v52, v34  }
0x3b: {  	[tilespmem:v3+s21+$0x0] =	vst.idx.msk $0xffff, v33  }
0x3c: {  	[tilespmem:v4+s21+$0x0] =	vst.idx.msk $0xffff, v34  }
0x3d: {  	v33 =	vld [tilespmem:$0x10]  }
0x3e: {  	v34 =	vld [tilespmem:$0x90];
	_ =	sdelay $0x6  }
0x3f: {  	v35 =	vld.idx.msk [tilespmem:v33+s14+$0x0], $0xffff  }
0x40: {  	v36 =	vld.idx.msk [tilespmem:v34+s14+$0x0], $0xffff  }
0x41: {  	v53 =	vld.idx.msk [tilespmem:v33+s16+$0x0], $0xffff  }
0x42: {  	v54 =	vld.idx.msk [tilespmem:v34+s16+$0x0], $0xffff  }
0x43: {  	v33 =	vld.idx.msk [tilespmem:v33+s17+$0x0], $0xffff  }
0x44: {  	v34 =	vld.idx.msk [tilespmem:v34+s17+$0x0], $0xffff;
	_ =	sdelay $0x2  }
0x45: {  	v35 =	vsub.f32 v35, v36;
	v55 =	vsub.f32 v53, v54;
	_ =	sdelay $0x1  }
0x46: {  	v33 =	vsub.f32 v33, v34;
	v56 =	vmul.f32 v35, v35;
	v37 =	vmul.f32 v55, v55;
	_ =	sdelay $0x1  }
0x47: {  	v57 =	vmul.f32 v33, v33;
	v34 =	vadd.f32 v37, v56  }
0x48: {  	[tilespmem:v5+s21+$0x0] =	vst.idx.msk $0xffff, v35  }
0x49: {  	[tilespmem:v6+s21+$0x0] =	vst.idx.msk $0xffff, v55;
	v34 =	vadd.f32 v57, v34  }
0x4a: {  	[tilespmem:v7+s21+$0x0] =	vst.idx.msk $0xffff, v33  }
0x4b: {  	[tilespmem:v8+s21+$0x0] =	vst.idx.msk $0xffff, v34  }
0x4c: {  	v33 =	vld [tilespmem:$0x20]  }
0x4d: {  	v34 =	vld [tilespmem:$0xA0];
	_ =	sdelay $0x6  }
0x4e: {  	v35 =	vld.idx.msk [tilespmem:v33+s14+$0x0], $0xffff  }
0x4f: {  	v36 =	vld.idx.msk [tilespmem:v34+s14+$0x0], $0xffff  }
0x50: {  	v58 =	vld.idx.msk [tilespmem:v33+s16+$0x0], $0xffff  }
0x51: {  	v59 =	vld.idx.msk [tilespmem:v34+s16+$0x0], $0xffff  }
0x52: {  	v33 =	vld.idx.msk [tilespmem:v33+s17+$0x0], $0xffff  }
0x53: {  	v34 =	vld.idx.msk [tilespmem:v34+s17+$0x0], $0xffff;
	_ =	sdelay $0x2  }
0x54: {  	v35 =	vsub.f32 v35, v36;
	v60 =	vsub.f32 v58, v59;
	_ =	sdelay $0x1  }
0x55: {  	v33 =	vsub.f32 v33, v34;
	v61 =	vmul.f32 v35, v35;
	v37 =	vmul.f32 v60, v60;
	_ =	sdelay $0x1  }
0x56: {  	v62 =	vmul.f32 v33, v33;
	v34 =	vadd.f32 v37, v61  }
0x57: {  	[tilespmem:v9+s21+$0x0] =	vst.idx.msk $0xffff, v35  }
0x58: {  	[tilespmem:v10+s21+$0x0] =	vst.idx.msk $0xffff, v60;
	v34 =	vadd.f32 v62, v34  }
0x59: {  	[tilespmem:v11+s21+$0x0] =	vst.idx.msk $0xffff, v33  }
0x5a: {  	[tilespmem:v12+s21+$0x0] =	vst.idx.msk $0xffff, v34  }
0x5b: {  	v33 =	vld [tilespmem:$0x30]  }
0x5c: {  	v34 =	vld [tilespmem:$0xB0];
	_ =	sdelay $0x6  }
0x5d: {  	v35 =	vld.idx.msk [tilespmem:v33+s14+$0x0], $0xffff  }
0x5e: {  	v36 =	vld.idx.msk [tilespmem:v34+s14+$0x0], $0xffff  }
0x5f: {  	v63 =	vld.idx.msk [tilespmem:v33+s16+$0x0], $0xffff  }
0x60: {  	v40 =	vld.idx.msk [tilespmem:v34+s16+$0x0], $0xffff  }
0x61: {  	v33 =	vld.idx.msk [tilespmem:v33+s17+$0x0], $0xffff  }
0x62: {  	v34 =	vld.idx.msk [tilespmem:v34+s17+$0x0], $0xffff;
	_ =	sdelay $0x2  }
0x63: {  	v35 =	vsub.f32 v35, v36;
	v41 =	vsub.f32 v63, v40;
	_ =	sdelay $0x1  }
0x64: {  	v33 =	vsub.f32 v33, v34;
	v42 =	vmul.f32 v35, v35;
	v37 =	vmul.f32 v41, v41;
	_ =	sdelay $0x1  }
0x65: {  	v43 =	vmul.f32 v33, v33;
	v34 =	vadd.f32 v37, v42  }
0x66: {  	[tilespmem:v13+s21+$0x0] =	vst.idx.msk $0xffff, v35  }
0x67: {  	[tilespmem:v14+s21+$0x0] =	vst.idx.msk $0xffff, v41;
	v34 =	vadd.f32 v43, v34  }
0x68: {  	[tilespmem:v15+s21+$0x0] =	vst.idx.msk $0xffff, v33  }
0x69: {  	[tilespmem:v16+s21+$0x0] =	vst.idx.msk $0xffff, v34  }
0x6a: {  	v33 =	vld [tilespmem:$0x40]  }
0x6b: {  	v34 =	vld [tilespmem:$0xC0];
	_ =	sdelay $0x6  }
0x6c: {  	v35 =	vld.idx.msk [tilespmem:v33+s14+$0x0], $0xffff  }
0x6d: {  	v36 =	vld.idx.msk [tilespmem:v34+s14+$0x0], $0xffff  }
0x6e: {  	v44 =	vld.idx.msk [tilespmem:v33+s16+$0x0], $0xffff  }
0x6f: {  	v45 =	vld.idx.msk [tilespmem:v34+s16+$0x0], $0xffff  }
0x70: {  	v33 =	vld.idx.msk [tilespmem:v33+s17+$0x0], $0xffff  }
0x71: {  	v34 =	vld.idx.msk [tilespmem:v34+s17+$0x0], $0xffff;
	_ =	sdelay $0x2  }
0x72: {  	v35 =	vsub.f32 v35, v36;
	v46 =	vsub.f32 v44, v45;
	_ =	sdelay $0x1  }
0x73: {  	v33 =	vsub.f32 v33, v34;
	v47 =	vmul.f32 v35, v35;
	v37 =	vmul.f32 v46, v46;
	_ =	sdelay $0x1  }
0x74: {  	v48 =	vmul.f32 v33, v33;
	v34 =	vadd.f32 v37, v47  }
0x75: {  	[tilespmem:v17+s21+$0x0] =	vst.idx.msk $0xffff, v35  }
0x76: {  	[tilespmem:v18+s21+$0x0] =	vst.idx.msk $0xffff, v46;
	v34 =	vadd.f32 v48, v34  }
0x77: {  	[tilespmem:v19+s21+$0x0] =	vst.idx.msk $0xffff, v33  }
0x78: {  	[tilespmem:v20+s21+$0x0] =	vst.idx.msk $0xffff, v34  }
0x79: {  	v33 =	vld [tilespmem:$0x50]  }
0x7a: {  	v34 =	vld [tilespmem:$0xD0];
	_ =	sdelay $0x6  }
0x7b: {  	v35 =	vld.idx.msk [tilespmem:v33+s14+$0x0], $0xffff  }
0x7c: {  	v36 =	vld.idx.msk [tilespmem:v34+s14+$0x0], $0xffff  }
0x7d: {  	v49 =	vld.idx.msk [tilespmem:v33+s16+$0x0], $0xffff  }
0x7e: {  	v50 =	vld.idx.msk [tilespmem:v34+s16+$0x0], $0xffff  }
0x7f: {  	v33 =	vld.idx.msk [tilespmem:v33+s17+$0x0], $0xffff  }
0x80: {  	v34 =	vld.idx.msk [tilespmem:v34+s17+$0x0], $0xffff;
	_ =	sdelay $0x2  }
0x81: {  	v35 =	vsub.f32 v35, v36;
	v51 =	vsub.f32 v49, v50;
	_ =	sdelay $0x1  }
0x82: {  	v33 =	vsub.f32 v33, v34;
	v52 =	vmul.f32 v35, v35;
	v37 =	vmul.f32 v51, v51;
	_ =	sdelay $0x1  }
0x83: {  	v53 =	vmul.f32 v33, v33;
	v34 =	vadd.f32 v37, v52  }
0x84: {  	[tilespmem:v21+s21+$0x0] =	vst.idx.msk $0xffff, v35  }
0x85: {  	[tilespmem:v22+s21+$0x0] =	vst.idx.msk $0xffff, v51;
	v34 =	vadd.f32 v53, v34  }
0x86: {  	[tilespmem:v23+s21+$0x0] =	vst.idx.msk $0xffff, v33  }
0x87: {  	[tilespmem:v24+s21+$0x0] =	vst.idx.msk $0xffff, v34  }
0x88: {  	v33 =	vld [tilespmem:$0x60]  }
0x89: {  	v34 =	vld [tilespmem:$0xE0];
	_ =	sdelay $0x6  }
0x8a: {  	v35 =	vld.idx.msk [tilespmem:v33+s14+$0x0], $0xffff  }
0x8b: {  	v36 =	vld.idx.msk [tilespmem:v34+s14+$0x0], $0xffff  }
0x8c: {  	v54 =	vld.idx.msk [tilespmem:v33+s16+$0x0], $0xffff  }
0x8d: {  	v55 =	vld.idx.msk [tilespmem:v34+s16+$0x0], $0xffff  }
0x8e: {  	v33 =	vld.idx.msk [tilespmem:v33+s17+$0x0], $0xffff  }
0x8f: {  	v34 =	vld.idx.msk [tilespmem:v34+s17+$0x0], $0xffff;
	_ =	sdelay $0x2  }
0x90: {  	v35 =	vsub.f32 v35, v36;
	v56 =	vsub.f32 v54, v55;
	_ =	sdelay $0x1  }
0x91: {  	v33 =	vsub.f32 v33, v34;
	v57 =	vmul.f32 v35, v35;
	v37 =	vmul.f32 v56, v56;
	_ =	sdelay $0x1  }
0x92: {  	v58 =	vmul.f32 v33, v33;
	v34 =	vadd.f32 v37, v57  }
0x93: {  	[tilespmem:v25+s21+$0x0] =	vst.idx.msk $0xffff, v35  }
0x94: {  	[tilespmem:v26+s21+$0x0] =	vst.idx.msk $0xffff, v56;
	v34 =	vadd.f32 v58, v34  }
0x95: {  	[tilespmem:v27+s21+$0x0] =	vst.idx.msk $0xffff, v33  }
0x96: {  	[tilespmem:v28+s21+$0x0] =	vst.idx.msk $0xffff, v34  }
0x97: {  	v33 =	vld [tilespmem:$0x70]  }
0x98: {  	v34 =	vld [tilespmem:$0xF0];
	_ =	sdelay $0x6  }
0x99: {  	v35 =	vld.idx.msk [tilespmem:v33+s14+$0x0], $0xffff  }
0x9a: {  	v36 =	vld.idx.msk [tilespmem:v34+s14+$0x0], $0xffff  }
0x9b: {  	v59 =	vld.idx.msk [tilespmem:v33+s16+$0x0], $0xffff  }
0x9c: {  	v60 =	vld.idx.msk [tilespmem:v34+s16+$0x0], $0xffff  }
0x9d: {  	v33 =	vld.idx.msk [tilespmem:v33+s17+$0x0], $0xffff  }
0x9e: {  	v34 =	vld.idx.msk [tilespmem:v34+s17+$0x0], $0xffff;
	_ =	sdelay $0x2  }
0x9f: {  	v35 =	vsub.f32 v35, v36;
	v61 =	vsub.f32 v59, v60;
	_ =	sdelay $0x1  }
0xa0: {  	v33 =	vsub.f32 v33, v34;
	v62 =	vmul.f32 v35, v35;
	v37 =	vmul.f32 v61, v61;
	_ =	sdelay $0x1  }
0xa1: {  	v63 =	vmul.f32 v33, v33;
	v34 =	vadd.f32 v37, v62  }
0xa2: {  	[tilespmem:v29+s21+$0x0] =	vst.idx.msk $0xffff, v35  }
0xa3: {  	[tilespmem:v30+s21+$0x0] =	vst.idx.msk $0xffff, v61;
	v34 =	vadd.f32 v63, v34  }
0xa4: {  	[tilespmem:v31+s21+$0x0] =	vst.idx.msk $0xffff, v33  }
0xa5: {  	[tilespmem:v32+s21+$0x0] =	vst.idx.msk $0xffff, v34  }
0xa6: {  	_ =	swait.ge [sflag:s22], $0x4000  }
0xa7: {  	[sflag:s22] =	ssyncset.done $0x0  }
0xa8: {  	[sflag:s22] =	ssyncadd.s32 $0xFFFFC000  }
0xa9: {  	_ =	swait.ge [sflag:s23], $0x4000  }
0xaa: {  	[sflag:s23] =	ssyncset.done $0x0  }
0xab: {  	s29 =	sadd.s32 s25, s8;
	[sflag:s23] =	ssyncadd.s32 $0xFFFFC000  }
0xac: {  	[hbm4b:s29+s3] =	stream.linear.scatter [tilespmem:s19], [sflag:$0x3], $0x4000, $0x38;
	[tilespmem:$0x13900] =	vst v63  }
0xad: {  	_ =	swait.ge [sflag:s15], $0x4000  }
0xae: {  	[sflag:s15] =	ssyncset.done $0x0  }
0xaf: {  	s30 =	sadd.s32 s25, s9;
	[sflag:s15] =	ssyncadd.s32 $0xFFFFC000  }
0xb0: {  	[hbm4b:s30+s3] =	stream.linear.scatter [tilespmem:s20], [sflag:$0x3], $0x4000, $0x38;
	[tilespmem:$0x13900] =	vst v63  }
0xb1: {  	_ =	swait.ge [sflag:s15], $0x4000  }
0xb2: {  	p0 =	sne.s32 s25, $0x27800;
	[sflag:s15] =	ssyncset.done $0x0  }
.Ltmp1:
0xb3: {  	s31 =	sadd.s32 s25, s11;
	[sflag:s15] =	ssyncadd.s32 $0xFFFFC000;
	(pc) =	sbr.rel @p0 .LBB2_4-.Ltmp1, $4  }
0xb4: {  	[hbm4b:s31+s3] =	stream.linear.scatter [tilespmem:s21], [sflag:$0x3], $0x4000, $0x38;
	[tilespmem:$0x13900] =	vst v63  }
0xb5: {  	_ =	swait.ge [sflag:s15], $0x4000  }
0xb6: {  	s26 =	sadd.s32 $0x10, s26;
	[sflag:s15] =	ssyncset.done $0x0  }
0xb7: {  	s25 =	sadd.s32 $0x800, s25;
	s28 =	sadd.s32 $0x10, s28;
	[sflag:s15] =	ssyncadd.s32 $0xFFFFC000  }
0xb8: {  	s24 =	sadd.s32 $0x1, s24  }
0xb9: {  	p0 =	sne.s32 s24, s10  }
.Ltmp2:
0xba: {  	_ = 	snop;
	(pc) =	sbr.rel @p0 .LBB2_1-.Ltmp2, $1  }
0xbb: {  	_ =	sdelay $0x3  }
0xbc: {  	_ =	sfence.sel $0x180000  }
0xbd: {  	[bflag:$0x0] =	sbarrier.arrive $0xFFFF  }
0xbe: {  	p0 =	sne.s32 s2, $0x0;
	_ =	strace $0x90000047  }
0xbf: {  	s0 =	sadd.s32 @!p0 $0x100000, s0;
	[bflag:$0x2] =	sbarrier.arrive $0xFFFF  }
0xc0: {  	[sflag:s0] =	ssyncadd.tile.s32 @!p0 $0x1;
	_ =	shalt  }
.Lfunc_end2:
_tile_overlayer_lowered:
.L_overlay_start_2:
0xc1: {  	(tag) =	ssettag $0x2  }
0xc2: {  	s0 =	rddreg [dreg:$0x0];
	s2 =	stileid.u32  }
0xc3: {  	s1 =	rddreg [dreg:$0x1];
	p0 =	sne.s32 s2, $0x0  }
0xc4: {  	s3 =	rddreg [dreg:$0x2];
	[bflag:$0x3] =	sbarrier.arrive $0xFFFF;
	s2 =	simm.s32 @!p0 $0x1C03  }
0xc5: {  	[timem:s3], [sflag:s2] =	dma.local @!p0 [hbm:s0], s1  }
0xc6: {  	s0 =	simm.s32 @!p0 $0x3  }
0xc7: {  	_ =	swait.ge @!p0 [sflag:s0], s1  }
0xc8: {  	s1 =	ssub.s32 @!p0 $0x0, s1;
	[sflag:s0] =	ssyncset.done @!p0 $0x0  }
0xc9: {  	[sflag:s0] =	ssyncadd.s32 @!p0 s1  }
0xca: {  	[bflag:$0x3] =	sbarrier.arrive $0xFFFF  }
0xcb: {  	_ =	shalt  }

</sc_bundles>
